<compile_context>
chip_gen: v7x
topology: tpu7x:2x2x1
jax: 0.10.2.dev20260603
libtpu: 0.0.44.dev20260713+nightly
codegen_flags: <defaults>
</compile_context>

<pallas_src>
import functools

import jax
import jax.numpy as jnp
from jax import lax
from jax.experimental import pallas as pl
from jax.experimental.pallas import tpu as pltpu
from jax.experimental.pallas import tpu_sc as plsc

N = 10000
E = 320000
D = 128
L = 3
G = 128
MAXD = 20
BN_EPS = 1e-5
QS = 256.0
QINV = 1.0 / QS

NC = 2
NS = 16
NW = NC * NS
B = 200
NCHUNK = 50
NBUF = 5
NACC = N
RPS = 624

_mesh = plsc.VectorSubcoreMesh(core_axis_name="c", subcore_axis_name="s")


def _sc_aggregate_body(h_hbm, ei_hbm, out_hbm,
                       src_v, dst_v, *rest):
    rows = rest[:NBUF]
    acc = rest[NBUF]
    gsems = rest[NBUF + 1:NBUF + 1 + NBUF]
    ssems = rest[NBUF + 1 + NBUF:]
    c = lax.axis_index("c")
    s = lax.axis_index("s")
    wid = c * NS + s

    def zrow(r, carry):
        for k in range(D // 32):
            rows[0][r, pl.ds(32 * k, 32)] = jnp.zeros((32,), jnp.int16)
        return carry
    lax.fori_loop(0, B, zrow, 0)
    for k in range(RPS // B):
        pltpu.sync_copy(rows[0], acc.at[pl.ds(s * RPS + k * B, B)])
    pltpu.sync_copy(rows[0].at[pl.ds(0, RPS % B)],
                    acc.at[pl.ds(s * RPS + (RPS // B) * B, RPS % B)])
    @pl.when(s == NS - 1)
    def _():
        pltpu.sync_copy(rows[0].at[pl.ds(0, 16)], acc.at[pl.ds(NS * RPS, 16)])

    pltpu.sync_copy(ei_hbm.at[0, wid], src_v)
    pltpu.sync_copy(ei_hbm.at[1, wid], dst_v)
    plsc.subcore_barrier()

    def group(i, carry):
        j = NBUF * i
        ds = [pltpu.async_copy(h_hbm.at[src_v.at[j + k]], rows[k], gsems[k])
              for k in range(NBUF)]
        es = []
        for k in range(NBUF):
            ds[k].wait()
            es.append(pltpu.async_copy(rows[k], acc.at[dst_v.at[j + k]],
                                       ssems[k], add=True))
        for e in es:
            e.wait()
        return carry
    lax.fori_loop(0, NCHUNK // NBUF, group, 0)
    plsc.subcore_barrier()

    pltpu.sync_copy(acc.at[pl.ds(s * RPS, RPS)],
                    out_hbm.at[c, pl.ds(s * RPS, RPS)])
    @pl.when(s == NS - 1)
    def _():
        pltpu.sync_copy(acc.at[pl.ds(NS * RPS, 16)],
                        out_hbm.at[c, pl.ds(NS * RPS, 16)])


_sc_aggregate = pl.kernel(
    _sc_aggregate_body,
    out_type=jax.ShapeDtypeStruct((NC, N, D), jnp.int16),
    mesh=_mesh,
    scratch_types=(
        [pltpu.VMEM((NCHUNK, B), jnp.int32),
         pltpu.VMEM((NCHUNK, B), jnp.int32)]
        + [pltpu.VMEM((B, D), jnp.int16)] * NBUF
        + [pltpu.VMEM_SHARED((NACC, D), jnp.int16)]
        + [pltpu.SemaphoreType.DMA] * (2 * NBUF)
    ),
    compiler_params=pltpu.CompilerParams(use_tc_tiling_on_sc=False),
)


RB = 2000


def _enc_body(feat_ref, depth_ref, w_ref, b_ref, demb_ref, out_ref):
    d = jnp.clip(depth_ref[...], 0, MAXD - 1)
    oh = (d == lax.broadcasted_iota(jnp.int32, (RB, 128), 1)).astype(jnp.float32)
    h = jnp.dot(feat_ref[...], w_ref[...], preferred_element_type=jnp.float32)
    h = h + b_ref[...]
    h = h + jnp.dot(oh, demb_ref[...], preferred_element_type=jnp.float32)
    out_ref[...] = jnp.floor(h * QS + 0.5).astype(jnp.int16)


def _encoder(feat, depth2, w, b2, demb_pad):
    return pl.pallas_call(
        _enc_body,
        grid=(N // RB,),
        in_specs=[
            pl.BlockSpec((RB, D), lambda i: (i, 0)),
            pl.BlockSpec((RB, 1), lambda i: (i, 0)),
            pl.BlockSpec((D, D), lambda i: (0, 0)),
            pl.BlockSpec((1, D), lambda i: (0, 0)),
            pl.BlockSpec((128, D), lambda i: (0, 0)),
        ],
        out_specs=pl.BlockSpec((RB, D), lambda i: (i, 0)),
        out_shape=jax.ShapeDtypeStruct((N, D), jnp.int16),
    )(feat, depth2, w, b2, demb_pad)


def _bn_core(h_ref, a_ref, eps_ref, g_ref, bt_ref):
    h2 = (h_ref[...].astype(jnp.float32) * (1.0 + eps_ref[0, 0])
          + a_ref[0].astype(jnp.float32)
          + a_ref[1].astype(jnp.float32)) * QINV
    mean = jnp.mean(h2, axis=0, keepdims=True)
    var = jnp.mean(h2 * h2, axis=0, keepdims=True) - mean * mean
    return (h2 - mean) * lax.rsqrt(var + BN_EPS) * g_ref[...] + bt_ref[...]


def _bn_body(h_ref, a_ref, eps_ref, g_ref, bt_ref, out_ref):
    y = _bn_core(h_ref, a_ref, eps_ref, g_ref, bt_ref)
    out_ref[...] = jnp.floor(jnp.maximum(y, 0.0) * QS + 0.5).astype(jnp.int16)


def _bn(h, parts, eps_l, g2, bt2):
    return pl.pallas_call(
        _bn_body,
        in_specs=[
            pl.BlockSpec((N, D), lambda: (0, 0)),
            pl.BlockSpec((NC, N, D), lambda: (0, 0, 0)),
            pl.BlockSpec((1, 1), lambda: (0, 0)),
            pl.BlockSpec((1, D), lambda: (0, 0)),
            pl.BlockSpec((1, D), lambda: (0, 0)),
        ],
        out_specs=pl.BlockSpec((N, D), lambda: (0, 0)),
        out_shape=jax.ShapeDtypeStruct((N, D), jnp.int16),
    )(h, parts, eps_l, g2, bt2)


def _bn_pool_body(h_ref, a_ref, eps_ref, g_ref, bt_ref, gid_ref, out_ref):
    y = _bn_core(h_ref, a_ref, eps_ref, g_ref, bt_ref)
    oh = (gid_ref[...] == lax.broadcasted_iota(jnp.int32, (N, G), 1)).astype(jnp.float32)
    out_ref[...] = lax.dot_general(oh, y, (((0,), (0,)), ((), ())),
                                   preferred_element_type=jnp.float32)


def _bn_pool(h, parts, eps_l, g2, bt2, gid2):
    return pl.pallas_call(
        _bn_pool_body,
        in_specs=[
            pl.BlockSpec((N, D), lambda: (0, 0)),
            pl.BlockSpec((NC, N, D), lambda: (0, 0, 0)),
            pl.BlockSpec((1, 1), lambda: (0, 0)),
            pl.BlockSpec((1, D), lambda: (0, 0)),
            pl.BlockSpec((1, D), lambda: (0, 0)),
            pl.BlockSpec((N, 1), lambda: (0, 0)),
        ],
        out_specs=pl.BlockSpec((G, D), lambda: (0, 0)),
        out_shape=jax.ShapeDtypeStruct((G, D), jnp.float32),
    )(h, parts, eps_l, g2, bt2, gid2)


def kernel(feat, depth, edge_index, graph_ids, W_enc, b_enc, depth_emb,
           eps, gammas, betas):
    depth2 = depth.reshape(N, 1).astype(jnp.int32)
    demb_pad = jnp.zeros((128, D), jnp.float32).at[:MAXD].set(depth_emb)
    b2 = b_enc.reshape(1, D)
    gid2 = graph_ids.reshape(N, 1).astype(jnp.int32)
    ei4 = edge_index.reshape(2, NW, NCHUNK, B).astype(jnp.int32)

    h = _encoder(feat, depth2, W_enc, b2, demb_pad)
    out = None
    for layer in range(L):
        parts = _sc_aggregate(h, ei4)
        eps_l = eps[layer].reshape(1, 1)
        g2 = gammas[layer].reshape(1, D)
        bt2 = betas[layer].reshape(1, D)
        if layer < L - 1:
            h = _bn(h, parts, eps_l, g2, bt2)
        else:
            out = _bn_pool(h, parts, eps_l, g2, bt2, gid2)
    return out

# --- scband reference (transcript-rebuilt; emitter-appended) ---
"""Pipeline reference for scband-gnn-62216896250118 (READ-ONLY COPY).

The authoritative reference and input builder live on the scoring server;
editing this copy changes nothing except your own understanding.
"""

import jax, jax.numpy as jnp
import numpy as np

N = 10000      # nodes
E = 320000     # edges
D = 128        # emb_dim / feat dim
L = 3          # num_layer
G = 128        # graphs in batch
MAXD = 20      # max depth for depth embedding
BN_EPS = 1e-5


def setup_inputs(seed: int = 0) -> dict:
    key = jax.random.key(seed)
    ks = jax.random.split(key, 8)
    feat = jax.random.normal(ks[0], (N, D), dtype=jnp.float32)
    depth = jax.random.randint(ks[1], (N,), 0, MAXD)
    edge_index = jax.random.randint(ks[2], (2, E), 0, N)
    graph_ids = jnp.sort(jax.random.randint(ks[3], (N,), 0, G))
    # node_encoder params: linear projection of feat + depth embedding table
    W_enc = jax.random.normal(ks[4], (D, D), dtype=jnp.float32) * 0.05
    b_enc = jnp.zeros((D,), dtype=jnp.float32)
    depth_emb = jax.random.normal(ks[5], (MAXD, D), dtype=jnp.float32) * 0.05
    # per-layer GIN eps and batchnorm affine params
    eps = jnp.zeros((L,), dtype=jnp.float32)
    gammas = jnp.ones((L, D), dtype=jnp.float32)
    betas = jnp.zeros((L, D), dtype=jnp.float32)
    return {
        'feat': feat, 'depth': depth, 'edge_index': edge_index,
        'graph_ids': graph_ids, 'W_enc': W_enc, 'b_enc': b_enc,
        'depth_emb': depth_emb, 'eps': eps, 'gammas': gammas, 'betas': betas,
    }


def reference(feat, depth, edge_index, graph_ids, W_enc, b_enc, depth_emb, eps, gammas, betas):
    # node_encoder: linear(feat) + depth embedding lookup
    d = jnp.clip(depth, 0, MAXD - 1)
    h = feat @ W_enc + b_enc + jnp.take(depth_emb, d, axis=0)
    src = edge_index[0]
    dst = edge_index[1]
    for layer in range(L):
        # GINConv(apply_func=None, aggregator='sum'): (1+eps)*h_dst + sum_neighbors h_src
        msgs = jnp.take(h, src, axis=0)
        agg = jax.ops.segment_sum(msgs, dst, num_segments=N)
        h2 = (1.0 + eps[layer]) * h + agg
        # BatchNorm1d (batch statistics, deterministic)
        mean = jnp.mean(h2, axis=0)
        var = jnp.var(h2, axis=0)
        h2 = (h2 - mean) / jnp.sqrt(var + BN_EPS) * gammas[layer] + betas[layer]
        # dropout with drop_ratio=0.0 is identity; relu on all but last layer
        if layer < L - 1:
            h2 = jax.nn.relu(h2)
        h = h2
    # JK='last' then sum-pool per graph
    graphs_representation = jax.ops.segment_sum(h, graph_ids, num_segments=G)
    return graphs_representation

if __name__ == "__main__":
    import jax
    _d = setup_inputs()
    print(jax.jit(kernel)(*tuple(_d.values())))

</pallas_src>

<mosaic_0001>
#map = affine_map<(d0, d1) -> (0, 0)>
#map1 = affine_map<(d0, d1) -> (0, 0, 0, 0)>
#map2 = affine_map<(d0, d1) -> (0, 0, 0)>
module attributes {stable_mosaic.version = 14 : i64} {
  func.func @_sc_aggregate_body(%arg0: i32, %arg1: i32, %arg2: memref<10000x128xi16, #tpu.memory_space<hbm>>, %arg3: memref<2x32x50x200xi32, #tpu.memory_space<hbm>>, %arg4: memref<2x10000x128xi16, #tpu.memory_space<hbm>>, %arg5: memref<50x200xi32, #tpu.memory_space<vmem>>, %arg6: memref<50x200xi32, #tpu.memory_space<vmem>>, %arg7: memref<200x128xi16, #tpu.memory_space<vmem>>, %arg8: memref<200x128xi16, #tpu.memory_space<vmem>>, %arg9: memref<200x128xi16, #tpu.memory_space<vmem>>, %arg10: memref<200x128xi16, #tpu.memory_space<vmem>>, %arg11: memref<200x128xi16, #tpu.memory_space<vmem>>, %arg12: memref<10000x128xi16, #tpu.memory_space<vmem_shared>>, %arg13: memref<!tpu.dma_semaphore, #tpu.memory_space<semaphore_mem>>, %arg14: memref<!tpu.dma_semaphore, #tpu.memory_space<semaphore_mem>>, %arg15: memref<!tpu.dma_semaphore, #tpu.memory_space<semaphore_mem>>, %arg16: memref<!tpu.dma_semaphore, #tpu.memory_space<semaphore_mem>>, %arg17: memref<!tpu.dma_semaphore, #tpu.memory_space<semaphore_mem>>, %arg18: memref<!tpu.dma_semaphore, #tpu.memory_space<semaphore_mem>>, %arg19: memref<!tpu.dma_semaphore, #tpu.memory_space<semaphore_mem>>, %arg20: memref<!tpu.dma_semaphore, #tpu.memory_space<semaphore_mem>>, %arg21: memref<!tpu.dma_semaphore, #tpu.memory_space<semaphore_mem>>, %arg22: memref<!tpu.dma_semaphore, #tpu.memory_space<semaphore_mem>>) attributes {dimension_semantics = [#tpu.dimension_semantics<core_parallel>, #tpu.dimension_semantics<subcore_parallel>], iteration_bounds = array<i64: 2, 16>, scalar_prefetch = 0 : i64, scratch_operands = 18 : i64, tpu.core_type = #tpu.core_type<sc_vector_subcore>, window_params = [{transform_indices = #map}, {transform_indices = #map1}, {transform_indices = #map2}]} {
    %mul3A = arith.constant 16 : i32
    %mul3A_0 = arith.muli %arg0, %mul3A : i32
    %add3A = arith.addi %mul3A_0, %arg1 : i32
    %scan3A = arith.constant 0 : i32
    %scan3A_1 = arith.constant 0 : i32
    %scan3A_2 = arith.constant 200 : i32
    %scan3A_3 = arith.addi %scan3A_1, %scan3A_2 : i32
    %scan3A_4 = arith.constant 1 : i32
    scf.for %scan3A_41 = %scan3A_1 to %scan3A_3 step %scan3A_4  : i32 {
      %broadcast_in_dim3A = arith.constant 0 : i16
      %broadcast_in_dim3A_42 = vector.broadcast %broadcast_in_dim3A : i16 to vector<32xi16>
      %swap3A = arith.index_cast %scan3A_41 : i32 to index
      %swap3A_43 = arith.constant 0 : index
      %swap3A_44 = tpu.vector_load %arg7[%swap3A, %swap3A_43] {strides = array<i32>} : memref<200x128xi16, #tpu.memory_space<vmem>>, vector<1x32xi16>,
      %swap3A_45 = vector.shape_cast %swap3A_44 : vector<1x32xi16> to vector<32xi16>
      %swap3A_46 = vector.shape_cast %broadcast_in_dim3A_42 : vector<32xi16> to vector<1x32xi16>
      tpu.vector_store %arg7[%swap3A, %swap3A_43], %swap3A_46 {strides = array<i32>} : memref<200x128xi16, #tpu.memory_space<vmem>>, vector<1x32xi16>,
      %broadcast_in_dim3A_47 = arith.constant 0 : i16
      %broadcast_in_dim3A_48 = vector.broadcast %broadcast_in_dim3A_47 : i16 to vector<32xi16>
      %swap3A_49 = arith.index_cast %scan3A_41 : i32 to index
      %swap3A_50 = arith.constant 32 : index
      %swap3A_51 = tpu.vector_load %arg7[%swap3A_49, %swap3A_50] {strides = array<i32>} : memref<200x128xi16, #tpu.memory_space<vmem>>, vector<1x32xi16>,
      %swap3A_52 = vector.shape_cast %swap3A_51 : vector<1x32xi16> to vector<32xi16>
      %swap3A_53 = vector.shape_cast %broadcast_in_dim3A_48 : vector<32xi16> to vector<1x32xi16>
      tpu.vector_store %arg7[%swap3A_49, %swap3A_50], %swap3A_53 {strides = array<i32>} : memref<200x128xi16, #tpu.memory_space<vmem>>, vector<1x32xi16>,
      %broadcast_in_dim3A_54 = arith.constant 0 : i16
      %broadcast_in_dim3A_55 = vector.broadcast %broadcast_in_dim3A_54 : i16 to vector<32xi16>
      %swap3A_56 = arith.index_cast %scan3A_41 : i32 to index
      %swap3A_57 = arith.constant 64 : index
      %swap3A_58 = tpu.vector_load %arg7[%swap3A_56, %swap3A_57] {strides = array<i32>} : memref<200x128xi16, #tpu.memory_space<vmem>>, vector<1x32xi16>,
      %swap3A_59 = vector.shape_cast %swap3A_58 : vector<1x32xi16> to vector<32xi16>
      %swap3A_60 = vector.shape_cast %broadcast_in_dim3A_55 : vector<32xi16> to vector<1x32xi16>
      tpu.vector_store %arg7[%swap3A_56, %swap3A_57], %swap3A_60 {strides = array<i32>} : memref<200x128xi16, #tpu.memory_space<vmem>>, vector<1x32xi16>,
      %broadcast_in_dim3A_61 = arith.constant 0 : i16
      %broadcast_in_dim3A_62 = vector.broadcast %broadcast_in_dim3A_61 : i16 to vector<32xi16>
      %swap3A_63 = arith.index_cast %scan3A_41 : i32 to index
      %swap3A_64 = arith.constant 96 : index
      %swap3A_65 = tpu.vector_load %arg7[%swap3A_63, %swap3A_64] {strides = array<i32>} : memref<200x128xi16, #tpu.memory_space<vmem>>, vector<1x32xi16>,
      %swap3A_66 = vector.shape_cast %swap3A_65 : vector<1x32xi16> to vector<32xi16>
      %swap3A_67 = vector.shape_cast %broadcast_in_dim3A_62 : vector<32xi16> to vector<1x32xi16>
      tpu.vector_store %arg7[%swap3A_63, %swap3A_64], %swap3A_67 {strides = array<i32>} : memref<200x128xi16, #tpu.memory_space<vmem>>, vector<1x32xi16>,
    }
    %scan3A_5 = arith.constant 200 : i32
    %mul3A_6 = arith.constant 624 : i32
    %mul3A_7 = arith.muli %arg1, %mul3A_6 : i32
    %add3A_8 = arith.constant 0 : i32
    %add3A_9 = arith.addi %mul3A_7, %add3A_8 : i32
    "tpu.region"() ({
      %run_scoped3A_41 = tpu.sem_alloc : memref<!tpu.dma_semaphore, #tpu.memory_space<semaphore_mem>>
      %dma_start3A = arith.constant 0 : i32
      %dma_start3A_42 = tpu.memref_slice %arg12[%add3A_9, %dma_start3A] : memref<10000x128xi16, #tpu.memory_space<vmem_shared>> -> memref<200x128xi16, #tpu.memory_space<vmem_shared>>
      %dma_start3A_43 = arith.constant 0 : i32
      %dma_start3A_44 = tpu.memref_slice %arg12[%add3A_9, %dma_start3A_43] : memref<10000x128xi16, #tpu.memory_space<vmem_shared>> -> memref<200x128xi16, #tpu.memory_space<vmem_shared>>
      tpu.enqueue_dma source(%arg7 : memref<200x128xi16, #tpu.memory_space<vmem>>) target(%dma_start3A_44 : memref<200x128xi16, #tpu.memory_space<vmem_shared>>) target_semaphore(%run_scoped3A_41 : memref<!tpu.dma_semaphore, #tpu.memory_space<semaphore_mem>>)
      %dma_wait3A = arith.constant 0 : i32
      %dma_wait3A_45 = tpu.memref_slice %arg12[%add3A_9, %dma_wait3A] : memref<10000x128xi16, #tpu.memory_space<vmem_shared>> -> memref<200x128xi16, #tpu.memory_space<vmem_shared>>
      %dma_wait3A_46 = arith.constant 0 : i32
      %dma_wait3A_47 = tpu.memref_slice %arg12[%add3A_9, %dma_wait3A_46] : memref<10000x128xi16, #tpu.memory_space<vmem_shared>> -> memref<200x128xi16, #tpu.memory_space<vmem_shared>>
      tpu.wait_dma2 semaphore(%run_scoped3A_41 : memref<!tpu.dma_semaphore, #tpu.memory_space<semaphore_mem>>) src(%arg7 : memref<200x128xi16, #tpu.memory_space<vmem>>) dst(%dma_wait3A_47 : memref<200x128xi16, #tpu.memory_space<vmem_shared>>)
      tpu.yield
    }) : () -> ()
    %mul3A_10 = arith.constant 624 : i32
    %mul3A_11 = arith.muli %arg1, %mul3A_10 : i32
    %add3A_12 = arith.constant 200 : i32
    %add3A_13 = arith.addi %mul3A_11, %add3A_12 : i32
    "tpu.region"() ({
      %run_scoped3A_41 = tpu.sem_alloc : memref<!tpu.dma_semaphore, #tpu.memory_space<semaphore_mem>>
      %dma_start3A = arith.constant 0 : i32
      %dma_start3A_42 = tpu.memref_slice %arg12[%add3A_13, %dma_start3A] : memref<10000x128xi16, #tpu.memory_space<vmem_shared>> -> memref<200x128xi16, #tpu.memory_space<vmem_shared>>
      %dma_start3A_43 = arith.constant 0 : i32
      %dma_start3A_44 = tpu.memref_slice %arg12[%add3A_13, %dma_start3A_43] : memref<10000x128xi16, #tpu.memory_space<vmem_shared>> -> memref<200x128xi16, #tpu.memory_space<vmem_shared>>
      tpu.enqueue_dma source(%arg7 : memref<200x128xi16, #tpu.memory_space<vmem>>) target(%dma_start3A_44 : memref<200x128xi16, #tpu.memory_space<vmem_shared>>) target_semaphore(%run_scoped3A_41 : memref<!tpu.dma_semaphore, #tpu.memory_space<semaphore_mem>>)
      %dma_wait3A = arith.constant 0 : i32
      %dma_wait3A_45 = tpu.memref_slice %arg12[%add3A_13, %dma_wait3A] : memref<10000x128xi16, #tpu.memory_space<vmem_shared>> -> memref<200x128xi16, #tpu.memory_space<vmem_shared>>
      %dma_wait3A_46 = arith.constant 0 : i32
      %dma_wait3A_47 = tpu.memref_slice %arg12[%add3A_13, %dma_wait3A_46] : memref<10000x128xi16, #tpu.memory_space<vmem_shared>> -> memref<200x128xi16, #tpu.memory_space<vmem_shared>>
      tpu.wait_dma2 semaphore(%run_scoped3A_41 : memref<!tpu.dma_semaphore, #tpu.memory_space<semaphore_mem>>) src(%arg7 : memref<200x128xi16, #tpu.memory_space<vmem>>) dst(%dma_wait3A_47 : memref<200x128xi16, #tpu.memory_space<vmem_shared>>)
      tpu.yield
    }) : () -> ()
    %mul3A_14 = arith.constant 624 : i32
    %mul3A_15 = arith.muli %arg1, %mul3A_14 : i32
    %add3A_16 = arith.constant 400 : i32
    %add3A_17 = arith.addi %mul3A_15, %add3A_16 : i32
    "tpu.region"() ({
      %run_scoped3A_41 = tpu.sem_alloc : memref<!tpu.dma_semaphore, #tpu.memory_space<semaphore_mem>>
      %dma_start3A = arith.constant 0 : i32
      %dma_start3A_42 = tpu.memref_slice %arg12[%add3A_17, %dma_start3A] : memref<10000x128xi16, #tpu.memory_space<vmem_shared>> -> memref<200x128xi16, #tpu.memory_space<vmem_shared>>
      %dma_start3A_43 = arith.constant 0 : i32
      %dma_start3A_44 = tpu.memref_slice %arg12[%add3A_17, %dma_start3A_43] : memref<10000x128xi16, #tpu.memory_space<vmem_shared>> -> memref<200x128xi16, #tpu.memory_space<vmem_shared>>
      tpu.enqueue_dma source(%arg7 : memref<200x128xi16, #tpu.memory_space<vmem>>) target(%dma_start3A_44 : memref<200x128xi16, #tpu.memory_space<vmem_shared>>) target_semaphore(%run_scoped3A_41 : memref<!tpu.dma_semaphore, #tpu.memory_space<semaphore_mem>>)
      %dma_wait3A = arith.constant 0 : i32
      %dma_wait3A_45 = tpu.memref_slice %arg12[%add3A_17, %dma_wait3A] : memref<10000x128xi16, #tpu.memory_space<vmem_shared>> -> memref<200x128xi16, #tpu.memory_space<vmem_shared>>
      %dma_wait3A_46 = arith.constant 0 : i32
      %dma_wait3A_47 = tpu.memref_slice %arg12[%add3A_17, %dma_wait3A_46] : memref<10000x128xi16, #tpu.memory_space<vmem_shared>> -> memref<200x128xi16, #tpu.memory_space<vmem_shared>>
      tpu.wait_dma2 semaphore(%run_scoped3A_41 : memref<!tpu.dma_semaphore, #tpu.memory_space<semaphore_mem>>) src(%arg7 : memref<200x128xi16, #tpu.memory_space<vmem>>) dst(%dma_wait3A_47 : memref<200x128xi16, #tpu.memory_space<vmem_shared>>)
      tpu.yield
    }) : () -> ()
    %mul3A_18 = arith.constant 624 : i32
    %mul3A_19 = arith.muli %arg1, %mul3A_18 : i32
    %add3A_20 = arith.constant 600 : i32
    %add3A_21 = arith.addi %mul3A_19, %add3A_20 : i32
    "tpu.region"() ({
      %run_scoped3A_41 = tpu.sem_alloc : memref<!tpu.dma_semaphore, #tpu.memory_space<semaphore_mem>>
      %dma_start3A = arith.constant 0 : i32
      %dma_start3A_42 = arith.constant 0 : i32
      %dma_start3A_43 = tpu.memref_slice %arg7[%dma_start3A, %dma_start3A_42] : memref<200x128xi16, #tpu.memory_space<vmem>> -> memref<24x128xi16, #tpu.memory_space<vmem>>
      %dma_start3A_44 = arith.constant 0 : i32
      %dma_start3A_45 = tpu.memref_slice %arg12[%add3A_21, %dma_start3A_44] : memref<10000x128xi16, #tpu.memory_space<vmem_shared>> -> memref<24x128xi16, #tpu.memory_space<vmem_shared>>
      %dma_start3A_46 = arith.constant 0 : i32
      %dma_start3A_47 = tpu.memref_slice %arg12[%add3A_21, %dma_start3A_46] : memref<10000x128xi16, #tpu.memory_space<vmem_shared>> -> memref<24x128xi16, #tpu.memory_space<vmem_shared>>
      %dma_start3A_48 = arith.constant 0 : i32
      %dma_start3A_49 = arith.constant 0 : i32
      %dma_start3A_50 = tpu.memref_slice %arg7[%dma_start3A_48, %dma_start3A_49] : memref<200x128xi16, #tpu.memory_space<vmem>> -> memref<24x128xi16, #tpu.memory_space<vmem>>
      tpu.enqueue_dma source(%dma_start3A_50 : memref<24x128xi16, #tpu.memory_space<vmem>>) target(%dma_start3A_47 : memref<24x128xi16, #tpu.memory_space<vmem_shared>>) target_semaphore(%run_scoped3A_41 : memref<!tpu.dma_semaphore, #tpu.memory_space<semaphore_mem>>)
      %dma_wait3A = arith.constant 0 : i32
      %dma_wait3A_51 = arith.constant 0 : i32
      %dma_wait3A_52 = tpu.memref_slice %arg7[%dma_wait3A, %dma_wait3A_51] : memref<200x128xi16, #tpu.memory_space<vmem>> -> memref<24x128xi16, #tpu.memory_space<vmem>>
      %dma_wait3A_53 = arith.constant 0 : i32
      %dma_wait3A_54 = tpu.memref_slice %arg12[%add3A_21, %dma_wait3A_53] : memref<10000x128xi16, #tpu.memory_space<vmem_shared>> -> memref<24x128xi16, #tpu.memory_space<vmem_shared>>
      %dma_wait3A_55 = arith.constant 0 : i32
      %dma_wait3A_56 = tpu.memref_slice %arg12[%add3A_21, %dma_wait3A_55] : memref<10000x128xi16, #tpu.memory_space<vmem_shared>> -> memref<24x128xi16, #tpu.memory_space<vmem_shared>>
      %dma_wait3A_57 = arith.constant 0 : i32
      %dma_wait3A_58 = arith.constant 0 : i32
      %dma_wait3A_59 = tpu.memref_slice %arg7[%dma_wait3A_57, %dma_wait3A_58] : memref<200x128xi16, #tpu.memory_space<vmem>> -> memref<24x128xi16, #tpu.memory_space<vmem>>
      tpu.wait_dma2 semaphore(%run_scoped3A_41 : memref<!tpu.dma_semaphore, #tpu.memory_space<semaphore_mem>>) src(%dma_wait3A_59 : memref<24x128xi16, #tpu.memory_space<vmem>>) dst(%dma_wait3A_56 : memref<24x128xi16, #tpu.memory_space<vmem_shared>>)
      tpu.yield
    }) : () -> ()
    %eq3A = arith.constant 15 : i32
    %eq3A_22 = arith.cmpi eq, %arg1, %eq3A : i32
    %convert_element_type3A = arith.extui %eq3A_22 : i1 to i32
    %cond3A = arith.constant 0 : i32
    %cond3A_23 = arith.cmpi ne, %convert_element_type3A, %cond3A : i32
    scf.if %cond3A_23 {
      "tpu.region"() ({
        %run_scoped3A_41 = tpu.sem_alloc : memref<!tpu.dma_semaphore, #tpu.memory_space<semaphore_mem>>
        %dma_start3A = arith.constant 0 : i32
        %dma_start3A_42 = arith.constant 0 : i32
        %dma_start3A_43 = tpu.memref_slice %arg7[%dma_start3A, %dma_start3A_42] : memref<200x128xi16, #tpu.memory_space<vmem>> -> memref<16x128xi16, #tpu.memory_space<vmem>>
        %dma_start3A_44 = arith.constant 9984 : i32
        %dma_start3A_45 = arith.constant 0 : i32
        %dma_start3A_46 = tpu.memref_slice %arg12[%dma_start3A_44, %dma_start3A_45] : memref<10000x128xi16, #tpu.memory_space<vmem_shared>> -> memref<16x128xi16, #tpu.memory_space<vmem_shared>>
        %dma_start3A_47 = arith.constant 9984 : i32
        %dma_start3A_48 = arith.constant 0 : i32
        %dma_start3A_49 = tpu.memref_slice %arg12[%dma_start3A_47, %dma_start3A_48] : memref<10000x128xi16, #tpu.memory_space<vmem_shared>> -> memref<16x128xi16, #tpu.memory_space<vmem_shared>>
        %dma_start3A_50 = arith.constant 0 : i32
        %dma_start3A_51 = arith.constant 0 : i32
        %dma_start3A_52 = tpu.memref_slice %arg7[%dma_start3A_50, %dma_start3A_51] : memref<200x128xi16, #tpu.memory_space<vmem>> -> memref<16x128xi16, #tpu.memory_space<vmem>>
        tpu.enqueue_dma source(%dma_start3A_52 : memref<16x128xi16, #tpu.memory_space<vmem>>) target(%dma_start3A_49 : memref<16x128xi16, #tpu.memory_space<vmem_shared>>) target_semaphore(%run_scoped3A_41 : memref<!tpu.dma_semaphore, #tpu.memory_space<semaphore_mem>>)
        %dma_wait3A = arith.constant 0 : i32
        %dma_wait3A_53 = arith.constant 0 : i32
        %dma_wait3A_54 = tpu.memref_slice %arg7[%dma_wait3A, %dma_wait3A_53] : memref<200x128xi16, #tpu.memory_space<vmem>> -> memref<16x128xi16, #tpu.memory_space<vmem>>
        %dma_wait3A_55 = arith.constant 9984 : i32
        %dma_wait3A_56 = arith.constant 0 : i32
        %dma_wait3A_57 = tpu.memref_slice %arg12[%dma_wait3A_55, %dma_wait3A_56] : memref<10000x128xi16, #tpu.memory_space<vmem_shared>> -> memref<16x128xi16, #tpu.memory_space<vmem_shared>>
        %dma_wait3A_58 = arith.constant 9984 : i32
        %dma_wait3A_59 = arith.constant 0 : i32
        %dma_wait3A_60 = tpu.memref_slice %arg12[%dma_wait3A_58, %dma_wait3A_59] : memref<10000x128xi16, #tpu.memory_space<vmem_shared>> -> memref<16x128xi16, #tpu.memory_space<vmem_shared>>
        %dma_wait3A_61 = arith.constant 0 : i32
        %dma_wait3A_62 = arith.constant 0 : i32
        %dma_wait3A_63 = tpu.memref_slice %arg7[%dma_wait3A_61, %dma_wait3A_62] : memref<200x128xi16, #tpu.memory_space<vmem>> -> memref<16x128xi16, #tpu.memory_space<vmem>>
        tpu.wait_dma2 semaphore(%run_scoped3A_41 : memref<!tpu.dma_semaphore, #tpu.memory_space<semaphore_mem>>) src(%dma_wait3A_63 : memref<16x128xi16, #tpu.memory_space<vmem>>) dst(%dma_wait3A_60 : memref<16x128xi16, #tpu.memory_space<vmem_shared>>)
        tpu.yield
      }) : () -> ()
    } else {
    }
    %run_scoped3A = arith.constant 0 : i32
    "tpu.region"() ({
      %run_scoped3A_41 = tpu.sem_alloc : memref<!tpu.dma_semaphore, #tpu.memory_space<semaphore_mem>>
      %dma_start3A = arith.constant 0 : i32
      %dma_start3A_42 = arith.constant 0 : i32
      %dma_start3A_43 = tpu.memref_slice %arg3[%run_scoped3A, %add3A, %dma_start3A, %dma_start3A_42] : memref<2x32x50x200xi32, #tpu.memory_space<hbm>> -> memref<1x1x50x200xi32, #tpu.memory_space<hbm>>
      %dma_start3A_44 = tpu.memref_squeeze %dma_start3A_43 : memref<1x1x50x200xi32, #tpu.memory_space<hbm>> -> memref<50x200xi32, #tpu.memory_space<hbm>>
      %dma_start3A_45 = arith.constant 0 : i32
      %dma_start3A_46 = arith.constant 0 : i32
      %dma_start3A_47 = tpu.memref_slice %arg3[%run_scoped3A, %add3A, %dma_start3A_45, %dma_start3A_46] : memref<2x32x50x200xi32, #tpu.memory_space<hbm>> -> memref<1x1x50x200xi32, #tpu.memory_space<hbm>>
      %dma_start3A_48 = tpu.memref_squeeze %dma_start3A_47 : memref<1x1x50x200xi32, #tpu.memory_space<hbm>> -> memref<50x200xi32, #tpu.memory_space<hbm>>
      tpu.enqueue_dma source(%dma_start3A_48 : memref<50x200xi32, #tpu.memory_space<hbm>>) target(%arg5 : memref<50x200xi32, #tpu.memory_space<vmem>>) target_semaphore(%run_scoped3A_41 : memref<!tpu.dma_semaphore, #tpu.memory_space<semaphore_mem>>)
      %dma_wait3A = arith.constant 0 : i32
      %dma_wait3A_49 = arith.constant 0 : i32
      %dma_wait3A_50 = tpu.memref_slice %arg3[%run_scoped3A, %add3A, %dma_wait3A, %dma_wait3A_49] : memref<2x32x50x200xi32, #tpu.memory_space<hbm>> -> memref<1x1x50x200xi32, #tpu.memory_space<hbm>>
      %dma_wait3A_51 = tpu.memref_squeeze %dma_wait3A_50 : memref<1x1x50x200xi32, #tpu.memory_space<hbm>> -> memref<50x200xi32, #tpu.memory_space<hbm>>
      %dma_wait3A_52 = arith.constant 0 : i32
      %dma_wait3A_53 = arith.constant 0 : i32
      %dma_wait3A_54 = tpu.memref_slice %arg3[%run_scoped3A, %add3A, %dma_wait3A_52, %dma_wait3A_53] : memref<2x32x50x200xi32, #tpu.memory_space<hbm>> -> memref<1x1x50x200xi32, #tpu.memory_space<hbm>>
      %dma_wait3A_55 = tpu.memref_squeeze %dma_wait3A_54 : memref<1x1x50x200xi32, #tpu.memory_space<hbm>> -> memref<50x200xi32, #tpu.memory_space<hbm>>
      tpu.wait_dma2 semaphore(%run_scoped3A_41 : memref<!tpu.dma_semaphore, #tpu.memory_space<semaphore_mem>>) src(%dma_wait3A_55 : memref<50x200xi32, #tpu.memory_space<hbm>>) dst(%arg5 : memref<50x200xi32, #tpu.memory_space<vmem>>)
      tpu.yield
    }) : () -> ()
    %run_scoped3A_24 = arith.constant 1 : i32
    "tpu.region"() ({
      %run_scoped3A_41 = tpu.sem_alloc : memref<!tpu.dma_semaphore, #tpu.memory_space<semaphore_mem>>
      %dma_start3A = arith.constant 0 : i32
      %dma_start3A_42 = arith.constant 0 : i32
      %dma_start3A_43 = tpu.memref_slice %arg3[%run_scoped3A_24, %add3A, %dma_start3A, %dma_start3A_42] : memref<2x32x50x200xi32, #tpu.memory_space<hbm>> -> memref<1x1x50x200xi32, #tpu.memory_space<hbm>>
      %dma_start3A_44 = tpu.memref_squeeze %dma_start3A_43 : memref<1x1x50x200xi32, #tpu.memory_space<hbm>> -> memref<50x200xi32, #tpu.memory_space<hbm>>
      %dma_start3A_45 = arith.constant 0 : i32
      %dma_start3A_46 = arith.constant 0 : i32
      %dma_start3A_47 = tpu.memref_slice %arg3[%run_scoped3A_24, %add3A, %dma_start3A_45, %dma_start3A_46] : memref<2x32x50x200xi32, #tpu.memory_space<hbm>> -> memref<1x1x50x200xi32, #tpu.memory_space<hbm>>
      %dma_start3A_48 = tpu.memref_squeeze %dma_start3A_47 : memref<1x1x50x200xi32, #tpu.memory_space<hbm>> -> memref<50x200xi32, #tpu.memory_space<hbm>>
      tpu.enqueue_dma source(%dma_start3A_48 : memref<50x200xi32, #tpu.memory_space<hbm>>) target(%arg6 : memref<50x200xi32, #tpu.memory_space<vmem>>) target_semaphore(%run_scoped3A_41 : memref<!tpu.dma_semaphore, #tpu.memory_space<semaphore_mem>>)
      %dma_wait3A = arith.constant 0 : i32
      %dma_wait3A_49 = arith.constant 0 : i32
      %dma_wait3A_50 = tpu.memref_slice %arg3[%run_scoped3A_24, %add3A, %dma_wait3A, %dma_wait3A_49] : memref<2x32x50x200xi32, #tpu.memory_space<hbm>> -> memref<1x1x50x200xi32, #tpu.memory_space<hbm>>
      %dma_wait3A_51 = tpu.memref_squeeze %dma_wait3A_50 : memref<1x1x50x200xi32, #tpu.memory_space<hbm>> -> memref<50x200xi32, #tpu.memory_space<hbm>>
      %dma_wait3A_52 = arith.constant 0 : i32
      %dma_wait3A_53 = arith.constant 0 : i32
      %dma_wait3A_54 = tpu.memref_slice %arg3[%run_scoped3A_24, %add3A, %dma_wait3A_52, %dma_wait3A_53] : memref<2x32x50x200xi32, #tpu.memory_space<hbm>> -> memref<1x1x50x200xi32, #tpu.memory_space<hbm>>
      %dma_wait3A_55 = tpu.memref_squeeze %dma_wait3A_54 : memref<1x1x50x200xi32, #tpu.memory_space<hbm>> -> memref<50x200xi32, #tpu.memory_space<hbm>>
      tpu.wait_dma2 semaphore(%run_scoped3A_41 : memref<!tpu.dma_semaphore, #tpu.memory_space<semaphore_mem>>) src(%dma_wait3A_55 : memref<50x200xi32, #tpu.memory_space<hbm>>) dst(%arg6 : memref<50x200xi32, #tpu.memory_space<vmem>>)
      tpu.yield
    }) : () -> ()
    %barrier3A = arith.constant 0 : index
    tpu.barrier barrier_id(%barrier3A)
    %scan3A_25 = arith.constant 0 : i32
    %scan3A_26 = arith.constant 0 : i32
    %scan3A_27 = arith.constant 10 : i32
    %scan3A_28 = arith.addi %scan3A_26, %scan3A_27 : i32
    %scan3A_29 = arith.constant 1 : i32
    scf.for %scan3A_41 = %scan3A_26 to %scan3A_28 step %scan3A_29  : i32 {
      %mul3A_42 = arith.constant 5 : i32
      %mul3A_43 = arith.muli %mul3A_42, %scan3A_41 : i32
      %add3A_44 = arith.constant 0 : i32
      %add3A_45 = arith.addi %mul3A_43, %add3A_44 : i32
      %dma_start3A = arith.constant 0 : i32
      %dma_start3A_46 = tpu.memref_slice %arg5[%add3A_45, %dma_start3A] : memref<50x200xi32, #tpu.memory_space<vmem>> -> memref<1x200xi32, #tpu.memory_space<vmem>>
      %dma_start3A_47 = tpu.memref_squeeze %dma_start3A_46 : memref<1x200xi32, #tpu.memory_space<vmem>> -> memref<200xi32, #tpu.memory_space<vmem>>
      %dma_start3A_48 = arith.constant 0 : i32
      %dma_start3A_49 = arith.constant 0 : i32
      %dma_start3A_50 = tpu.memref_slice %arg2[%dma_start3A_48, %dma_start3A_49] : memref<10000x128xi16, #tpu.memory_space<hbm>> -> memref<10000x128xi16, #tpu.memory_space<hbm>>
      tpu.enqueue_indirect_dma source(%dma_start3A_50 : memref<10000x128xi16, #tpu.memory_space<hbm>>) target(%arg7 : memref<200x128xi16, #tpu.memory_space<vmem>>) offsets(%dma_start3A_47 : memref<200xi32, #tpu.memory_space<vmem>>) semaphore(%arg13 : memref<!tpu.dma_semaphore, #tpu.memory_space<semaphore_mem>>)
      %add3A_51 = arith.constant 1 : i32
      %add3A_52 = arith.addi %mul3A_43, %add3A_51 : i32
      %dma_start3A_53 = arith.constant 0 : i32
      %dma_start3A_54 = tpu.memref_slice %arg5[%add3A_52, %dma_start3A_53] : memref<50x200xi32, #tpu.memory_space<vmem>> -> memref<1x200xi32, #tpu.memory_space<vmem>>
      %dma_start3A_55 = tpu.memref_squeeze %dma_start3A_54 : memref<1x200xi32, #tpu.memory_space<vmem>> -> memref<200xi32, #tpu.memory_space<vmem>>
      %dma_start3A_56 = arith.constant 0 : i32
      %dma_start3A_57 = arith.constant 0 : i32
      %dma_start3A_58 = tpu.memref_slice %arg2[%dma_start3A_56, %dma_start3A_57] : memref<10000x128xi16, #tpu.memory_space<hbm>> -> memref<10000x128xi16, #tpu.memory_space<hbm>>
      tpu.enqueue_indirect_dma source(%dma_start3A_58 : memref<10000x128xi16, #tpu.memory_space<hbm>>) target(%arg8 : memref<200x128xi16, #tpu.memory_space<vmem>>) offsets(%dma_start3A_55 : memref<200xi32, #tpu.memory_space<vmem>>) semaphore(%arg14 : memref<!tpu.dma_semaphore, #tpu.memory_space<semaphore_mem>>)
      %add3A_59 = arith.constant 2 : i32
      %add3A_60 = arith.addi %mul3A_43, %add3A_59 : i32
      %dma_start3A_61 = arith.constant 0 : i32
      %dma_start3A_62 = tpu.memref_slice %arg5[%add3A_60, %dma_start3A_61] : memref<50x200xi32, #tpu.memory_space<vmem>> -> memref<1x200xi32, #tpu.memory_space<vmem>>
      %dma_start3A_63 = tpu.memref_squeeze %dma_start3A_62 : memref<1x200xi32, #tpu.memory_space<vmem>> -> memref<200xi32, #tpu.memory_space<vmem>>
      %dma_start3A_64 = arith.constant 0 : i32
      %dma_start3A_65 = arith.constant 0 : i32
      %dma_start3A_66 = tpu.memref_slice %arg2[%dma_start3A_64, %dma_start3A_65] : memref<10000x128xi16, #tpu.memory_space<hbm>> -> memref<10000x128xi16, #tpu.memory_space<hbm>>
      tpu.enqueue_indirect_dma source(%dma_start3A_66 : memref<10000x128xi16, #tpu.memory_space<hbm>>) target(%arg9 : memref<200x128xi16, #tpu.memory_space<vmem>>) offsets(%dma_start3A_63 : memref<200xi32, #tpu.memory_space<vmem>>) semaphore(%arg15 : memref<!tpu.dma_semaphore, #tpu.memory_space<semaphore_mem>>)
      %add3A_67 = arith.constant 3 : i32
      %add3A_68 = arith.addi %mul3A_43, %add3A_67 : i32
      %dma_start3A_69 = arith.constant 0 : i32
      %dma_start3A_70 = tpu.memref_slice %arg5[%add3A_68, %dma_start3A_69] : memref<50x200xi32, #tpu.memory_space<vmem>> -> memref<1x200xi32, #tpu.memory_space<vmem>>
      %dma_start3A_71 = tpu.memref_squeeze %dma_start3A_70 : memref<1x200xi32, #tpu.memory_space<vmem>> -> memref<200xi32, #tpu.memory_space<vmem>>
      %dma_start3A_72 = arith.constant 0 : i32
      %dma_start3A_73 = arith.constant 0 : i32
      %dma_start3A_74 = tpu.memref_slice %arg2[%dma_start3A_72, %dma_start3A_73] : memref<10000x128xi16, #tpu.memory_space<hbm>> -> memref<10000x128xi16, #tpu.memory_space<hbm>>
      tpu.enqueue_indirect_dma source(%dma_start3A_74 : memref<10000x128xi16, #tpu.memory_space<hbm>>) target(%arg10 : memref<200x128xi16, #tpu.memory_space<vmem>>) offsets(%dma_start3A_71 : memref<200xi32, #tpu.memory_space<vmem>>) semaphore(%arg16 : memref<!tpu.dma_semaphore, #tpu.memory_space<semaphore_mem>>)
      %add3A_75 = arith.constant 4 : i32
      %add3A_76 = arith.addi %mul3A_43, %add3A_75 : i32
      %dma_start3A_77 = arith.constant 0 : i32
      %dma_start3A_78 = tpu.memref_slice %arg5[%add3A_76, %dma_start3A_77] : memref<50x200xi32, #tpu.memory_space<vmem>> -> memref<1x200xi32, #tpu.memory_space<vmem>>
      %dma_start3A_79 = tpu.memref_squeeze %dma_start3A_78 : memref<1x200xi32, #tpu.memory_space<vmem>> -> memref<200xi32, #tpu.memory_space<vmem>>
      %dma_start3A_80 = arith.constant 0 : i32
      %dma_start3A_81 = arith.constant 0 : i32
      %dma_start3A_82 = tpu.memref_slice %arg2[%dma_start3A_80, %dma_start3A_81] : memref<10000x128xi16, #tpu.memory_space<hbm>> -> memref<10000x128xi16, #tpu.memory_space<hbm>>
      tpu.enqueue_indirect_dma source(%dma_start3A_82 : memref<10000x128xi16, #tpu.memory_space<hbm>>) target(%arg11 : memref<200x128xi16, #tpu.memory_space<vmem>>) offsets(%dma_start3A_79 : memref<200xi32, #tpu.memory_space<vmem>>) semaphore(%arg17 : memref<!tpu.dma_semaphore, #tpu.memory_space<semaphore_mem>>)
      %dma_wait3A = arith.constant 0 : i32
      %dma_wait3A_83 = tpu.memref_slice %arg5[%add3A_45, %dma_wait3A] : memref<50x200xi32, #tpu.memory_space<vmem>> -> memref<1x200xi32, #tpu.memory_space<vmem>>
      %dma_wait3A_84 = tpu.memref_squeeze %dma_wait3A_83 : memref<1x200xi32, #tpu.memory_space<vmem>> -> memref<200xi32, #tpu.memory_space<vmem>>
      %dma_wait3A_85 = arith.constant 0 : i32
      %dma_wait3A_86 = arith.constant 0 : i32
      %dma_wait3A_87 = tpu.memref_slice %arg2[%dma_wait3A_85, %dma_wait3A_86] : memref<10000x128xi16, #tpu.memory_space<hbm>> -> memref<10000x128xi16, #tpu.memory_space<hbm>>
      tpu.wait_indirect_dma semaphore(%arg13 : memref<!tpu.dma_semaphore, #tpu.memory_space<semaphore_mem>>) src(%dma_wait3A_87 : memref<10000x128xi16, #tpu.memory_space<hbm>>) dst(%arg7 : memref<200x128xi16, #tpu.memory_space<vmem>>)
      %add3A_88 = arith.constant 0 : i32
      %add3A_89 = arith.addi %mul3A_43, %add3A_88 : i32
      %dma_start3A_90 = arith.constant 0 : i32
      %dma_start3A_91 = tpu.memref_slice %arg6[%add3A_89, %dma_start3A_90] : memref<50x200xi32, #tpu.memory_space<vmem>> -> memref<1x200xi32, #tpu.memory_space<vmem>>
      %dma_start3A_92 = tpu.memref_squeeze %dma_start3A_91 : memref<1x200xi32, #tpu.memory_space<vmem>> -> memref<200xi32, #tpu.memory_space<vmem>>
      %dma_start3A_93 = arith.constant 0 : i32
      %dma_start3A_94 = arith.constant 0 : i32
      %dma_start3A_95 = tpu.memref_slice %arg12[%dma_start3A_93, %dma_start3A_94] : memref<10000x128xi16, #tpu.memory_space<vmem_shared>> -> memref<10000x128xi16, #tpu.memory_space<vmem_shared>>
      tpu.enqueue_indirect_dma source(%arg7 : memref<200x128xi16, #tpu.memory_space<vmem>>) target(%dma_start3A_95 : memref<10000x128xi16, #tpu.memory_space<vmem_shared>>) offsets(%dma_start3A_92 : memref<200xi32, #tpu.memory_space<vmem>>) semaphore(%arg18 : memref<!tpu.dma_semaphore, #tpu.memory_space<semaphore_mem>>) {add = true}
      %dma_wait3A_96 = arith.constant 0 : i32
      %dma_wait3A_97 = tpu.memref_slice %arg5[%add3A_52, %dma_wait3A_96] : memref<50x200xi32, #tpu.memory_space<vmem>> -> memref<1x200xi32, #tpu.memory_space<vmem>>
      %dma_wait3A_98 = tpu.memref_squeeze %dma_wait3A_97 : memref<1x200xi32, #tpu.memory_space<vmem>> -> memref<200xi32, #tpu.memory_space<vmem>>
      %dma_wait3A_99 = arith.constant 0 : i32
      %dma_wait3A_100 = arith.constant 0 : i32
      %dma_wait3A_101 = tpu.memref_slice %arg2[%dma_wait3A_99, %dma_wait3A_100] : memref<10000x128xi16, #tpu.memory_space<hbm>> -> memref<10000x128xi16, #tpu.memory_space<hbm>>
      tpu.wait_indirect_dma semaphore(%arg14 : memref<!tpu.dma_semaphore, #tpu.memory_space<semaphore_mem>>) src(%dma_wait3A_101 : memref<10000x128xi16, #tpu.memory_space<hbm>>) dst(%arg8 : memref<200x128xi16, #tpu.memory_space<vmem>>)
      %add3A_102 = arith.constant 1 : i32
      %add3A_103 = arith.addi %mul3A_43, %add3A_102 : i32
      %dma_start3A_104 = arith.constant 0 : i32
      %dma_start3A_105 = tpu.memref_slice %arg6[%add3A_103, %dma_start3A_104] : memref<50x200xi32, #tpu.memory_space<vmem>> -> memref<1x200xi32, #tpu.memory_space<vmem>>
      %dma_start3A_106 = tpu.memref_squeeze %dma_start3A_105 : memref<1x200xi32, #tpu.memory_space<vmem>> -> memref<200xi32, #tpu.memory_space<vmem>>
      %dma_start3A_107 = arith.constant 0 : i32
      %dma_start3A_108 = arith.constant 0 : i32
      %dma_start3A_109 = tpu.memref_slice %arg12[%dma_start3A_107, %dma_start3A_108] : memref<10000x128xi16, #tpu.memory_space<vmem_shared>> -> memref<10000x128xi16, #tpu.memory_space<vmem_shared>>
      tpu.enqueue_indirect_dma source(%arg8 : memref<200x128xi16, #tpu.memory_space<vmem>>) target(%dma_start3A_109 : memref<10000x128xi16, #tpu.memory_space<vmem_shared>>) offsets(%dma_start3A_106 : memref<200xi32, #tpu.memory_space<vmem>>) semaphore(%arg19 : memref<!tpu.dma_semaphore, #tpu.memory_space<semaphore_mem>>) {add = true}
      %dma_wait3A_110 = arith.constant 0 : i32
      %dma_wait3A_111 = tpu.memref_slice %arg5[%add3A_60, %dma_wait3A_110] : memref<50x200xi32, #tpu.memory_space<vmem>> -> memref<1x200xi32, #tpu.memory_space<vmem>>
      %dma_wait3A_112 = tpu.memref_squeeze %dma_wait3A_111 : memref<1x200xi32, #tpu.memory_space<vmem>> -> memref<200xi32, #tpu.memory_space<vmem>>
      %dma_wait3A_113 = arith.constant 0 : i32
      %dma_wait3A_114 = arith.constant 0 : i32
      %dma_wait3A_115 = tpu.memref_slice %arg2[%dma_wait3A_113, %dma_wait3A_114] : memref<10000x128xi16, #tpu.memory_space<hbm>> -> memref<10000x128xi16, #tpu.memory_space<hbm>>
      tpu.wait_indirect_dma semaphore(%arg15 : memref<!tpu.dma_semaphore, #tpu.memory_space<semaphore_mem>>) src(%dma_wait3A_115 : memref<10000x128xi16, #tpu.memory_space<hbm>>) dst(%arg9 : memref<200x128xi16, #tpu.memory_space<vmem>>)
      %add3A_116 = arith.constant 2 : i32
      %add3A_117 = arith.addi %mul3A_43, %add3A_116 : i32
      %dma_start3A_118 = arith.constant 0 : i32
      %dma_start3A_119 = tpu.memref_slice %arg6[%add3A_117, %dma_start3A_118] : memref<50x200xi32, #tpu.memory_space<vmem>> -> memref<1x200xi32, #tpu.memory_space<vmem>>
      %dma_start3A_120 = tpu.memref_squeeze %dma_start3A_119 : memref<1x200xi32, #tpu.memory_space<vmem>> -> memref<200xi32, #tpu.memory_space<vmem>>
      %dma_start3A_121 = arith.constant 0 : i32
      %dma_start3A_122 = arith.constant 0 : i32
      %dma_start3A_123 = tpu.memref_slice %arg12[%dma_start3A_121, %dma_start3A_122] : memref<10000x128xi16, #tpu.memory_space<vmem_shared>> -> memref<10000x128xi16, #tpu.memory_space<vmem_shared>>
      tpu.enqueue_indirect_dma source(%arg9 : memref<200x128xi16, #tpu.memory_space<vmem>>) target(%dma_start3A_123 : memref<10000x128xi16, #tpu.memory_space<vmem_shared>>) offsets(%dma_start3A_120 : memref<200xi32, #tpu.memory_space<vmem>>) semaphore(%arg20 : memref<!tpu.dma_semaphore, #tpu.memory_space<semaphore_mem>>) {add = true}
      %dma_wait3A_124 = arith.constant 0 : i32
      %dma_wait3A_125 = tpu.memref_slice %arg5[%add3A_68, %dma_wait3A_124] : memref<50x200xi32, #tpu.memory_space<vmem>> -> memref<1x200xi32, #tpu.memory_space<vmem>>
      %dma_wait3A_126 = tpu.memref_squeeze %dma_wait3A_125 : memref<1x200xi32, #tpu.memory_space<vmem>> -> memref<200xi32, #tpu.memory_space<vmem>>
      %dma_wait3A_127 = arith.constant 0 : i32
      %dma_wait3A_128 = arith.constant 0 : i32
      %dma_wait3A_129 = tpu.memref_slice %arg2[%dma_wait3A_127, %dma_wait3A_128] : memref<10000x128xi16, #tpu.memory_space<hbm>> -> memref<10000x128xi16, #tpu.memory_space<hbm>>
      tpu.wait_indirect_dma semaphore(%arg16 : memref<!tpu.dma_semaphore, #tpu.memory_space<semaphore_mem>>) src(%dma_wait3A_129 : memref<10000x128xi16, #tpu.memory_space<hbm>>) dst(%arg10 : memref<200x128xi16, #tpu.memory_space<vmem>>)
      %add3A_130 = arith.constant 3 : i32
      %add3A_131 = arith.addi %mul3A_43, %add3A_130 : i32
      %dma_start3A_132 = arith.constant 0 : i32
      %dma_start3A_133 = tpu.memref_slice %arg6[%add3A_131, %dma_start3A_132] : memref<50x200xi32, #tpu.memory_space<vmem>> -> memref<1x200xi32, #tpu.memory_space<vmem>>
      %dma_start3A_134 = tpu.memref_squeeze %dma_start3A_133 : memref<1x200xi32, #tpu.memory_space<vmem>> -> memref<200xi32, #tpu.memory_space<vmem>>
      %dma_start3A_135 = arith.constant 0 : i32
      %dma_start3A_136 = arith.constant 0 : i32
      %dma_start3A_137 = tpu.memref_slice %arg12[%dma_start3A_135, %dma_start3A_136] : memref<10000x128xi16, #tpu.memory_space<vmem_shared>> -> memref<10000x128xi16, #tpu.memory_space<vmem_shared>>
      tpu.enqueue_indirect_dma source(%arg10 : memref<200x128xi16, #tpu.memory_space<vmem>>) target(%dma_start3A_137 : memref<10000x128xi16, #tpu.memory_space<vmem_shared>>) offsets(%dma_start3A_134 : memref<200xi32, #tpu.memory_space<vmem>>) semaphore(%arg21 : memref<!tpu.dma_semaphore, #tpu.memory_space<semaphore_mem>>) {add = true}
      %dma_wait3A_138 = arith.constant 0 : i32
      %dma_wait3A_139 = tpu.memref_slice %arg5[%add3A_76, %dma_wait3A_138] : memref<50x200xi32, #tpu.memory_space<vmem>> -> memref<1x200xi32, #tpu.memory_space<vmem>>
      %dma_wait3A_140 = tpu.memref_squeeze %dma_wait3A_139 : memref<1x200xi32, #tpu.memory_space<vmem>> -> memref<200xi32, #tpu.memory_space<vmem>>
      %dma_wait3A_141 = arith.constant 0 : i32
      %dma_wait3A_142 = arith.constant 0 : i32
      %dma_wait3A_143 = tpu.memref_slice %arg2[%dma_wait3A_141, %dma_wait3A_142] : memref<10000x128xi16, #tpu.memory_space<hbm>> -> memref<10000x128xi16, #tpu.memory_space<hbm>>
      tpu.wait_indirect_dma semaphore(%arg17 : memref<!tpu.dma_semaphore, #tpu.memory_space<semaphore_mem>>) src(%dma_wait3A_143 : memref<10000x128xi16, #tpu.memory_space<hbm>>) dst(%arg11 : memref<200x128xi16, #tpu.memory_space<vmem>>)
      %add3A_144 = arith.constant 4 : i32
      %add3A_145 = arith.addi %mul3A_43, %add3A_144 : i32
      %dma_start3A_146 = arith.constant 0 : i32
      %dma_start3A_147 = tpu.memref_slice %arg6[%add3A_145, %dma_start3A_146] : memref<50x200xi32, #tpu.memory_space<vmem>> -> memref<1x200xi32, #tpu.memory_space<vmem>>
      %dma_start3A_148 = tpu.memref_squeeze %dma_start3A_147 : memref<1x200xi32, #tpu.memory_space<vmem>> -> memref<200xi32, #tpu.memory_space<vmem>>
      %dma_start3A_149 = arith.constant 0 : i32
      %dma_start3A_150 = arith.constant 0 : i32
      %dma_start3A_151 = tpu.memref_slice %arg12[%dma_start3A_149, %dma_start3A_150] : memref<10000x128xi16, #tpu.memory_space<vmem_shared>> -> memref<10000x128xi16, #tpu.memory_space<vmem_shared>>
      tpu.enqueue_indirect_dma source(%arg11 : memref<200x128xi16, #tpu.memory_space<vmem>>) target(%dma_start3A_151 : memref<10000x128xi16, #tpu.memory_space<vmem_shared>>) offsets(%dma_start3A_148 : memref<200xi32, #tpu.memory_space<vmem>>) semaphore(%arg22 : memref<!tpu.dma_semaphore, #tpu.memory_space<semaphore_mem>>) {add = true}
      %dma_wait3A_152 = arith.constant 0 : i32
      %dma_wait3A_153 = tpu.memref_slice %arg6[%add3A_89, %dma_wait3A_152] : memref<50x200xi32, #tpu.memory_space<vmem>> -> memref<1x200xi32, #tpu.memory_space<vmem>>
      %dma_wait3A_154 = tpu.memref_squeeze %dma_wait3A_153 : memref<1x200xi32, #tpu.memory_space<vmem>> -> memref<200xi32, #tpu.memory_space<vmem>>
      %dma_wait3A_155 = arith.constant 0 : i32
      %dma_wait3A_156 = arith.constant 0 : i32
      %dma_wait3A_157 = tpu.memref_slice %arg12[%dma_wait3A_155, %dma_wait3A_156] : memref<10000x128xi16, #tpu.memory_space<vmem_shared>> -> memref<10000x128xi16, #tpu.memory_space<vmem_shared>>
      tpu.wait_indirect_dma semaphore(%arg18 : memref<!tpu.dma_semaphore, #tpu.memory_space<semaphore_mem>>) src(%arg7 : memref<200x128xi16, #tpu.memory_space<vmem>>) dst(%dma_wait3A_157 : memref<10000x128xi16, #tpu.memory_space<vmem_shared>>)
      %dma_wait3A_158 = arith.constant 0 : i32
      %dma_wait3A_159 = tpu.memref_slice %arg6[%add3A_103, %dma_wait3A_158] : memref<50x200xi32, #tpu.memory_space<vmem>> -> memref<1x200xi32, #tpu.memory_space<vmem>>
      %dma_wait3A_160 = tpu.memref_squeeze %dma_wait3A_159 : memref<1x200xi32, #tpu.memory_space<vmem>> -> memref<200xi32, #tpu.memory_space<vmem>>
      %dma_wait3A_161 = arith.constant 0 : i32
      %dma_wait3A_162 = arith.constant 0 : i32
      %dma_wait3A_163 = tpu.memref_slice %arg12[%dma_wait3A_161, %dma_wait3A_162] : memref<10000x128xi16, #tpu.memory_space<vmem_shared>> -> memref<10000x128xi16, #tpu.memory_space<vmem_shared>>
      tpu.wait_indirect_dma semaphore(%arg19 : memref<!tpu.dma_semaphore, #tpu.memory_space<semaphore_mem>>) src(%arg8 : memref<200x128xi16, #tpu.memory_space<vmem>>) dst(%dma_wait3A_163 : memref<10000x128xi16, #tpu.memory_space<vmem_shared>>)
      %dma_wait3A_164 = arith.constant 0 : i32
      %dma_wait3A_165 = tpu.memref_slice %arg6[%add3A_117, %dma_wait3A_164] : memref<50x200xi32, #tpu.memory_space<vmem>> -> memref<1x200xi32, #tpu.memory_space<vmem>>
      %dma_wait3A_166 = tpu.memref_squeeze %dma_wait3A_165 : memref<1x200xi32, #tpu.memory_space<vmem>> -> memref<200xi32, #tpu.memory_space<vmem>>
      %dma_wait3A_167 = arith.constant 0 : i32
      %dma_wait3A_168 = arith.constant 0 : i32
      %dma_wait3A_169 = tpu.memref_slice %arg12[%dma_wait3A_167, %dma_wait3A_168] : memref<10000x128xi16, #tpu.memory_space<vmem_shared>> -> memref<10000x128xi16, #tpu.memory_space<vmem_shared>>
      tpu.wait_indirect_dma semaphore(%arg20 : memref<!tpu.dma_semaphore, #tpu.memory_space<semaphore_mem>>) src(%arg9 : memref<200x128xi16, #tpu.memory_space<vmem>>) dst(%dma_wait3A_169 : memref<10000x128xi16, #tpu.memory_space<vmem_shared>>)
      %dma_wait3A_170 = arith.constant 0 : i32
      %dma_wait3A_171 = tpu.memref_slice %arg6[%add3A_131, %dma_wait3A_170] : memref<50x200xi32, #tpu.memory_space<vmem>> -> memref<1x200xi32, #tpu.memory_space<vmem>>
      %dma_wait3A_172 = tpu.memref_squeeze %dma_wait3A_171 : memref<1x200xi32, #tpu.memory_space<vmem>> -> memref<200xi32, #tpu.memory_space<vmem>>
      %dma_wait3A_173 = arith.constant 0 : i32
      %dma_wait3A_174 = arith.constant 0 : i32
      %dma_wait3A_175 = tpu.memref_slice %arg12[%dma_wait3A_173, %dma_wait3A_174] : memref<10000x128xi16, #tpu.memory_space<vmem_shared>> -> memref<10000x128xi16, #tpu.memory_space<vmem_shared>>
      tpu.wait_indirect_dma semaphore(%arg21 : memref<!tpu.dma_semaphore, #tpu.memory_space<semaphore_mem>>) src(%arg10 : memref<200x128xi16, #tpu.memory_space<vmem>>) dst(%dma_wait3A_175 : memref<10000x128xi16, #tpu.memory_space<vmem_shared>>)
      %dma_wait3A_176 = arith.constant 0 : i32
      %dma_wait3A_177 = tpu.memref_slice %arg6[%add3A_145, %dma_wait3A_176] : memref<50x200xi32, #tpu.memory_space<vmem>> -> memref<1x200xi32, #tpu.memory_space<vmem>>
      %dma_wait3A_178 = tpu.memref_squeeze %dma_wait3A_177 : memref<1x200xi32, #tpu.memory_space<vmem>> -> memref<200xi32, #tpu.memory_space<vmem>>
      %dma_wait3A_179 = arith.constant 0 : i32
      %dma_wait3A_180 = arith.constant 0 : i32
      %dma_wait3A_181 = tpu.memref_slice %arg12[%dma_wait3A_179, %dma_wait3A_180] : memref<10000x128xi16, #tpu.memory_space<vmem_shared>> -> memref<10000x128xi16, #tpu.memory_space<vmem_shared>>
      tpu.wait_indirect_dma semaphore(%arg22 : memref<!tpu.dma_semaphore, #tpu.memory_space<semaphore_mem>>) src(%arg11 : memref<200x128xi16, #tpu.memory_space<vmem>>) dst(%dma_wait3A_181 : memref<10000x128xi16, #tpu.memory_space<vmem_shared>>)
    }
    %scan3A_30 = arith.constant 10 : i32
    %barrier3A_31 = arith.constant 0 : index
    tpu.barrier barrier_id(%barrier3A_31)
    %mul3A_32 = arith.constant 624 : i32
    %mul3A_33 = arith.muli %arg1, %mul3A_32 : i32
    %mul3A_34 = arith.constant 624 : i32
    %mul3A_35 = arith.muli %arg1, %mul3A_34 : i32
    "tpu.region"() ({
      %run_scoped3A_41 = tpu.sem_alloc : memref<!tpu.dma_semaphore, #tpu.memory_space<semaphore_mem>>
      %dma_start3A = arith.constant 0 : i32
      %dma_start3A_42 = tpu.memref_slice %arg4[%arg0, %mul3A_35, %dma_start3A] : memref<2x10000x128xi16, #tpu.memory_space<hbm>> -> memref<1x624x128xi16, #tpu.memory_space<hbm>>
      %dma_start3A_43 = tpu.memref_squeeze %dma_start3A_42 : memref<1x624x128xi16, #tpu.memory_space<hbm>> -> memref<624x128xi16, #tpu.memory_space<hbm>>
      %dma_start3A_44 = arith.constant 0 : i32
      %dma_start3A_45 = tpu.memref_slice %arg12[%mul3A_33, %dma_start3A_44] : memref<10000x128xi16, #tpu.memory_space<vmem_shared>> -> memref<624x128xi16, #tpu.memory_space<vmem_shared>>
      tpu.enqueue_dma source(%dma_start3A_45 : memref<624x128xi16, #tpu.memory_space<vmem_shared>>) target(%dma_start3A_43 : memref<624x128xi16, #tpu.memory_space<hbm>>) target_semaphore(%run_scoped3A_41 : memref<!tpu.dma_semaphore, #tpu.memory_space<semaphore_mem>>)
      %dma_wait3A = arith.constant 0 : i32
      %dma_wait3A_46 = tpu.memref_slice %arg4[%arg0, %mul3A_35, %dma_wait3A] : memref<2x10000x128xi16, #tpu.memory_space<hbm>> -> memref<1x624x128xi16, #tpu.memory_space<hbm>>
      %dma_wait3A_47 = tpu.memref_squeeze %dma_wait3A_46 : memref<1x624x128xi16, #tpu.memory_space<hbm>> -> memref<624x128xi16, #tpu.memory_space<hbm>>
      %dma_wait3A_48 = arith.constant 0 : i32
      %dma_wait3A_49 = tpu.memref_slice %arg12[%mul3A_33, %dma_wait3A_48] : memref<10000x128xi16, #tpu.memory_space<vmem_shared>> -> memref<624x128xi16, #tpu.memory_space<vmem_shared>>
      tpu.wait_dma2 semaphore(%run_scoped3A_41 : memref<!tpu.dma_semaphore, #tpu.memory_space<semaphore_mem>>) src(%dma_wait3A_49 : memref<624x128xi16, #tpu.memory_space<vmem_shared>>) dst(%dma_wait3A_47 : memref<624x128xi16, #tpu.memory_space<hbm>>)
      tpu.yield
    }) : () -> ()
    %eq3A_36 = arith.constant 15 : i32
    %eq3A_37 = arith.cmpi eq, %arg1, %eq3A_36 : i32
    %convert_element_type3A_38 = arith.extui %eq3A_37 : i1 to i32
    %cond3A_39 = arith.constant 0 : i32
    %cond3A_40 = arith.cmpi ne, %convert_element_type3A_38, %cond3A_39 : i32
    scf.if %cond3A_40 {
      "tpu.region"() ({
        %run_scoped3A_41 = tpu.sem_alloc : memref<!tpu.dma_semaphore, #tpu.memory_space<semaphore_mem>>
        %dma_start3A = arith.constant 9984 : i32
        %dma_start3A_42 = arith.constant 0 : i32
        %dma_start3A_43 = tpu.memref_slice %arg4[%arg0, %dma_start3A, %dma_start3A_42] : memref<2x10000x128xi16, #tpu.memory_space<hbm>> -> memref<1x16x128xi16, #tpu.memory_space<hbm>>
        %dma_start3A_44 = tpu.memref_squeeze %dma_start3A_43 : memref<1x16x128xi16, #tpu.memory_space<hbm>> -> memref<16x128xi16, #tpu.memory_space<hbm>>
        %dma_start3A_45 = arith.constant 9984 : i32
        %dma_start3A_46 = arith.constant 0 : i32
        %dma_start3A_47 = tpu.memref_slice %arg12[%dma_start3A_45, %dma_start3A_46] : memref<10000x128xi16, #tpu.memory_space<vmem_shared>> -> memref<16x128xi16, #tpu.memory_space<vmem_shared>>
        tpu.enqueue_dma source(%dma_start3A_47 : memref<16x128xi16, #tpu.memory_space<vmem_shared>>) target(%dma_start3A_44 : memref<16x128xi16, #tpu.memory_space<hbm>>) target_semaphore(%run_scoped3A_41 : memref<!tpu.dma_semaphore, #tpu.memory_space<semaphore_mem>>)
        %dma_wait3A = arith.constant 9984 : i32
        %dma_wait3A_48 = arith.constant 0 : i32
        %dma_wait3A_49 = tpu.memref_slice %arg4[%arg0, %dma_wait3A, %dma_wait3A_48] : memref<2x10000x128xi16, #tpu.memory_space<hbm>> -> memref<1x16x128xi16, #tpu.memory_space<hbm>>
        %dma_wait3A_50 = tpu.memref_squeeze %dma_wait3A_49 : memref<1x16x128xi16, #tpu.memory_space<hbm>> -> memref<16x128xi16, #tpu.memory_space<hbm>>
        %dma_wait3A_51 = arith.constant 9984 : i32
        %dma_wait3A_52 = arith.constant 0 : i32
        %dma_wait3A_53 = tpu.memref_slice %arg12[%dma_wait3A_51, %dma_wait3A_52] : memref<10000x128xi16, #tpu.memory_space<vmem_shared>> -> memref<16x128xi16, #tpu.memory_space<vmem_shared>>
        tpu.wait_dma2 semaphore(%run_scoped3A_41 : memref<!tpu.dma_semaphore, #tpu.memory_space<semaphore_mem>>) src(%dma_wait3A_53 : memref<16x128xi16, #tpu.memory_space<vmem_shared>>) dst(%dma_wait3A_50 : memref<16x128xi16, #tpu.memory_space<hbm>>)
        tpu.yield
      }) : () -> ()
    } else {
    }
    return
  }
}

#map = affine_map<(d0, d1) -> (0, 0)>
#map1 = affine_map<(d0, d1) -> (0, 0, 0, 0)>
#map2 = affine_map<(d0, d1) -> (0, 0, 0)>
module attributes {stable_mosaic.version = 14 : i64} {
  func.func @_sc_aggregate_body(%arg0: i32, %arg1: i32, %arg2: memref<10000x128xi16, #tpu.memory_space<hbm>>, %arg3: memref<2x32x50x200xi32, #tpu.memory_space<hbm>>, %arg4: memref<2x10000x128xi16, #tpu.memory_space<hbm>>, %arg5: memref<50x200xi32, #tpu.memory_space<vmem>>, %arg6: memref<50x200xi32, #tpu.memory_space<vmem>>, %arg7: memref<200x128xi16, #tpu.memory_space<vmem>>, %arg8: memref<200x128xi16, #tpu.memory_space<vmem>>, %arg9: memref<200x128xi16, #tpu.memory_space<vmem>>, %arg10: memref<200x128xi16, #tpu.memory_space<vmem>>, %arg11: memref<200x128xi16, #tpu.memory_space<vmem>>, %arg12: memref<10000x128xi16, #tpu.memory_space<vmem_shared>>, %arg13: memref<!tpu.dma_semaphore, #tpu.memory_space<semaphore_mem>>, %arg14: memref<!tpu.dma_semaphore, #tpu.memory_space<semaphore_mem>>, %arg15: memref<!tpu.dma_semaphore, #tpu.memory_space<semaphore_mem>>, %arg16: memref<!tpu.dma_semaphore, #tpu.memory_space<semaphore_mem>>, %arg17: memref<!tpu.dma_semaphore, #tpu.memory_space<semaphore_mem>>, %arg18: memref<!tpu.dma_semaphore, #tpu.memory_space<semaphore_mem>>, %arg19: memref<!tpu.dma_semaphore, #tpu.memory_space<semaphore_mem>>, %arg20: memref<!tpu.dma_semaphore, #tpu.memory_space<semaphore_mem>>, %arg21: memref<!tpu.dma_semaphore, #tpu.memory_space<semaphore_mem>>, %arg22: memref<!tpu.dma_semaphore, #tpu.memory_space<semaphore_mem>>) attributes {dimension_semantics = [#tpu.dimension_semantics<core_parallel>, #tpu.dimension_semantics<subcore_parallel>], iteration_bounds = array<i64: 2, 16>, scalar_prefetch = 0 : i64, scratch_operands = 18 : i64, tpu.core_type = #tpu.core_type<sc_vector_subcore>, window_params = [{transform_indices = #map}, {transform_indices = #map1}, {transform_indices = #map2}]} {
    %mul3A = arith.constant 16 : i32
    %mul3A_0 = arith.muli %arg0, %mul3A : i32
    %add3A = arith.addi %mul3A_0, %arg1 : i32
    %scan3A = arith.constant 0 : i32
    %scan3A_1 = arith.constant 0 : i32
    %scan3A_2 = arith.constant 200 : i32
    %scan3A_3 = arith.addi %scan3A_1, %scan3A_2 : i32
    %scan3A_4 = arith.constant 1 : i32
    scf.for %scan3A_41 = %scan3A_1 to %scan3A_3 step %scan3A_4  : i32 {
      %broadcast_in_dim3A = arith.constant 0 : i16
      %broadcast_in_dim3A_42 = vector.broadcast %broadcast_in_dim3A : i16 to vector<32xi16>
      %swap3A = arith.index_cast %scan3A_41 : i32 to index
      %swap3A_43 = arith.constant 0 : index
      %swap3A_44 = tpu.vector_load %arg7[%swap3A, %swap3A_43] {strides = array<i32>} : memref<200x128xi16, #tpu.memory_space<vmem>>, vector<1x32xi16>,
      %swap3A_45 = vector.shape_cast %swap3A_44 : vector<1x32xi16> to vector<32xi16>
      %swap3A_46 = vector.shape_cast %broadcast_in_dim3A_42 : vector<32xi16> to vector<1x32xi16>
      tpu.vector_store %arg7[%swap3A, %swap3A_43], %swap3A_46 {strides = array<i32>} : memref<200x128xi16, #tpu.memory_space<vmem>>, vector<1x32xi16>,
      %broadcast_in_dim3A_47 = arith.constant 0 : i16
      %broadcast_in_dim3A_48 = vector.broadcast %broadcast_in_dim3A_47 : i16 to vector<32xi16>
      %swap3A_49 = arith.index_cast %scan3A_41 : i32 to index
      %swap3A_50 = arith.constant 32 : index
      %swap3A_51 = tpu.vector_load %arg7[%swap3A_49, %swap3A_50] {strides = array<i32>} : memref<200x128xi16, #tpu.memory_space<vmem>>, vector<1x32xi16>,
      %swap3A_52 = vector.shape_cast %swap3A_51 : vector<1x32xi16> to vector<32xi16>
      %swap3A_53 = vector.shape_cast %broadcast_in_dim3A_48 : vector<32xi16> to vector<1x32xi16>
      tpu.vector_store %arg7[%swap3A_49, %swap3A_50], %swap3A_53 {strides = array<i32>} : memref<200x128xi16, #tpu.memory_space<vmem>>, vector<1x32xi16>,
      %broadcast_in_dim3A_54 = arith.constant 0 : i16
      %broadcast_in_dim3A_55 = vector.broadcast %broadcast_in_dim3A_54 : i16 to vector<32xi16>
      %swap3A_56 = arith.index_cast %scan3A_41 : i32 to index
      %swap3A_57 = arith.constant 64 : index
      %swap3A_58 = tpu.vector_load %arg7[%swap3A_56, %swap3A_57] {strides = array<i32>} : memref<200x128xi16, #tpu.memory_space<vmem>>, vector<1x32xi16>,
      %swap3A_59 = vector.shape_cast %swap3A_58 : vector<1x32xi16> to vector<32xi16>
      %swap3A_60 = vector.shape_cast %broadcast_in_dim3A_55 : vector<32xi16> to vector<1x32xi16>
      tpu.vector_store %arg7[%swap3A_56, %swap3A_57], %swap3A_60 {strides = array<i32>} : memref<200x128xi16, #tpu.memory_space<vmem>>, vector<1x32xi16>,
      %broadcast_in_dim3A_61 = arith.constant 0 : i16
      %broadcast_in_dim3A_62 = vector.broadcast %broadcast_in_dim3A_61 : i16 to vector<32xi16>
      %swap3A_63 = arith.index_cast %scan3A_41 : i32 to index
      %swap3A_64 = arith.constant 96 : index
      %swap3A_65 = tpu.vector_load %arg7[%swap3A_63, %swap3A_64] {strides = array<i32>} : memref<200x128xi16, #tpu.memory_space<vmem>>, vector<1x32xi16>,
      %swap3A_66 = vector.shape_cast %swap3A_65 : vector<1x32xi16> to vector<32xi16>
      %swap3A_67 = vector.shape_cast %broadcast_in_dim3A_62 : vector<32xi16> to vector<1x32xi16>
      tpu.vector_store %arg7[%swap3A_63, %swap3A_64], %swap3A_67 {strides = array<i32>} : memref<200x128xi16, #tpu.memory_space<vmem>>, vector<1x32xi16>,
    }
    %scan3A_5 = arith.constant 200 : i32
    %mul3A_6 = arith.constant 624 : i32
    %mul3A_7 = arith.muli %arg1, %mul3A_6 : i32
    %add3A_8 = arith.constant 0 : i32
    %add3A_9 = arith.addi %mul3A_7, %add3A_8 : i32
    "tpu.region"() ({
      %run_scoped3A_41 = tpu.sem_alloc : memref<!tpu.dma_semaphore, #tpu.memory_space<semaphore_mem>>
      %dma_start3A = arith.constant 0 : i32
      %dma_start3A_42 = tpu.memref_slice %arg12[%add3A_9, %dma_start3A] : memref<10000x128xi16, #tpu.memory_space<vmem_shared>> -> memref<200x128xi16, #tpu.memory_space<vmem_shared>>
      %dma_start3A_43 = arith.constant 0 : i32
      %dma_start3A_44 = tpu.memref_slice %arg12[%add3A_9, %dma_start3A_43] : memref<10000x128xi16, #tpu.memory_space<vmem_shared>> -> memref<200x128xi16, #tpu.memory_space<vmem_shared>>
      tpu.enqueue_dma source(%arg7 : memref<200x128xi16, #tpu.memory_space<vmem>>) target(%dma_start3A_44 : memref<200x128xi16, #tpu.memory_space<vmem_shared>>) target_semaphore(%run_scoped3A_41 : memref<!tpu.dma_semaphore, #tpu.memory_space<semaphore_mem>>)
      %dma_wait3A = arith.constant 0 : i32
      %dma_wait3A_45 = tpu.memref_slice %arg12[%add3A_9, %dma_wait3A] : memref<10000x128xi16, #tpu.memory_space<vmem_shared>> -> memref<200x128xi16, #tpu.memory_space<vmem_shared>>
      %dma_wait3A_46 = arith.constant 0 : i32
      %dma_wait3A_47 = tpu.memref_slice %arg12[%add3A_9, %dma_wait3A_46] : memref<10000x128xi16, #tpu.memory_space<vmem_shared>> -> memref<200x128xi16, #tpu.memory_space<vmem_shared>>
      tpu.wait_dma2 semaphore(%run_scoped3A_41 : memref<!tpu.dma_semaphore, #tpu.memory_space<semaphore_mem>>) src(%arg7 : memref<200x128xi16, #tpu.memory_space<vmem>>) dst(%dma_wait3A_47 : memref<200x128xi16, #tpu.memory_space<vmem_shared>>)
      tpu.yield
    }) : () -> ()
    %mul3A_10 = arith.constant 624 : i32
    %mul3A_11 = arith.muli %arg1, %mul3A_10 : i32
    %add3A_12 = arith.constant 200 : i32
    %add3A_13 = arith.addi %mul3A_11, %add3A_12 : i32
    "tpu.region"() ({
      %run_scoped3A_41 = tpu.sem_alloc : memref<!tpu.dma_semaphore, #tpu.memory_space<semaphore_mem>>
      %dma_start3A = arith.constant 0 : i32
      %dma_start3A_42 = tpu.memref_slice %arg12[%add3A_13, %dma_start3A] : memref<10000x128xi16, #tpu.memory_space<vmem_shared>> -> memref<200x128xi16, #tpu.memory_space<vmem_shared>>
      %dma_start3A_43 = arith.constant 0 : i32
      %dma_start3A_44 = tpu.memref_slice %arg12[%add3A_13, %dma_start3A_43] : memref<10000x128xi16, #tpu.memory_space<vmem_shared>> -> memref<200x128xi16, #tpu.memory_space<vmem_shared>>
      tpu.enqueue_dma source(%arg7 : memref<200x128xi16, #tpu.memory_space<vmem>>) target(%dma_start3A_44 : memref<200x128xi16, #tpu.memory_space<vmem_shared>>) target_semaphore(%run_scoped3A_41 : memref<!tpu.dma_semaphore, #tpu.memory_space<semaphore_mem>>)
      %dma_wait3A = arith.constant 0 : i32
      %dma_wait3A_45 = tpu.memref_slice %arg12[%add3A_13, %dma_wait3A] : memref<10000x128xi16, #tpu.memory_space<vmem_shared>> -> memref<200x128xi16, #tpu.memory_space<vmem_shared>>
      %dma_wait3A_46 = arith.constant 0 : i32
      %dma_wait3A_47 = tpu.memref_slice %arg12[%add3A_13, %dma_wait3A_46] : memref<10000x128xi16, #tpu.memory_space<vmem_shared>> -> memref<200x128xi16, #tpu.memory_space<vmem_shared>>
      tpu.wait_dma2 semaphore(%run_scoped3A_41 : memref<!tpu.dma_semaphore, #tpu.memory_space<semaphore_mem>>) src(%arg7 : memref<200x128xi16, #tpu.memory_space<vmem>>) dst(%dma_wait3A_47 : memref<200x128xi16, #tpu.memory_space<vmem_shared>>)
      tpu.yield
    }) : () -> ()
    %mul3A_14 = arith.constant 624 : i32
    %mul3A_15 = arith.muli %arg1, %mul3A_14 : i32
    %add3A_16 = arith.constant 400 : i32
    %add3A_17 = arith.addi %mul3A_15, %add3A_16 : i32
    "tpu.region"() ({
      %run_scoped3A_41 = tpu.sem_alloc : memref<!tpu.dma_semaphore, #tpu.memory_space<semaphore_mem>>
      %dma_start3A = arith.constant 0 : i32
      %dma_start3A_42 = tpu.memref_slice %arg12[%add3A_17, %dma_start3A] : memref<10000x128xi16, #tpu.memory_space<vmem_shared>> -> memref<200x128xi16, #tpu.memory_space<vmem_shared>>
      %dma_start3A_43 = arith.constant 0 : i32
      %dma_start3A_44 = tpu.memref_slice %arg12[%add3A_17, %dma_start3A_43] : memref<10000x128xi16, #tpu.memory_space<vmem_shared>> -> memref<200x128xi16, #tpu.memory_space<vmem_shared>>
      tpu.enqueue_dma source(%arg7 : memref<200x128xi16, #tpu.memory_space<vmem>>) target(%dma_start3A_44 : memref<200x128xi16, #tpu.memory_space<vmem_shared>>) target_semaphore(%run_scoped3A_41 : memref<!tpu.dma_semaphore, #tpu.memory_space<semaphore_mem>>)
      %dma_wait3A = arith.constant 0 : i32
      %dma_wait3A_45 = tpu.memref_slice %arg12[%add3A_17, %dma_wait3A] : memref<10000x128xi16, #tpu.memory_space<vmem_shared>> -> memref<200x128xi16, #tpu.memory_space<vmem_shared>>
      %dma_wait3A_46 = arith.constant 0 : i32
      %dma_wait3A_47 = tpu.memref_slice %arg12[%add3A_17, %dma_wait3A_46] : memref<10000x128xi16, #tpu.memory_space<vmem_shared>> -> memref<200x128xi16, #tpu.memory_space<vmem_shared>>
      tpu.wait_dma2 semaphore(%run_scoped3A_41 : memref<!tpu.dma_semaphore, #tpu.memory_space<semaphore_mem>>) src(%arg7 : memref<200x128xi16, #tpu.memory_space<vmem>>) dst(%dma_wait3A_47 : memref<200x128xi16, #tpu.memory_space<vmem_shared>>)
      tpu.yield
    }) : () -> ()
    %mul3A_18 = arith.constant 624 : i32
    %mul3A_19 = arith.muli %arg1, %mul3A_18 : i32
    %add3A_20 = arith.constant 600 : i32
    %add3A_21 = arith.addi %mul3A_19, %add3A_20 : i32
    "tpu.region"() ({
      %run_scoped3A_41 = tpu.sem_alloc : memref<!tpu.dma_semaphore, #tpu.memory_space<semaphore_mem>>
      %dma_start3A = arith.constant 0 : i32
      %dma_start3A_42 = arith.constant 0 : i32
      %dma_start3A_43 = tpu.memref_slice %arg7[%dma_start3A, %dma_start3A_42] : memref<200x128xi16, #tpu.memory_space<vmem>> -> memref<24x128xi16, #tpu.memory_space<vmem>>
      %dma_start3A_44 = arith.constant 0 : i32
      %dma_start3A_45 = tpu.memref_slice %arg12[%add3A_21, %dma_start3A_44] : memref<10000x128xi16, #tpu.memory_space<vmem_shared>> -> memref<24x128xi16, #tpu.memory_space<vmem_shared>>
      %dma_start3A_46 = arith.constant 0 : i32
      %dma_start3A_47 = tpu.memref_slice %arg12[%add3A_21, %dma_start3A_46] : memref<10000x128xi16, #tpu.memory_space<vmem_shared>> -> memref<24x128xi16, #tpu.memory_space<vmem_shared>>
      %dma_start3A_48 = arith.constant 0 : i32
      %dma_start3A_49 = arith.constant 0 : i32
      %dma_start3A_50 = tpu.memref_slice %arg7[%dma_start3A_48, %dma_start3A_49] : memref<200x128xi16, #tpu.memory_space<vmem>> -> memref<24x128xi16, #tpu.memory_space<vmem>>
      tpu.enqueue_dma source(%dma_start3A_50 : memref<24x128xi16, #tpu.memory_space<vmem>>) target(%dma_start3A_47 : memref<24x128xi16, #tpu.memory_space<vmem_shared>>) target_semaphore(%run_scoped3A_41 : memref<!tpu.dma_semaphore, #tpu.memory_space<semaphore_mem>>)
      %dma_wait3A = arith.constant 0 : i32
      %dma_wait3A_51 = arith.constant 0 : i32
      %dma_wait3A_52 = tpu.memref_slice %arg7[%dma_wait3A, %dma_wait3A_51] : memref<200x128xi16, #tpu.memory_space<vmem>> -> memref<24x128xi16, #tpu.memory_space<vmem>>
      %dma_wait3A_53 = arith.constant 0 : i32
      %dma_wait3A_54 = tpu.memref_slice %arg12[%add3A_21, %dma_wait3A_53] : memref<10000x128xi16, #tpu.memory_space<vmem_shared>> -> memref<24x128xi16, #tpu.memory_space<vmem_shared>>
      %dma_wait3A_55 = arith.constant 0 : i32
      %dma_wait3A_56 = tpu.memref_slice %arg12[%add3A_21, %dma_wait3A_55] : memref<10000x128xi16, #tpu.memory_space<vmem_shared>> -> memref<24x128xi16, #tpu.memory_space<vmem_shared>>
      %dma_wait3A_57 = arith.constant 0 : i32
      %dma_wait3A_58 = arith.constant 0 : i32
      %dma_wait3A_59 = tpu.memref_slice %arg7[%dma_wait3A_57, %dma_wait3A_58] : memref<200x128xi16, #tpu.memory_space<vmem>> -> memref<24x128xi16, #tpu.memory_space<vmem>>
      tpu.wait_dma2 semaphore(%run_scoped3A_41 : memref<!tpu.dma_semaphore, #tpu.memory_space<semaphore_mem>>) src(%dma_wait3A_59 : memref<24x128xi16, #tpu.memory_space<vmem>>) dst(%dma_wait3A_56 : memref<24x128xi16, #tpu.memory_space<vmem_shared>>)
      tpu.yield
    }) : () -> ()
    %eq3A = arith.constant 15 : i32
    %eq3A_22 = arith.cmpi eq, %arg1, %eq3A : i32
    %convert_element_type3A = arith.extui %eq3A_22 : i1 to i32
    %cond3A = arith.constant 0 : i32
    %cond3A_23 = arith.cmpi ne, %convert_element_type3A, %cond3A : i32
    scf.if %cond3A_23 {
      "tpu.region"() ({
        %run_scoped3A_41 = tpu.sem_alloc : memref<!tpu.dma_semaphore, #tpu.memory_space<semaphore_mem>>
        %dma_start3A = arith.constant 0 : i32
        %dma_start3A_42 = arith.constant 0 : i32
        %dma_start3A_43 = tpu.memref_slice %arg7[%dma_start3A, %dma_start3A_42] : memref<200x128xi16, #tpu.memory_space<vmem>> -> memref<16x128xi16, #tpu.memory_space<vmem>>
        %dma_start3A_44 = arith.constant 9984 : i32
        %dma_start3A_45 = arith.constant 0 : i32
        %dma_start3A_46 = tpu.memref_slice %arg12[%dma_start3A_44, %dma_start3A_45] : memref<10000x128xi16, #tpu.memory_space<vmem_shared>> -> memref<16x128xi16, #tpu.memory_space<vmem_shared>>
        %dma_start3A_47 = arith.constant 9984 : i32
        %dma_start3A_48 = arith.constant 0 : i32
        %dma_start3A_49 = tpu.memref_slice %arg12[%dma_start3A_47, %dma_start3A_48] : memref<10000x128xi16, #tpu.memory_space<vmem_shared>> -> memref<16x128xi16, #tpu.memory_space<vmem_shared>>
        %dma_start3A_50 = arith.constant 0 : i32
        %dma_start3A_51 = arith.constant 0 : i32
        %dma_start3A_52 = tpu.memref_slice %arg7[%dma_start3A_50, %dma_start3A_51] : memref<200x128xi16, #tpu.memory_space<vmem>> -> memref<16x128xi16, #tpu.memory_space<vmem>>
        tpu.enqueue_dma source(%dma_start3A_52 : memref<16x128xi16, #tpu.memory_space<vmem>>) target(%dma_start3A_49 : memref<16x128xi16, #tpu.memory_space<vmem_shared>>) target_semaphore(%run_scoped3A_41 : memref<!tpu.dma_semaphore, #tpu.memory_space<semaphore_mem>>)
        %dma_wait3A = arith.constant 0 : i32
        %dma_wait3A_53 = arith.constant 0 : i32
        %dma_wait3A_54 = tpu.memref_slice %arg7[%dma_wait3A, %dma_wait3A_53] : memref<200x128xi16, #tpu.memory_space<vmem>> -> memref<16x128xi16, #tpu.memory_space<vmem>>
        %dma_wait3A_55 = arith.constant 9984 : i32
        %dma_wait3A_56 = arith.constant 0 : i32
        %dma_wait3A_57 = tpu.memref_slice %arg12[%dma_wait3A_55, %dma_wait3A_56] : memref<10000x128xi16, #tpu.memory_space<vmem_shared>> -> memref<16x128xi16, #tpu.memory_space<vmem_shared>>
        %dma_wait3A_58 = arith.constant 9984 : i32
        %dma_wait3A_59 = arith.constant 0 : i32
        %dma_wait3A_60 = tpu.memref_slice %arg12[%dma_wait3A_58, %dma_wait3A_59] : memref<10000x128xi16, #tpu.memory_space<vmem_shared>> -> memref<16x128xi16, #tpu.memory_space<vmem_shared>>
        %dma_wait3A_61 = arith.constant 0 : i32
        %dma_wait3A_62 = arith.constant 0 : i32
        %dma_wait3A_63 = tpu.memref_slice %arg7[%dma_wait3A_61, %dma_wait3A_62] : memref<200x128xi16, #tpu.memory_space<vmem>> -> memref<16x128xi16, #tpu.memory_space<vmem>>
        tpu.wait_dma2 semaphore(%run_scoped3A_41 : memref<!tpu.dma_semaphore, #tpu.memory_space<semaphore_mem>>) src(%dma_wait3A_63 : memref<16x128xi16, #tpu.memory_space<vmem>>) dst(%dma_wait3A_60 : memref<16x128xi16, #tpu.memory_space<vmem_shared>>)
        tpu.yield
      }) : () -> ()
    } else {
    }
    %run_scoped3A = arith.constant 0 : i32
    "tpu.region"() ({
      %run_scoped3A_41 = tpu.sem_alloc : memref<!tpu.dma_semaphore, #tpu.memory_space<semaphore_mem>>
      %dma_start3A = arith.constant 0 : i32
      %dma_start3A_42 = arith.constant 0 : i32
      %dma_start3A_43 = tpu.memref_slice %arg3[%run_scoped3A, %add3A, %dma_start3A, %dma_start3A_42] : memref<2x32x50x200xi32, #tpu.memory_space<hbm>> -> memref<1x1x50x200xi32, #tpu.memory_space<hbm>>
      %dma_start3A_44 = tpu.memref_squeeze %dma_start3A_43 : memref<1x1x50x200xi32, #tpu.memory_space<hbm>> -> memref<50x200xi32, #tpu.memory_space<hbm>>
      %dma_start3A_45 = arith.constant 0 : i32
      %dma_start3A_46 = arith.constant 0 : i32
      %dma_start3A_47 = tpu.memref_slice %arg3[%run_scoped3A, %add3A, %dma_start3A_45, %dma_start3A_46] : memref<2x32x50x200xi32, #tpu.memory_space<hbm>> -> memref<1x1x50x200xi32, #tpu.memory_space<hbm>>
      %dma_start3A_48 = tpu.memref_squeeze %dma_start3A_47 : memref<1x1x50x200xi32, #tpu.memory_space<hbm>> -> memref<50x200xi32, #tpu.memory_space<hbm>>
      tpu.enqueue_dma source(%dma_start3A_48 : memref<50x200xi32, #tpu.memory_space<hbm>>) target(%arg5 : memref<50x200xi32, #tpu.memory_space<vmem>>) target_semaphore(%run_scoped3A_41 : memref<!tpu.dma_semaphore, #tpu.memory_space<semaphore_mem>>)
      %dma_wait3A = arith.constant 0 : i32
      %dma_wait3A_49 = arith.constant 0 : i32
      %dma_wait3A_50 = tpu.memref_slice %arg3[%run_scoped3A, %add3A, %dma_wait3A, %dma_wait3A_49] : memref<2x32x50x200xi32, #tpu.memory_space<hbm>> -> memref<1x1x50x200xi32, #tpu.memory_space<hbm>>
      %dma_wait3A_51 = tpu.memref_squeeze %dma_wait3A_50 : memref<1x1x50x200xi32, #tpu.memory_space<hbm>> -> memref<50x200xi32, #tpu.memory_space<hbm>>
      %dma_wait3A_52 = arith.constant 0 : i32
      %dma_wait3A_53 = arith.constant 0 : i32
      %dma_wait3A_54 = tpu.memref_slice %arg3[%run_scoped3A, %add3A, %dma_wait3A_52, %dma_wait3A_53] : memref<2x32x50x200xi32, #tpu.memory_space<hbm>> -> memref<1x1x50x200xi32, #tpu.memory_space<hbm>>
      %dma_wait3A_55 = tpu.memref_squeeze %dma_wait3A_54 : memref<1x1x50x200xi32, #tpu.memory_space<hbm>> -> memref<50x200xi32, #tpu.memory_space<hbm>>
      tpu.wait_dma2 semaphore(%run_scoped3A_41 : memref<!tpu.dma_semaphore, #tpu.memory_space<semaphore_mem>>) src(%dma_wait3A_55 : memref<50x200xi32, #tpu.memory_space<hbm>>) dst(%arg5 : memref<50x200xi32, #tpu.memory_space<vmem>>)
      tpu.yield
    }) : () -> ()
    %run_scoped3A_24 = arith.constant 1 : i32
    "tpu.region"() ({
      %run_scoped3A_41 = tpu.sem_alloc : memref<!tpu.dma_semaphore, #tpu.memory_space<semaphore_mem>>
      %dma_start3A = arith.constant 0 : i32
      %dma_start3A_42 = arith.constant 0 : i32
      %dma_start3A_43 = tpu.memref_slice %arg3[%run_scoped3A_24, %add3A, %dma_start3A, %dma_start3A_42] : memref<2x32x50x200xi32, #tpu.memory_space<hbm>> -> memref<1x1x50x200xi32, #tpu.memory_space<hbm>>
      %dma_start3A_44 = tpu.memref_squeeze %dma_start3A_43 : memref<1x1x50x200xi32, #tpu.memory_space<hbm>> -> memref<50x200xi32, #tpu.memory_space<hbm>>
      %dma_start3A_45 = arith.constant 0 : i32
      %dma_start3A_46 = arith.constant 0 : i32
      %dma_start3A_47 = tpu.memref_slice %arg3[%run_scoped3A_24, %add3A, %dma_start3A_45, %dma_start3A_46] : memref<2x32x50x200xi32, #tpu.memory_space<hbm>> -> memref<1x1x50x200xi32, #tpu.memory_space<hbm>>
      %dma_start3A_48 = tpu.memref_squeeze %dma_start3A_47 : memref<1x1x50x200xi32, #tpu.memory_space<hbm>> -> memref<50x200xi32, #tpu.memory_space<hbm>>
      tpu.enqueue_dma source(%dma_start3A_48 : memref<50x200xi32, #tpu.memory_space<hbm>>) target(%arg6 : memref<50x200xi32, #tpu.memory_space<vmem>>) target_semaphore(%run_scoped3A_41 : memref<!tpu.dma_semaphore, #tpu.memory_space<semaphore_mem>>)
      %dma_wait3A = arith.constant 0 : i32
      %dma_wait3A_49 = arith.constant 0 : i32
      %dma_wait3A_50 = tpu.memref_slice %arg3[%run_scoped3A_24, %add3A, %dma_wait3A, %dma_wait3A_49] : memref<2x32x50x200xi32, #tpu.memory_space<hbm>> -> memref<1x1x50x200xi32, #tpu.memory_space<hbm>>
      %dma_wait3A_51 = tpu.memref_squeeze %dma_wait3A_50 : memref<1x1x50x200xi32, #tpu.memory_space<hbm>> -> memref<50x200xi32, #tpu.memory_space<hbm>>
      %dma_wait3A_52 = arith.constant 0 : i32
      %dma_wait3A_53 = arith.constant 0 : i32
      %dma_wait3A_54 = tpu.memref_slice %arg3[%run_scoped3A_24, %add3A, %dma_wait3A_52, %dma_wait3A_53] : memref<2x32x50x200xi32, #tpu.memory_space<hbm>> -> memref<1x1x50x200xi32, #tpu.memory_space<hbm>>
      %dma_wait3A_55 = tpu.memref_squeeze %dma_wait3A_54 : memref<1x1x50x200xi32, #tpu.memory_space<hbm>> -> memref<50x200xi32, #tpu.memory_space<hbm>>
      tpu.wait_dma2 semaphore(%run_scoped3A_41 : memref<!tpu.dma_semaphore, #tpu.memory_space<semaphore_mem>>) src(%dma_wait3A_55 : memref<50x200xi32, #tpu.memory_space<hbm>>) dst(%arg6 : memref<50x200xi32, #tpu.memory_space<vmem>>)
      tpu.yield
    }) : () -> ()
    %barrier3A = arith.constant 0 : index
    tpu.barrier barrier_id(%barrier3A)
    %scan3A_25 = arith.constant 0 : i32
    %scan3A_26 = arith.constant 0 : i32
    %scan3A_27 = arith.constant 10 : i32
    %scan3A_28 = arith.addi %scan3A_26, %scan3A_27 : i32
    %scan3A_29 = arith.constant 1 : i32
    scf.for %scan3A_41 = %scan3A_26 to %scan3A_28 step %scan3A_29  : i32 {
      %mul3A_42 = arith.constant 5 : i32
      %mul3A_43 = arith.muli %mul3A_42, %scan3A_41 : i32
      %add3A_44 = arith.constant 0 : i32
      %add3A_45 = arith.addi %mul3A_43, %add3A_44 : i32
      %dma_start3A = arith.constant 0 : i32
      %dma_start3A_46 = tpu.memref_slice %arg5[%add3A_45, %dma_start3A] : memref<50x200xi32, #tpu.memory_space<vmem>> -> memref<1x200xi32, #tpu.memory_space<vmem>>
      %dma_start3A_47 = tpu.memref_squeeze %dma_start3A_46 : memref<1x200xi32, #tpu.memory_space<vmem>> -> memref<200xi32, #tpu.memory_space<vmem>>
      %dma_start3A_48 = arith.constant 0 : i32
      %dma_start3A_49 = arith.constant 0 : i32
      %dma_start3A_50 = tpu.memref_slice %arg2[%dma_start3A_48, %dma_start3A_49] : memref<10000x128xi16, #tpu.memory_space<hbm>> -> memref<10000x128xi16, #tpu.memory_space<hbm>>
      tpu.enqueue_indirect_dma source(%dma_start3A_50 : memref<10000x128xi16, #tpu.memory_space<hbm>>) target(%arg7 : memref<200x128xi16, #tpu.memory_space<vmem>>) offsets(%dma_start3A_47 : memref<200xi32, #tpu.memory_space<vmem>>) semaphore(%arg13 : memref<!tpu.dma_semaphore, #tpu.memory_space<semaphore_mem>>)
      %add3A_51 = arith.constant 1 : i32
      %add3A_52 = arith.addi %mul3A_43, %add3A_51 : i32
      %dma_start3A_53 = arith.constant 0 : i32
      %dma_start3A_54 = tpu.memref_slice %arg5[%add3A_52, %dma_start3A_53] : memref<50x200xi32, #tpu.memory_space<vmem>> -> memref<1x200xi32, #tpu.memory_space<vmem>>
      %dma_start3A_55 = tpu.memref_squeeze %dma_start3A_54 : memref<1x200xi32, #tpu.memory_space<vmem>> -> memref<200xi32, #tpu.memory_space<vmem>>
      %dma_start3A_56 = arith.constant 0 : i32
      %dma_start3A_57 = arith.constant 0 : i32
      %dma_start3A_58 = tpu.memref_slice %arg2[%dma_start3A_56, %dma_start3A_57] : memref<10000x128xi16, #tpu.memory_space<hbm>> -> memref<10000x128xi16, #tpu.memory_space<hbm>>
      tpu.enqueue_indirect_dma source(%dma_start3A_58 : memref<10000x128xi16, #tpu.memory_space<hbm>>) target(%arg8 : memref<200x128xi16, #tpu.memory_space<vmem>>) offsets(%dma_start3A_55 : memref<200xi32, #tpu.memory_space<vmem>>) semaphore(%arg14 : memref<!tpu.dma_semaphore, #tpu.memory_space<semaphore_mem>>)
      %add3A_59 = arith.constant 2 : i32
      %add3A_60 = arith.addi %mul3A_43, %add3A_59 : i32
      %dma_start3A_61 = arith.constant 0 : i32
      %dma_start3A_62 = tpu.memref_slice %arg5[%add3A_60, %dma_start3A_61] : memref<50x200xi32, #tpu.memory_space<vmem>> -> memref<1x200xi32, #tpu.memory_space<vmem>>
      %dma_start3A_63 = tpu.memref_squeeze %dma_start3A_62 : memref<1x200xi32, #tpu.memory_space<vmem>> -> memref<200xi32, #tpu.memory_space<vmem>>
      %dma_start3A_64 = arith.constant 0 : i32
      %dma_start3A_65 = arith.constant 0 : i32
      %dma_start3A_66 = tpu.memref_slice %arg2[%dma_start3A_64, %dma_start3A_65] : memref<10000x128xi16, #tpu.memory_space<hbm>> -> memref<10000x128xi16, #tpu.memory_space<hbm>>
      tpu.enqueue_indirect_dma source(%dma_start3A_66 : memref<10000x128xi16, #tpu.memory_space<hbm>>) target(%arg9 : memref<200x128xi16, #tpu.memory_space<vmem>>) offsets(%dma_start3A_63 : memref<200xi32, #tpu.memory_space<vmem>>) semaphore(%arg15 : memref<!tpu.dma_semaphore, #tpu.memory_space<semaphore_mem>>)
      %add3A_67 = arith.constant 3 : i32
      %add3A_68 = arith.addi %mul3A_43, %add3A_67 : i32
      %dma_start3A_69 = arith.constant 0 : i32
      %dma_start3A_70 = tpu.memref_slice %arg5[%add3A_68, %dma_start3A_69] : memref<50x200xi32, #tpu.memory_space<vmem>> -> memref<1x200xi32, #tpu.memory_space<vmem>>
      %dma_start3A_71 = tpu.memref_squeeze %dma_start3A_70 : memref<1x200xi32, #tpu.memory_space<vmem>> -> memref<200xi32, #tpu.memory_space<vmem>>
      %dma_start3A_72 = arith.constant 0 : i32
      %dma_start3A_73 = arith.constant 0 : i32
      %dma_start3A_74 = tpu.memref_slice %arg2[%dma_start3A_72, %dma_start3A_73] : memref<10000x128xi16, #tpu.memory_space<hbm>> -> memref<10000x128xi16, #tpu.memory_space<hbm>>
      tpu.enqueue_indirect_dma source(%dma_start3A_74 : memref<10000x128xi16, #tpu.memory_space<hbm>>) target(%arg10 : memref<200x128xi16, #tpu.memory_space<vmem>>) offsets(%dma_start3A_71 : memref<200xi32, #tpu.memory_space<vmem>>) semaphore(%arg16 : memref<!tpu.dma_semaphore, #tpu.memory_space<semaphore_mem>>)
      %add3A_75 = arith.constant 4 : i32
      %add3A_76 = arith.addi %mul3A_43, %add3A_75 : i32
      %dma_start3A_77 = arith.constant 0 : i32
      %dma_start3A_78 = tpu.memref_slice %arg5[%add3A_76, %dma_start3A_77] : memref<50x200xi32, #tpu.memory_space<vmem>> -> memref<1x200xi32, #tpu.memory_space<vmem>>
      %dma_start3A_79 = tpu.memref_squeeze %dma_start3A_78 : memref<1x200xi32, #tpu.memory_space<vmem>> -> memref<200xi32, #tpu.memory_space<vmem>>
      %dma_start3A_80 = arith.constant 0 : i32
      %dma_start3A_81 = arith.constant 0 : i32
      %dma_start3A_82 = tpu.memref_slice %arg2[%dma_start3A_80, %dma_start3A_81] : memref<10000x128xi16, #tpu.memory_space<hbm>> -> memref<10000x128xi16, #tpu.memory_space<hbm>>
      tpu.enqueue_indirect_dma source(%dma_start3A_82 : memref<10000x128xi16, #tpu.memory_space<hbm>>) target(%arg11 : memref<200x128xi16, #tpu.memory_space<vmem>>) offsets(%dma_start3A_79 : memref<200xi32, #tpu.memory_space<vmem>>) semaphore(%arg17 : memref<!tpu.dma_semaphore, #tpu.memory_space<semaphore_mem>>)
      %dma_wait3A = arith.constant 0 : i32
      %dma_wait3A_83 = tpu.memref_slice %arg5[%add3A_45, %dma_wait3A] : memref<50x200xi32, #tpu.memory_space<vmem>> -> memref<1x200xi32, #tpu.memory_space<vmem>>
      %dma_wait3A_84 = tpu.memref_squeeze %dma_wait3A_83 : memref<1x200xi32, #tpu.memory_space<vmem>> -> memref<200xi32, #tpu.memory_space<vmem>>
      %dma_wait3A_85 = arith.constant 0 : i32
      %dma_wait3A_86 = arith.constant 0 : i32
      %dma_wait3A_87 = tpu.memref_slice %arg2[%dma_wait3A_85, %dma_wait3A_86] : memref<10000x128xi16, #tpu.memory_space<hbm>> -> memref<10000x128xi16, #tpu.memory_space<hbm>>
      tpu.wait_indirect_dma semaphore(%arg13 : memref<!tpu.dma_semaphore, #tpu.memory_space<semaphore_mem>>) src(%dma_wait3A_87 : memref<10000x128xi16, #tpu.memory_space<hbm>>) dst(%arg7 : memref<200x128xi16, #tpu.memory_space<vmem>>)
      %add3A_88 = arith.constant 0 : i32
      %add3A_89 = arith.addi %mul3A_43, %add3A_88 : i32
      %dma_start3A_90 = arith.constant 0 : i32
      %dma_start3A_91 = tpu.memref_slice %arg6[%add3A_89, %dma_start3A_90] : memref<50x200xi32, #tpu.memory_space<vmem>> -> memref<1x200xi32, #tpu.memory_space<vmem>>
      %dma_start3A_92 = tpu.memref_squeeze %dma_start3A_91 : memref<1x200xi32, #tpu.memory_space<vmem>> -> memref<200xi32, #tpu.memory_space<vmem>>
      %dma_start3A_93 = arith.constant 0 : i32
      %dma_start3A_94 = arith.constant 0 : i32
      %dma_start3A_95 = tpu.memref_slice %arg12[%dma_start3A_93, %dma_start3A_94] : memref<10000x128xi16, #tpu.memory_space<vmem_shared>> -> memref<10000x128xi16, #tpu.memory_space<vmem_shared>>
      tpu.enqueue_indirect_dma source(%arg7 : memref<200x128xi16, #tpu.memory_space<vmem>>) target(%dma_start3A_95 : memref<10000x128xi16, #tpu.memory_space<vmem_shared>>) offsets(%dma_start3A_92 : memref<200xi32, #tpu.memory_space<vmem>>) semaphore(%arg18 : memref<!tpu.dma_semaphore, #tpu.memory_space<semaphore_mem>>) {add = true}
      %dma_wait3A_96 = arith.constant 0 : i32
      %dma_wait3A_97 = tpu.memref_slice %arg5[%add3A_52, %dma_wait3A_96] : memref<50x200xi32, #tpu.memory_space<vmem>> -> memref<1x200xi32, #tpu.memory_space<vmem>>
      %dma_wait3A_98 = tpu.memref_squeeze %dma_wait3A_97 : memref<1x200xi32, #tpu.memory_space<vmem>> -> memref<200xi32, #tpu.memory_space<vmem>>
      %dma_wait3A_99 = arith.constant 0 : i32
      %dma_wait3A_100 = arith.constant 0 : i32
      %dma_wait3A_101 = tpu.memref_slice %arg2[%dma_wait3A_99, %dma_wait3A_100] : memref<10000x128xi16, #tpu.memory_space<hbm>> -> memref<10000x128xi16, #tpu.memory_space<hbm>>
      tpu.wait_indirect_dma semaphore(%arg14 : memref<!tpu.dma_semaphore, #tpu.memory_space<semaphore_mem>>) src(%dma_wait3A_101 : memref<10000x128xi16, #tpu.memory_space<hbm>>) dst(%arg8 : memref<200x128xi16, #tpu.memory_space<vmem>>)
      %add3A_102 = arith.constant 1 : i32
      %add3A_103 = arith.addi %mul3A_43, %add3A_102 : i32
      %dma_start3A_104 = arith.constant 0 : i32
      %dma_start3A_105 = tpu.memref_slice %arg6[%add3A_103, %dma_start3A_104] : memref<50x200xi32, #tpu.memory_space<vmem>> -> memref<1x200xi32, #tpu.memory_space<vmem>>
      %dma_start3A_106 = tpu.memref_squeeze %dma_start3A_105 : memref<1x200xi32, #tpu.memory_space<vmem>> -> memref<200xi32, #tpu.memory_space<vmem>>
      %dma_start3A_107 = arith.constant 0 : i32
      %dma_start3A_108 = arith.constant 0 : i32
      %dma_start3A_109 = tpu.memref_slice %arg12[%dma_start3A_107, %dma_start3A_108] : memref<10000x128xi16, #tpu.memory_space<vmem_shared>> -> memref<10000x128xi16, #tpu.memory_space<vmem_shared>>
      tpu.enqueue_indirect_dma source(%arg8 : memref<200x128xi16, #tpu.memory_space<vmem>>) target(%dma_start3A_109 : memref<10000x128xi16, #tpu.memory_space<vmem_shared>>) offsets(%dma_start3A_106 : memref<200xi32, #tpu.memory_space<vmem>>) semaphore(%arg19 : memref<!tpu.dma_semaphore, #tpu.memory_space<semaphore_mem>>) {add = true}
      %dma_wait3A_110 = arith.constant 0 : i32
      %dma_wait3A_111 = tpu.memref_slice %arg5[%add3A_60, %dma_wait3A_110] : memref<50x200xi32, #tpu.memory_space<vmem>> -> memref<1x200xi32, #tpu.memory_space<vmem>>
      %dma_wait3A_112 = tpu.memref_squeeze %dma_wait3A_111 : memref<1x200xi32, #tpu.memory_space<vmem>> -> memref<200xi32, #tpu.memory_space<vmem>>
      %dma_wait3A_113 = arith.constant 0 : i32
      %dma_wait3A_114 = arith.constant 0 : i32
      %dma_wait3A_115 = tpu.memref_slice %arg2[%dma_wait3A_113, %dma_wait3A_114] : memref<10000x128xi16, #tpu.memory_space<hbm>> -> memref<10000x128xi16, #tpu.memory_space<hbm>>
      tpu.wait_indirect_dma semaphore(%arg15 : memref<!tpu.dma_semaphore, #tpu.memory_space<semaphore_mem>>) src(%dma_wait3A_115 : memref<10000x128xi16, #tpu.memory_space<hbm>>) dst(%arg9 : memref<200x128xi16, #tpu.memory_space<vmem>>)
      %add3A_116 = arith.constant 2 : i32
      %add3A_117 = arith.addi %mul3A_43, %add3A_116 : i32
      %dma_start3A_118 = arith.constant 0 : i32
      %dma_start3A_119 = tpu.memref_slice %arg6[%add3A_117, %dma_start3A_118] : memref<50x200xi32, #tpu.memory_space<vmem>> -> memref<1x200xi32, #tpu.memory_space<vmem>>
      %dma_start3A_120 = tpu.memref_squeeze %dma_start3A_119 : memref<1x200xi32, #tpu.memory_space<vmem>> -> memref<200xi32, #tpu.memory_space<vmem>>
      %dma_start3A_121 = arith.constant 0 : i32
      %dma_start3A_122 = arith.constant 0 : i32
      %dma_start3A_123 = tpu.memref_slice %arg12[%dma_start3A_121, %dma_start3A_122] : memref<10000x128xi16, #tpu.memory_space<vmem_shared>> -> memref<10000x128xi16, #tpu.memory_space<vmem_shared>>
      tpu.enqueue_indirect_dma source(%arg9 : memref<200x128xi16, #tpu.memory_space<vmem>>) target(%dma_start3A_123 : memref<10000x128xi16, #tpu.memory_space<vmem_shared>>) offsets(%dma_start3A_120 : memref<200xi32, #tpu.memory_space<vmem>>) semaphore(%arg20 : memref<!tpu.dma_semaphore, #tpu.memory_space<semaphore_mem>>) {add = true}
      %dma_wait3A_124 = arith.constant 0 : i32
      %dma_wait3A_125 = tpu.memref_slice %arg5[%add3A_68, %dma_wait3A_124] : memref<50x200xi32, #tpu.memory_space<vmem>> -> memref<1x200xi32, #tpu.memory_space<vmem>>
      %dma_wait3A_126 = tpu.memref_squeeze %dma_wait3A_125 : memref<1x200xi32, #tpu.memory_space<vmem>> -> memref<200xi32, #tpu.memory_space<vmem>>
      %dma_wait3A_127 = arith.constant 0 : i32
      %dma_wait3A_128 = arith.constant 0 : i32
      %dma_wait3A_129 = tpu.memref_slice %arg2[%dma_wait3A_127, %dma_wait3A_128] : memref<10000x128xi16, #tpu.memory_space<hbm>> -> memref<10000x128xi16, #tpu.memory_space<hbm>>
      tpu.wait_indirect_dma semaphore(%arg16 : memref<!tpu.dma_semaphore, #tpu.memory_space<semaphore_mem>>) src(%dma_wait3A_129 : memref<10000x128xi16, #tpu.memory_space<hbm>>) dst(%arg10 : memref<200x128xi16, #tpu.memory_space<vmem>>)
      %add3A_130 = arith.constant 3 : i32
      %add3A_131 = arith.addi %mul3A_43, %add3A_130 : i32
      %dma_start3A_132 = arith.constant 0 : i32
      %dma_start3A_133 = tpu.memref_slice %arg6[%add3A_131, %dma_start3A_132] : memref<50x200xi32, #tpu.memory_space<vmem>> -> memref<1x200xi32, #tpu.memory_space<vmem>>
      %dma_start3A_134 = tpu.memref_squeeze %dma_start3A_133 : memref<1x200xi32, #tpu.memory_space<vmem>> -> memref<200xi32, #tpu.memory_space<vmem>>
      %dma_start3A_135 = arith.constant 0 : i32
      %dma_start3A_136 = arith.constant 0 : i32
      %dma_start3A_137 = tpu.memref_slice %arg12[%dma_start3A_135, %dma_start3A_136] : memref<10000x128xi16, #tpu.memory_space<vmem_shared>> -> memref<10000x128xi16, #tpu.memory_space<vmem_shared>>
      tpu.enqueue_indirect_dma source(%arg10 : memref<200x128xi16, #tpu.memory_space<vmem>>) target(%dma_start3A_137 : memref<10000x128xi16, #tpu.memory_space<vmem_shared>>) offsets(%dma_start3A_134 : memref<200xi32, #tpu.memory_space<vmem>>) semaphore(%arg21 : memref<!tpu.dma_semaphore, #tpu.memory_space<semaphore_mem>>) {add = true}
      %dma_wait3A_138 = arith.constant 0 : i32
      %dma_wait3A_139 = tpu.memref_slice %arg5[%add3A_76, %dma_wait3A_138] : memref<50x200xi32, #tpu.memory_space<vmem>> -> memref<1x200xi32, #tpu.memory_space<vmem>>
      %dma_wait3A_140 = tpu.memref_squeeze %dma_wait3A_139 : memref<1x200xi32, #tpu.memory_space<vmem>> -> memref<200xi32, #tpu.memory_space<vmem>>
      %dma_wait3A_141 = arith.constant 0 : i32
      %dma_wait3A_142 = arith.constant 0 : i32
      %dma_wait3A_143 = tpu.memref_slice %arg2[%dma_wait3A_141, %dma_wait3A_142] : memref<10000x128xi16, #tpu.memory_space<hbm>> -> memref<10000x128xi16, #tpu.memory_space<hbm>>
      tpu.wait_indirect_dma semaphore(%arg17 : memref<!tpu.dma_semaphore, #tpu.memory_space<semaphore_mem>>) src(%dma_wait3A_143 : memref<10000x128xi16, #tpu.memory_space<hbm>>) dst(%arg11 : memref<200x128xi16, #tpu.memory_space<vmem>>)
      %add3A_144 = arith.constant 4 : i32
      %add3A_145 = arith.addi %mul3A_43, %add3A_144 : i32
      %dma_start3A_146 = arith.constant 0 : i32
      %dma_start3A_147 = tpu.memref_slice %arg6[%add3A_145, %dma_start3A_146] : memref<50x200xi32, #tpu.memory_space<vmem>> -> memref<1x200xi32, #tpu.memory_space<vmem>>
      %dma_start3A_148 = tpu.memref_squeeze %dma_start3A_147 : memref<1x200xi32, #tpu.memory_space<vmem>> -> memref<200xi32, #tpu.memory_space<vmem>>
      %dma_start3A_149 = arith.constant 0 : i32
      %dma_start3A_150 = arith.constant 0 : i32
      %dma_start3A_151 = tpu.memref_slice %arg12[%dma_start3A_149, %dma_start3A_150] : memref<10000x128xi16, #tpu.memory_space<vmem_shared>> -> memref<10000x128xi16, #tpu.memory_space<vmem_shared>>
      tpu.enqueue_indirect_dma source(%arg11 : memref<200x128xi16, #tpu.memory_space<vmem>>) target(%dma_start3A_151 : memref<10000x128xi16, #tpu.memory_space<vmem_shared>>) offsets(%dma_start3A_148 : memref<200xi32, #tpu.memory_space<vmem>>) semaphore(%arg22 : memref<!tpu.dma_semaphore, #tpu.memory_space<semaphore_mem>>) {add = true}
      %dma_wait3A_152 = arith.constant 0 : i32
      %dma_wait3A_153 = tpu.memref_slice %arg6[%add3A_89, %dma_wait3A_152] : memref<50x200xi32, #tpu.memory_space<vmem>> -> memref<1x200xi32, #tpu.memory_space<vmem>>
      %dma_wait3A_154 = tpu.memref_squeeze %dma_wait3A_153 : memref<1x200xi32, #tpu.memory_space<vmem>> -> memref<200xi32, #tpu.memory_space<vmem>>
      %dma_wait3A_155 = arith.constant 0 : i32
      %dma_wait3A_156 = arith.constant 0 : i32
      %dma_wait3A_157 = tpu.memref_slice %arg12[%dma_wait3A_155, %dma_wait3A_156] : memref<10000x128xi16, #tpu.memory_space<vmem_shared>> -> memref<10000x128xi16, #tpu.memory_space<vmem_shared>>
      tpu.wait_indirect_dma semaphore(%arg18 : memref<!tpu.dma_semaphore, #tpu.memory_space<semaphore_mem>>) src(%arg7 : memref<200x128xi16, #tpu.memory_space<vmem>>) dst(%dma_wait3A_157 : memref<10000x128xi16, #tpu.memory_space<vmem_shared>>)
      %dma_wait3A_158 = arith.constant 0 : i32
      %dma_wait3A_159 = tpu.memref_slice %arg6[%add3A_103, %dma_wait3A_158] : memref<50x200xi32, #tpu.memory_space<vmem>> -> memref<1x200xi32, #tpu.memory_space<vmem>>
      %dma_wait3A_160 = tpu.memref_squeeze %dma_wait3A_159 : memref<1x200xi32, #tpu.memory_space<vmem>> -> memref<200xi32, #tpu.memory_space<vmem>>
      %dma_wait3A_161 = arith.constant 0 : i32
      %dma_wait3A_162 = arith.constant 0 : i32
      %dma_wait3A_163 = tpu.memref_slice %arg12[%dma_wait3A_161, %dma_wait3A_162] : memref<10000x128xi16, #tpu.memory_space<vmem_shared>> -> memref<10000x128xi16, #tpu.memory_space<vmem_shared>>
      tpu.wait_indirect_dma semaphore(%arg19 : memref<!tpu.dma_semaphore, #tpu.memory_space<semaphore_mem>>) src(%arg8 : memref<200x128xi16, #tpu.memory_space<vmem>>) dst(%dma_wait3A_163 : memref<10000x128xi16, #tpu.memory_space<vmem_shared>>)
      %dma_wait3A_164 = arith.constant 0 : i32
      %dma_wait3A_165 = tpu.memref_slice %arg6[%add3A_117, %dma_wait3A_164] : memref<50x200xi32, #tpu.memory_space<vmem>> -> memref<1x200xi32, #tpu.memory_space<vmem>>
      %dma_wait3A_166 = tpu.memref_squeeze %dma_wait3A_165 : memref<1x200xi32, #tpu.memory_space<vmem>> -> memref<200xi32, #tpu.memory_space<vmem>>
      %dma_wait3A_167 = arith.constant 0 : i32
      %dma_wait3A_168 = arith.constant 0 : i32
      %dma_wait3A_169 = tpu.memref_slice %arg12[%dma_wait3A_167, %dma_wait3A_168] : memref<10000x128xi16, #tpu.memory_space<vmem_shared>> -> memref<10000x128xi16, #tpu.memory_space<vmem_shared>>
      tpu.wait_indirect_dma semaphore(%arg20 : memref<!tpu.dma_semaphore, #tpu.memory_space<semaphore_mem>>) src(%arg9 : memref<200x128xi16, #tpu.memory_space<vmem>>) dst(%dma_wait3A_169 : memref<10000x128xi16, #tpu.memory_space<vmem_shared>>)
      %dma_wait3A_170 = arith.constant 0 : i32
      %dma_wait3A_171 = tpu.memref_slice %arg6[%add3A_131, %dma_wait3A_170] : memref<50x200xi32, #tpu.memory_space<vmem>> -> memref<1x200xi32, #tpu.memory_space<vmem>>
      %dma_wait3A_172 = tpu.memref_squeeze %dma_wait3A_171 : memref<1x200xi32, #tpu.memory_space<vmem>> -> memref<200xi32, #tpu.memory_space<vmem>>
      %dma_wait3A_173 = arith.constant 0 : i32
      %dma_wait3A_174 = arith.constant 0 : i32
      %dma_wait3A_175 = tpu.memref_slice %arg12[%dma_wait3A_173, %dma_wait3A_174] : memref<10000x128xi16, #tpu.memory_space<vmem_shared>> -> memref<10000x128xi16, #tpu.memory_space<vmem_shared>>
      tpu.wait_indirect_dma semaphore(%arg21 : memref<!tpu.dma_semaphore, #tpu.memory_space<semaphore_mem>>) src(%arg10 : memref<200x128xi16, #tpu.memory_space<vmem>>) dst(%dma_wait3A_175 : memref<10000x128xi16, #tpu.memory_space<vmem_shared>>)
      %dma_wait3A_176 = arith.constant 0 : i32
      %dma_wait3A_177 = tpu.memref_slice %arg6[%add3A_145, %dma_wait3A_176] : memref<50x200xi32, #tpu.memory_space<vmem>> -> memref<1x200xi32, #tpu.memory_space<vmem>>
      %dma_wait3A_178 = tpu.memref_squeeze %dma_wait3A_177 : memref<1x200xi32, #tpu.memory_space<vmem>> -> memref<200xi32, #tpu.memory_space<vmem>>
      %dma_wait3A_179 = arith.constant 0 : i32
      %dma_wait3A_180 = arith.constant 0 : i32
      %dma_wait3A_181 = tpu.memref_slice %arg12[%dma_wait3A_179, %dma_wait3A_180] : memref<10000x128xi16, #tpu.memory_space<vmem_shared>> -> memref<10000x128xi16, #tpu.memory_space<vmem_shared>>
      tpu.wait_indirect_dma semaphore(%arg22 : memref<!tpu.dma_semaphore, #tpu.memory_space<semaphore_mem>>) src(%arg11 : memref<200x128xi16, #tpu.memory_space<vmem>>) dst(%dma_wait3A_181 : memref<10000x128xi16, #tpu.memory_space<vmem_shared>>)
    }
    %scan3A_30 = arith.constant 10 : i32
    %barrier3A_31 = arith.constant 0 : index
    tpu.barrier barrier_id(%barrier3A_31)
    %mul3A_32 = arith.constant 624 : i32
    %mul3A_33 = arith.muli %arg1, %mul3A_32 : i32
    %mul3A_34 = arith.constant 624 : i32
    %mul3A_35 = arith.muli %arg1, %mul3A_34 : i32
    "tpu.region"() ({
      %run_scoped3A_41 = tpu.sem_alloc : memref<!tpu.dma_semaphore, #tpu.memory_space<semaphore_mem>>
      %dma_start3A = arith.constant 0 : i32
      %dma_start3A_42 = tpu.memref_slice %arg4[%arg0, %mul3A_35, %dma_start3A] : memref<2x10000x128xi16, #tpu.memory_space<hbm>> -> memref<1x624x128xi16, #tpu.memory_space<hbm>>
      %dma_start3A_43 = tpu.memref_squeeze %dma_start3A_42 : memref<1x624x128xi16, #tpu.memory_space<hbm>> -> memref<624x128xi16, #tpu.memory_space<hbm>>
      %dma_start3A_44 = arith.constant 0 : i32
      %dma_start3A_45 = tpu.memref_slice %arg12[%mul3A_33, %dma_start3A_44] : memref<10000x128xi16, #tpu.memory_space<vmem_shared>> -> memref<624x128xi16, #tpu.memory_space<vmem_shared>>
      tpu.enqueue_dma source(%dma_start3A_45 : memref<624x128xi16, #tpu.memory_space<vmem_shared>>) target(%dma_start3A_43 : memref<624x128xi16, #tpu.memory_space<hbm>>) target_semaphore(%run_scoped3A_41 : memref<!tpu.dma_semaphore, #tpu.memory_space<semaphore_mem>>)
      %dma_wait3A = arith.constant 0 : i32
      %dma_wait3A_46 = tpu.memref_slice %arg4[%arg0, %mul3A_35, %dma_wait3A] : memref<2x10000x128xi16, #tpu.memory_space<hbm>> -> memref<1x624x128xi16, #tpu.memory_space<hbm>>
      %dma_wait3A_47 = tpu.memref_squeeze %dma_wait3A_46 : memref<1x624x128xi16, #tpu.memory_space<hbm>> -> memref<624x128xi16, #tpu.memory_space<hbm>>
      %dma_wait3A_48 = arith.constant 0 : i32
      %dma_wait3A_49 = tpu.memref_slice %arg12[%mul3A_33, %dma_wait3A_48] : memref<10000x128xi16, #tpu.memory_space<vmem_shared>> -> memref<624x128xi16, #tpu.memory_space<vmem_shared>>
      tpu.wait_dma2 semaphore(%run_scoped3A_41 : memref<!tpu.dma_semaphore, #tpu.memory_space<semaphore_mem>>) src(%dma_wait3A_49 : memref<624x128xi16, #tpu.memory_space<vmem_shared>>) dst(%dma_wait3A_47 : memref<624x128xi16, #tpu.memory_space<hbm>>)
      tpu.yield
    }) : () -> ()
    %eq3A_36 = arith.constant 15 : i32
    %eq3A_37 = arith.cmpi eq, %arg1, %eq3A_36 : i32
    %convert_element_type3A_38 = arith.extui %eq3A_37 : i1 to i32
    %cond3A_39 = arith.constant 0 : i32
    %cond3A_40 = arith.cmpi ne, %convert_element_type3A_38, %cond3A_39 : i32
    scf.if %cond3A_40 {
      "tpu.region"() ({
        %run_scoped3A_41 = tpu.sem_alloc : memref<!tpu.dma_semaphore, #tpu.memory_space<semaphore_mem>>
        %dma_start3A = arith.constant 9984 : i32
        %dma_start3A_42 = arith.constant 0 : i32
        %dma_start3A_43 = tpu.memref_slice %arg4[%arg0, %dma_start3A, %dma_start3A_42] : memref<2x10000x128xi16, #tpu.memory_space<hbm>> -> memref<1x16x128xi16, #tpu.memory_space<hbm>>
        %dma_start3A_44 = tpu.memref_squeeze %dma_start3A_43 : memref<1x16x128xi16, #tpu.memory_space<hbm>> -> memref<16x128xi16, #tpu.memory_space<hbm>>
        %dma_start3A_45 = arith.constant 9984 : i32
        %dma_start3A_46 = arith.constant 0 : i32
        %dma_start3A_47 = tpu.memref_slice %arg12[%dma_start3A_45, %dma_start3A_46] : memref<10000x128xi16, #tpu.memory_space<vmem_shared>> -> memref<16x128xi16, #tpu.memory_space<vmem_shared>>
        tpu.enqueue_dma source(%dma_start3A_47 : memref<16x128xi16, #tpu.memory_space<vmem_shared>>) target(%dma_start3A_44 : memref<16x128xi16, #tpu.memory_space<hbm>>) target_semaphore(%run_scoped3A_41 : memref<!tpu.dma_semaphore, #tpu.memory_space<semaphore_mem>>)
        %dma_wait3A = arith.constant 9984 : i32
        %dma_wait3A_48 = arith.constant 0 : i32
        %dma_wait3A_49 = tpu.memref_slice %arg4[%arg0, %dma_wait3A, %dma_wait3A_48] : memref<2x10000x128xi16, #tpu.memory_space<hbm>> -> memref<1x16x128xi16, #tpu.memory_space<hbm>>
        %dma_wait3A_50 = tpu.memref_squeeze %dma_wait3A_49 : memref<1x16x128xi16, #tpu.memory_space<hbm>> -> memref<16x128xi16, #tpu.memory_space<hbm>>
        %dma_wait3A_51 = arith.constant 9984 : i32
        %dma_wait3A_52 = arith.constant 0 : i32
        %dma_wait3A_53 = tpu.memref_slice %arg12[%dma_wait3A_51, %dma_wait3A_52] : memref<10000x128xi16, #tpu.memory_space<vmem_shared>> -> memref<16x128xi16, #tpu.memory_space<vmem_shared>>
        tpu.wait_dma2 semaphore(%run_scoped3A_41 : memref<!tpu.dma_semaphore, #tpu.memory_space<semaphore_mem>>) src(%dma_wait3A_53 : memref<16x128xi16, #tpu.memory_space<vmem_shared>>) dst(%dma_wait3A_50 : memref<16x128xi16, #tpu.memory_space<hbm>>)
        tpu.yield
      }) : () -> ()
    } else {
    }
    return
  }
}

#map = affine_map<(d0, d1) -> (0, 0)>
#map1 = affine_map<(d0, d1) -> (0, 0, 0, 0)>
#map2 = affine_map<(d0, d1) -> (0, 0, 0)>
module attributes {stable_mosaic.version = 14 : i64} {
  func.func @_sc_aggregate_body(%arg0: i32, %arg1: i32, %arg2: memref<10000x128xi16, #tpu.memory_space<hbm>>, %arg3: memref<2x32x50x200xi32, #tpu.memory_space<hbm>>, %arg4: memref<2x10000x128xi16, #tpu.memory_space<hbm>>, %arg5: memref<50x200xi32, #tpu.memory_space<vmem>>, %arg6: memref<50x200xi32, #tpu.memory_space<vmem>>, %arg7: memref<200x128xi16, #tpu.memory_space<vmem>>, %arg8: memref<200x128xi16, #tpu.memory_space<vmem>>, %arg9: memref<200x128xi16, #tpu.memory_space<vmem>>, %arg10: memref<200x128xi16, #tpu.memory_space<vmem>>, %arg11: memref<200x128xi16, #tpu.memory_space<vmem>>, %arg12: memref<10000x128xi16, #tpu.memory_space<vmem_shared>>, %arg13: memref<!tpu.dma_semaphore, #tpu.memory_space<semaphore_mem>>, %arg14: memref<!tpu.dma_semaphore, #tpu.memory_space<semaphore_mem>>, %arg15: memref<!tpu.dma_semaphore, #tpu.memory_space<semaphore_mem>>, %arg16: memref<!tpu.dma_semaphore, #tpu.memory_space<semaphore_mem>>, %arg17: memref<!tpu.dma_semaphore, #tpu.memory_space<semaphore_mem>>, %arg18: memref<!tpu.dma_semaphore, #tpu.memory_space<semaphore_mem>>, %arg19: memref<!tpu.dma_semaphore, #tpu.memory_space<semaphore_mem>>, %arg20: memref<!tpu.dma_semaphore, #tpu.memory_space<semaphore_mem>>, %arg21: memref<!tpu.dma_semaphore, #tpu.memory_space<semaphore_mem>>, %arg22: memref<!tpu.dma_semaphore, #tpu.memory_space<semaphore_mem>>) attributes {dimension_semantics = [#tpu.dimension_semantics<core_parallel>, #tpu.dimension_semantics<subcore_parallel>], iteration_bounds = array<i64: 2, 16>, scalar_prefetch = 0 : i64, scratch_operands = 18 : i64, tpu.core_type = #tpu.core_type<sc_vector_subcore>, window_params = [{transform_indices = #map}, {transform_indices = #map1}, {transform_indices = #map2}]} {
    %mul3A = arith.constant 16 : i32
    %mul3A_0 = arith.muli %arg0, %mul3A : i32
    %add3A = arith.addi %mul3A_0, %arg1 : i32
    %scan3A = arith.constant 0 : i32
    %scan3A_1 = arith.constant 0 : i32
    %scan3A_2 = arith.constant 200 : i32
    %scan3A_3 = arith.addi %scan3A_1, %scan3A_2 : i32
    %scan3A_4 = arith.constant 1 : i32
    scf.for %scan3A_41 = %scan3A_1 to %scan3A_3 step %scan3A_4  : i32 {
      %broadcast_in_dim3A = arith.constant 0 : i16
      %broadcast_in_dim3A_42 = vector.broadcast %broadcast_in_dim3A : i16 to vector<32xi16>
      %swap3A = arith.index_cast %scan3A_41 : i32 to index
      %swap3A_43 = arith.constant 0 : index
      %swap3A_44 = tpu.vector_load %arg7[%swap3A, %swap3A_43] {strides = array<i32>} : memref<200x128xi16, #tpu.memory_space<vmem>>, vector<1x32xi16>,
      %swap3A_45 = vector.shape_cast %swap3A_44 : vector<1x32xi16> to vector<32xi16>
      %swap3A_46 = vector.shape_cast %broadcast_in_dim3A_42 : vector<32xi16> to vector<1x32xi16>
      tpu.vector_store %arg7[%swap3A, %swap3A_43], %swap3A_46 {strides = array<i32>} : memref<200x128xi16, #tpu.memory_space<vmem>>, vector<1x32xi16>,
      %broadcast_in_dim3A_47 = arith.constant 0 : i16
      %broadcast_in_dim3A_48 = vector.broadcast %broadcast_in_dim3A_47 : i16 to vector<32xi16>
      %swap3A_49 = arith.index_cast %scan3A_41 : i32 to index
      %swap3A_50 = arith.constant 32 : index
      %swap3A_51 = tpu.vector_load %arg7[%swap3A_49, %swap3A_50] {strides = array<i32>} : memref<200x128xi16, #tpu.memory_space<vmem>>, vector<1x32xi16>,
      %swap3A_52 = vector.shape_cast %swap3A_51 : vector<1x32xi16> to vector<32xi16>
      %swap3A_53 = vector.shape_cast %broadcast_in_dim3A_48 : vector<32xi16> to vector<1x32xi16>
      tpu.vector_store %arg7[%swap3A_49, %swap3A_50], %swap3A_53 {strides = array<i32>} : memref<200x128xi16, #tpu.memory_space<vmem>>, vector<1x32xi16>,
      %broadcast_in_dim3A_54 = arith.constant 0 : i16
      %broadcast_in_dim3A_55 = vector.broadcast %broadcast_in_dim3A_54 : i16 to vector<32xi16>
      %swap3A_56 = arith.index_cast %scan3A_41 : i32 to index
      %swap3A_57 = arith.constant 64 : index
      %swap3A_58 = tpu.vector_load %arg7[%swap3A_56, %swap3A_57] {strides = array<i32>} : memref<200x128xi16, #tpu.memory_space<vmem>>, vector<1x32xi16>,
      %swap3A_59 = vector.shape_cast %swap3A_58 : vector<1x32xi16> to vector<32xi16>
      %swap3A_60 = vector.shape_cast %broadcast_in_dim3A_55 : vector<32xi16> to vector<1x32xi16>
      tpu.vector_store %arg7[%swap3A_56, %swap3A_57], %swap3A_60 {strides = array<i32>} : memref<200x128xi16, #tpu.memory_space<vmem>>, vector<1x32xi16>,
      %broadcast_in_dim3A_61 = arith.constant 0 : i16
      %broadcast_in_dim3A_62 = vector.broadcast %broadcast_in_dim3A_61 : i16 to vector<32xi16>
      %swap3A_63 = arith.index_cast %scan3A_41 : i32 to index
      %swap3A_64 = arith.constant 96 : index
      %swap3A_65 = tpu.vector_load %arg7[%swap3A_63, %swap3A_64] {strides = array<i32>} : memref<200x128xi16, #tpu.memory_space<vmem>>, vector<1x32xi16>,
      %swap3A_66 = vector.shape_cast %swap3A_65 : vector<1x32xi16> to vector<32xi16>
      %swap3A_67 = vector.shape_cast %broadcast_in_dim3A_62 : vector<32xi16> to vector<1x32xi16>
      tpu.vector_store %arg7[%swap3A_63, %swap3A_64], %swap3A_67 {strides = array<i32>} : memref<200x128xi16, #tpu.memory_space<vmem>>, vector<1x32xi16>,
    }
    %scan3A_5 = arith.constant 200 : i32
    %mul3A_6 = arith.constant 624 : i32
    %mul3A_7 = arith.muli %arg1, %mul3A_6 : i32
    %add3A_8 = arith.constant 0 : i32
    %add3A_9 = arith.addi %mul3A_7, %add3A_8 : i32
    "tpu.region"() ({
      %run_scoped3A_41 = tpu.sem_alloc : memref<!tpu.dma_semaphore, #tpu.memory_space<semaphore_mem>>
      %dma_start3A = arith.constant 0 : i32
      %dma_start3A_42 = tpu.memref_slice %arg12[%add3A_9, %dma_start3A] : memref<10000x128xi16, #tpu.memory_space<vmem_shared>> -> memref<200x128xi16, #tpu.memory_space<vmem_shared>>
      %dma_start3A_43 = arith.constant 0 : i32
      %dma_start3A_44 = tpu.memref_slice %arg12[%add3A_9, %dma_start3A_43] : memref<10000x128xi16, #tpu.memory_space<vmem_shared>> -> memref<200x128xi16, #tpu.memory_space<vmem_shared>>
      tpu.enqueue_dma source(%arg7 : memref<200x128xi16, #tpu.memory_space<vmem>>) target(%dma_start3A_44 : memref<200x128xi16, #tpu.memory_space<vmem_shared>>) target_semaphore(%run_scoped3A_41 : memref<!tpu.dma_semaphore, #tpu.memory_space<semaphore_mem>>)
      %dma_wait3A = arith.constant 0 : i32
      %dma_wait3A_45 = tpu.memref_slice %arg12[%add3A_9, %dma_wait3A] : memref<10000x128xi16, #tpu.memory_space<vmem_shared>> -> memref<200x128xi16, #tpu.memory_space<vmem_shared>>
      %dma_wait3A_46 = arith.constant 0 : i32
      %dma_wait3A_47 = tpu.memref_slice %arg12[%add3A_9, %dma_wait3A_46] : memref<10000x128xi16, #tpu.memory_space<vmem_shared>> -> memref<200x128xi16, #tpu.memory_space<vmem_shared>>
      tpu.wait_dma2 semaphore(%run_scoped3A_41 : memref<!tpu.dma_semaphore, #tpu.memory_space<semaphore_mem>>) src(%arg7 : memref<200x128xi16, #tpu.memory_space<vmem>>) dst(%dma_wait3A_47 : memref<200x128xi16, #tpu.memory_space<vmem_shared>>)
      tpu.yield
    }) : () -> ()
    %mul3A_10 = arith.constant 624 : i32
    %mul3A_11 = arith.muli %arg1, %mul3A_10 : i32
    %add3A_12 = arith.constant 200 : i32
    %add3A_13 = arith.addi %mul3A_11, %add3A_12 : i32
    "tpu.region"() ({
      %run_scoped3A_41 = tpu.sem_alloc : memref<!tpu.dma_semaphore, #tpu.memory_space<semaphore_mem>>
      %dma_start3A = arith.constant 0 : i32
      %dma_start3A_42 = tpu.memref_slice %arg12[%add3A_13, %dma_start3A] : memref<10000x128xi16, #tpu.memory_space<vmem_shared>> -> memref<200x128xi16, #tpu.memory_space<vmem_shared>>
      %dma_start3A_43 = arith.constant 0 : i32
      %dma_start3A_44 = tpu.memref_slice %arg12[%add3A_13, %dma_start3A_43] : memref<10000x128xi16, #tpu.memory_space<vmem_shared>> -> memref<200x128xi16, #tpu.memory_space<vmem_shared>>
      tpu.enqueue_dma source(%arg7 : memref<200x128xi16, #tpu.memory_space<vmem>>) target(%dma_start3A_44 : memref<200x128xi16, #tpu.memory_space<vmem_shared>>) target_semaphore(%run_scoped3A_41 : memref<!tpu.dma_semaphore, #tpu.memory_space<semaphore_mem>>)
      %dma_wait3A = arith.constant 0 : i32
      %dma_wait3A_45 = tpu.memref_slice %arg12[%add3A_13, %dma_wait3A] : memref<10000x128xi16, #tpu.memory_space<vmem_shared>> -> memref<200x128xi16, #tpu.memory_space<vmem_shared>>
      %dma_wait3A_46 = arith.constant 0 : i32
      %dma_wait3A_47 = tpu.memref_slice %arg12[%add3A_13, %dma_wait3A_46] : memref<10000x128xi16, #tpu.memory_space<vmem_shared>> -> memref<200x128xi16, #tpu.memory_space<vmem_shared>>
      tpu.wait_dma2 semaphore(%run_scoped3A_41 : memref<!tpu.dma_semaphore, #tpu.memory_space<semaphore_mem>>) src(%arg7 : memref<200x128xi16, #tpu.memory_space<vmem>>) dst(%dma_wait3A_47 : memref<200x128xi16, #tpu.memory_space<vmem_shared>>)
      tpu.yield
    }) : () -> ()
    %mul3A_14 = arith.constant 624 : i32
    %mul3A_15 = arith.muli %arg1, %mul3A_14 : i32
    %add3A_16 = arith.constant 400 : i32
    %add3A_17 = arith.addi %mul3A_15, %add3A_16 : i32
    "tpu.region"() ({
      %run_scoped3A_41 = tpu.sem_alloc : memref<!tpu.dma_semaphore, #tpu.memory_space<semaphore_mem>>
      %dma_start3A = arith.constant 0 : i32
      %dma_start3A_42 = tpu.memref_slice %arg12[%add3A_17, %dma_start3A] : memref<10000x128xi16, #tpu.memory_space<vmem_shared>> -> memref<200x128xi16, #tpu.memory_space<vmem_shared>>
      %dma_start3A_43 = arith.constant 0 : i32
      %dma_start3A_44 = tpu.memref_slice %arg12[%add3A_17, %dma_start3A_43] : memref<10000x128xi16, #tpu.memory_space<vmem_shared>> -> memref<200x128xi16, #tpu.memory_space<vmem_shared>>
      tpu.enqueue_dma source(%arg7 : memref<200x128xi16, #tpu.memory_space<vmem>>) target(%dma_start3A_44 : memref<200x128xi16, #tpu.memory_space<vmem_shared>>) target_semaphore(%run_scoped3A_41 : memref<!tpu.dma_semaphore, #tpu.memory_space<semaphore_mem>>)
      %dma_wait3A = arith.constant 0 : i32
      %dma_wait3A_45 = tpu.memref_slice %arg12[%add3A_17, %dma_wait3A] : memref<10000x128xi16, #tpu.memory_space<vmem_shared>> -> memref<200x128xi16, #tpu.memory_space<vmem_shared>>
      %dma_wait3A_46 = arith.constant 0 : i32
      %dma_wait3A_47 = tpu.memref_slice %arg12[%add3A_17, %dma_wait3A_46] : memref<10000x128xi16, #tpu.memory_space<vmem_shared>> -> memref<200x128xi16, #tpu.memory_space<vmem_shared>>
      tpu.wait_dma2 semaphore(%run_scoped3A_41 : memref<!tpu.dma_semaphore, #tpu.memory_space<semaphore_mem>>) src(%arg7 : memref<200x128xi16, #tpu.memory_space<vmem>>) dst(%dma_wait3A_47 : memref<200x128xi16, #tpu.memory_space<vmem_shared>>)
      tpu.yield
    }) : () -> ()
    %mul3A_18 = arith.constant 624 : i32
    %mul3A_19 = arith.muli %arg1, %mul3A_18 : i32
    %add3A_20 = arith.constant 600 : i32
    %add3A_21 = arith.addi %mul3A_19, %add3A_20 : i32
    "tpu.region"() ({
      %run_scoped3A_41 = tpu.sem_alloc : memref<!tpu.dma_semaphore, #tpu.memory_space<semaphore_mem>>
      %dma_start3A = arith.constant 0 : i32
      %dma_start3A_42 = arith.constant 0 : i32
      %dma_start3A_43 = tpu.memref_slice %arg7[%dma_start3A, %dma_start3A_42] : memref<200x128xi16, #tpu.memory_space<vmem>> -> memref<24x128xi16, #tpu.memory_space<vmem>>
      %dma_start3A_44 = arith.constant 0 : i32
      %dma_start3A_45 = tpu.memref_slice %arg12[%add3A_21, %dma_start3A_44] : memref<10000x128xi16, #tpu.memory_space<vmem_shared>> -> memref<24x128xi16, #tpu.memory_space<vmem_shared>>
      %dma_start3A_46 = arith.constant 0 : i32
      %dma_start3A_47 = tpu.memref_slice %arg12[%add3A_21, %dma_start3A_46] : memref<10000x128xi16, #tpu.memory_space<vmem_shared>> -> memref<24x128xi16, #tpu.memory_space<vmem_shared>>
      %dma_start3A_48 = arith.constant 0 : i32
      %dma_start3A_49 = arith.constant 0 : i32
      %dma_start3A_50 = tpu.memref_slice %arg7[%dma_start3A_48, %dma_start3A_49] : memref<200x128xi16, #tpu.memory_space<vmem>> -> memref<24x128xi16, #tpu.memory_space<vmem>>
      tpu.enqueue_dma source(%dma_start3A_50 : memref<24x128xi16, #tpu.memory_space<vmem>>) target(%dma_start3A_47 : memref<24x128xi16, #tpu.memory_space<vmem_shared>>) target_semaphore(%run_scoped3A_41 : memref<!tpu.dma_semaphore, #tpu.memory_space<semaphore_mem>>)
      %dma_wait3A = arith.constant 0 : i32
      %dma_wait3A_51 = arith.constant 0 : i32
      %dma_wait3A_52 = tpu.memref_slice %arg7[%dma_wait3A, %dma_wait3A_51] : memref<200x128xi16, #tpu.memory_space<vmem>> -> memref<24x128xi16, #tpu.memory_space<vmem>>
      %dma_wait3A_53 = arith.constant 0 : i32
      %dma_wait3A_54 = tpu.memref_slice %arg12[%add3A_21, %dma_wait3A_53] : memref<10000x128xi16, #tpu.memory_space<vmem_shared>> -> memref<24x128xi16, #tpu.memory_space<vmem_shared>>
      %dma_wait3A_55 = arith.constant 0 : i32
      %dma_wait3A_56 = tpu.memref_slice %arg12[%add3A_21, %dma_wait3A_55] : memref<10000x128xi16, #tpu.memory_space<vmem_shared>> -> memref<24x128xi16, #tpu.memory_space<vmem_shared>>
      %dma_wait3A_57 = arith.constant 0 : i32
      %dma_wait3A_58 = arith.constant 0 : i32
      %dma_wait3A_59 = tpu.memref_slice %arg7[%dma_wait3A_57, %dma_wait3A_58] : memref<200x128xi16, #tpu.memory_space<vmem>> -> memref<24x128xi16, #tpu.memory_space<vmem>>
      tpu.wait_dma2 semaphore(%run_scoped3A_41 : memref<!tpu.dma_semaphore, #tpu.memory_space<semaphore_mem>>) src(%dma_wait3A_59 : memref<24x128xi16, #tpu.memory_space<vmem>>) dst(%dma_wait3A_56 : memref<24x128xi16, #tpu.memory_space<vmem_shared>>)
      tpu.yield
    }) : () -> ()
    %eq3A = arith.constant 15 : i32
    %eq3A_22 = arith.cmpi eq, %arg1, %eq3A : i32
    %convert_element_type3A = arith.extui %eq3A_22 : i1 to i32
    %cond3A = arith.constant 0 : i32
    %cond3A_23 = arith.cmpi ne, %convert_element_type3A, %cond3A : i32
    scf.if %cond3A_23 {
      "tpu.region"() ({
        %run_scoped3A_41 = tpu.sem_alloc : memref<!tpu.dma_semaphore, #tpu.memory_space<semaphore_mem>>
        %dma_start3A = arith.constant 0 : i32
        %dma_start3A_42 = arith.constant 0 : i32
        %dma_start3A_43 = tpu.memref_slice %arg7[%dma_start3A, %dma_start3A_42] : memref<200x128xi16, #tpu.memory_space<vmem>> -> memref<16x128xi16, #tpu.memory_space<vmem>>
        %dma_start3A_44 = arith.constant 9984 : i32
        %dma_start3A_45 = arith.constant 0 : i32
        %dma_start3A_46 = tpu.memref_slice %arg12[%dma_start3A_44, %dma_start3A_45] : memref<10000x128xi16, #tpu.memory_space<vmem_shared>> -> memref<16x128xi16, #tpu.memory_space<vmem_shared>>
        %dma_start3A_47 = arith.constant 9984 : i32
        %dma_start3A_48 = arith.constant 0 : i32
        %dma_start3A_49 = tpu.memref_slice %arg12[%dma_start3A_47, %dma_start3A_48] : memref<10000x128xi16, #tpu.memory_space<vmem_shared>> -> memref<16x128xi16, #tpu.memory_space<vmem_shared>>
        %dma_start3A_50 = arith.constant 0 : i32
        %dma_start3A_51 = arith.constant 0 : i32
        %dma_start3A_52 = tpu.memref_slice %arg7[%dma_start3A_50, %dma_start3A_51] : memref<200x128xi16, #tpu.memory_space<vmem>> -> memref<16x128xi16, #tpu.memory_space<vmem>>
        tpu.enqueue_dma source(%dma_start3A_52 : memref<16x128xi16, #tpu.memory_space<vmem>>) target(%dma_start3A_49 : memref<16x128xi16, #tpu.memory_space<vmem_shared>>) target_semaphore(%run_scoped3A_41 : memref<!tpu.dma_semaphore, #tpu.memory_space<semaphore_mem>>)
        %dma_wait3A = arith.constant 0 : i32
        %dma_wait3A_53 = arith.constant 0 : i32
        %dma_wait3A_54 = tpu.memref_slice %arg7[%dma_wait3A, %dma_wait3A_53] : memref<200x128xi16, #tpu.memory_space<vmem>> -> memref<16x128xi16, #tpu.memory_space<vmem>>
        %dma_wait3A_55 = arith.constant 9984 : i32
        %dma_wait3A_56 = arith.constant 0 : i32
        %dma_wait3A_57 = tpu.memref_slice %arg12[%dma_wait3A_55, %dma_wait3A_56] : memref<10000x128xi16, #tpu.memory_space<vmem_shared>> -> memref<16x128xi16, #tpu.memory_space<vmem_shared>>
        %dma_wait3A_58 = arith.constant 9984 : i32
        %dma_wait3A_59 = arith.constant 0 : i32
        %dma_wait3A_60 = tpu.memref_slice %arg12[%dma_wait3A_58, %dma_wait3A_59] : memref<10000x128xi16, #tpu.memory_space<vmem_shared>> -> memref<16x128xi16, #tpu.memory_space<vmem_shared>>
        %dma_wait3A_61 = arith.constant 0 : i32
        %dma_wait3A_62 = arith.constant 0 : i32
        %dma_wait3A_63 = tpu.memref_slice %arg7[%dma_wait3A_61, %dma_wait3A_62] : memref<200x128xi16, #tpu.memory_space<vmem>> -> memref<16x128xi16, #tpu.memory_space<vmem>>
        tpu.wait_dma2 semaphore(%run_scoped3A_41 : memref<!tpu.dma_semaphore, #tpu.memory_space<semaphore_mem>>) src(%dma_wait3A_63 : memref<16x128xi16, #tpu.memory_space<vmem>>) dst(%dma_wait3A_60 : memref<16x128xi16, #tpu.memory_space<vmem_shared>>)
        tpu.yield
      }) : () -> ()
    } else {
    }
    %run_scoped3A = arith.constant 0 : i32
    "tpu.region"() ({
      %run_scoped3A_41 = tpu.sem_alloc : memref<!tpu.dma_semaphore, #tpu.memory_space<semaphore_mem>>
      %dma_start3A = arith.constant 0 : i32
      %dma_start3A_42 = arith.constant 0 : i32
      %dma_start3A_43 = tpu.memref_slice %arg3[%run_scoped3A, %add3A, %dma_start3A, %dma_start3A_42] : memref<2x32x50x200xi32, #tpu.memory_space<hbm>> -> memref<1x1x50x200xi32, #tpu.memory_space<hbm>>
      %dma_start3A_44 = tpu.memref_squeeze %dma_start3A_43 : memref<1x1x50x200xi32, #tpu.memory_space<hbm>> -> memref<50x200xi32, #tpu.memory_space<hbm>>
      %dma_start3A_45 = arith.constant 0 : i32
      %dma_start3A_46 = arith.constant 0 : i32
      %dma_start3A_47 = tpu.memref_slice %arg3[%run_scoped3A, %add3A, %dma_start3A_45, %dma_start3A_46] : memref<2x32x50x200xi32, #tpu.memory_space<hbm>> -> memref<1x1x50x200xi32, #tpu.memory_space<hbm>>
      %dma_start3A_48 = tpu.memref_squeeze %dma_start3A_47 : memref<1x1x50x200xi32, #tpu.memory_space<hbm>> -> memref<50x200xi32, #tpu.memory_space<hbm>>
      tpu.enqueue_dma source(%dma_start3A_48 : memref<50x200xi32, #tpu.memory_space<hbm>>) target(%arg5 : memref<50x200xi32, #tpu.memory_space<vmem>>) target_semaphore(%run_scoped3A_41 : memref<!tpu.dma_semaphore, #tpu.memory_space<semaphore_mem>>)
      %dma_wait3A = arith.constant 0 : i32
      %dma_wait3A_49 = arith.constant 0 : i32
      %dma_wait3A_50 = tpu.memref_slice %arg3[%run_scoped3A, %add3A, %dma_wait3A, %dma_wait3A_49] : memref<2x32x50x200xi32, #tpu.memory_space<hbm>> -> memref<1x1x50x200xi32, #tpu.memory_space<hbm>>
      %dma_wait3A_51 = tpu.memref_squeeze %dma_wait3A_50 : memref<1x1x50x200xi32, #tpu.memory_space<hbm>> -> memref<50x200xi32, #tpu.memory_space<hbm>>
      %dma_wait3A_52 = arith.constant 0 : i32
      %dma_wait3A_53 = arith.constant 0 : i32
      %dma_wait3A_54 = tpu.memref_slice %arg3[%run_scoped3A, %add3A, %dma_wait3A_52, %dma_wait3A_53] : memref<2x32x50x200xi32, #tpu.memory_space<hbm>> -> memref<1x1x50x200xi32, #tpu.memory_space<hbm>>
      %dma_wait3A_55 = tpu.memref_squeeze %dma_wait3A_54 : memref<1x1x50x200xi32, #tpu.memory_space<hbm>> -> memref<50x200xi32, #tpu.memory_space<hbm>>
      tpu.wait_dma2 semaphore(%run_scoped3A_41 : memref<!tpu.dma_semaphore, #tpu.memory_space<semaphore_mem>>) src(%dma_wait3A_55 : memref<50x200xi32, #tpu.memory_space<hbm>>) dst(%arg5 : memref<50x200xi32, #tpu.memory_space<vmem>>)
      tpu.yield
    }) : () -> ()
    %run_scoped3A_24 = arith.constant 1 : i32
    "tpu.region"() ({
      %run_scoped3A_41 = tpu.sem_alloc : memref<!tpu.dma_semaphore, #tpu.memory_space<semaphore_mem>>
      %dma_start3A = arith.constant 0 : i32
      %dma_start3A_42 = arith.constant 0 : i32
      %dma_start3A_43 = tpu.memref_slice %arg3[%run_scoped3A_24, %add3A, %dma_start3A, %dma_start3A_42] : memref<2x32x50x200xi32, #tpu.memory_space<hbm>> -> memref<1x1x50x200xi32, #tpu.memory_space<hbm>>
      %dma_start3A_44 = tpu.memref_squeeze %dma_start3A_43 : memref<1x1x50x200xi32, #tpu.memory_space<hbm>> -> memref<50x200xi32, #tpu.memory_space<hbm>>
      %dma_start3A_45 = arith.constant 0 : i32
      %dma_start3A_46 = arith.constant 0 : i32
      %dma_start3A_47 = tpu.memref_slice %arg3[%run_scoped3A_24, %add3A, %dma_start3A_45, %dma_start3A_46] : memref<2x32x50x200xi32, #tpu.memory_space<hbm>> -> memref<1x1x50x200xi32, #tpu.memory_space<hbm>>
      %dma_start3A_48 = tpu.memref_squeeze %dma_start3A_47 : memref<1x1x50x200xi32, #tpu.memory_space<hbm>> -> memref<50x200xi32, #tpu.memory_space<hbm>>
      tpu.enqueue_dma source(%dma_start3A_48 : memref<50x200xi32, #tpu.memory_space<hbm>>) target(%arg6 : memref<50x200xi32, #tpu.memory_space<vmem>>) target_semaphore(%run_scoped3A_41 : memref<!tpu.dma_semaphore, #tpu.memory_space<semaphore_mem>>)
      %dma_wait3A = arith.constant 0 : i32
      %dma_wait3A_49 = arith.constant 0 : i32
      %dma_wait3A_50 = tpu.memref_slice %arg3[%run_scoped3A_24, %add3A, %dma_wait3A, %dma_wait3A_49] : memref<2x32x50x200xi32, #tpu.memory_space<hbm>> -> memref<1x1x50x200xi32, #tpu.memory_space<hbm>>
      %dma_wait3A_51 = tpu.memref_squeeze %dma_wait3A_50 : memref<1x1x50x200xi32, #tpu.memory_space<hbm>> -> memref<50x200xi32, #tpu.memory_space<hbm>>
      %dma_wait3A_52 = arith.constant 0 : i32
      %dma_wait3A_53 = arith.constant 0 : i32
      %dma_wait3A_54 = tpu.memref_slice %arg3[%run_scoped3A_24, %add3A, %dma_wait3A_52, %dma_wait3A_53] : memref<2x32x50x200xi32, #tpu.memory_space<hbm>> -> memref<1x1x50x200xi32, #tpu.memory_space<hbm>>
      %dma_wait3A_55 = tpu.memref_squeeze %dma_wait3A_54 : memref<1x1x50x200xi32, #tpu.memory_space<hbm>> -> memref<50x200xi32, #tpu.memory_space<hbm>>
      tpu.wait_dma2 semaphore(%run_scoped3A_41 : memref<!tpu.dma_semaphore, #tpu.memory_space<semaphore_mem>>) src(%dma_wait3A_55 : memref<50x200xi32, #tpu.memory_space<hbm>>) dst(%arg6 : memref<50x200xi32, #tpu.memory_space<vmem>>)
      tpu.yield
    }) : () -> ()
    %barrier3A = arith.constant 0 : index
    tpu.barrier barrier_id(%barrier3A)
    %scan3A_25 = arith.constant 0 : i32
    %scan3A_26 = arith.constant 0 : i32
    %scan3A_27 = arith.constant 10 : i32
    %scan3A_28 = arith.addi %scan3A_26, %scan3A_27 : i32
    %scan3A_29 = arith.constant 1 : i32
    scf.for %scan3A_41 = %scan3A_26 to %scan3A_28 step %scan3A_29  : i32 {
      %mul3A_42 = arith.constant 5 : i32
      %mul3A_43 = arith.muli %mul3A_42, %scan3A_41 : i32
      %add3A_44 = arith.constant 0 : i32
      %add3A_45 = arith.addi %mul3A_43, %add3A_44 : i32
      %dma_start3A = arith.constant 0 : i32
      %dma_start3A_46 = tpu.memref_slice %arg5[%add3A_45, %dma_start3A] : memref<50x200xi32, #tpu.memory_space<vmem>> -> memref<1x200xi32, #tpu.memory_space<vmem>>
      %dma_start3A_47 = tpu.memref_squeeze %dma_start3A_46 : memref<1x200xi32, #tpu.memory_space<vmem>> -> memref<200xi32, #tpu.memory_space<vmem>>
      %dma_start3A_48 = arith.constant 0 : i32
      %dma_start3A_49 = arith.constant 0 : i32
      %dma_start3A_50 = tpu.memref_slice %arg2[%dma_start3A_48, %dma_start3A_49] : memref<10000x128xi16, #tpu.memory_space<hbm>> -> memref<10000x128xi16, #tpu.memory_space<hbm>>
      tpu.enqueue_indirect_dma source(%dma_start3A_50 : memref<10000x128xi16, #tpu.memory_space<hbm>>) target(%arg7 : memref<200x128xi16, #tpu.memory_space<vmem>>) offsets(%dma_start3A_47 : memref<200xi32, #tpu.memory_space<vmem>>) semaphore(%arg13 : memref<!tpu.dma_semaphore, #tpu.memory_space<semaphore_mem>>)
      %add3A_51 = arith.constant 1 : i32
      %add3A_52 = arith.addi %mul3A_43, %add3A_51 : i32
      %dma_start3A_53 = arith.constant 0 : i32
      %dma_start3A_54 = tpu.memref_slice %arg5[%add3A_52, %dma_start3A_53] : memref<50x200xi32, #tpu.memory_space<vmem>> -> memref<1x200xi32, #tpu.memory_space<vmem>>
      %dma_start3A_55 = tpu.memref_squeeze %dma_start3A_54 : memref<1x200xi32, #tpu.memory_space<vmem>> -> memref<200xi32, #tpu.memory_space<vmem>>
      %dma_start3A_56 = arith.constant 0 : i32
      %dma_start3A_57 = arith.constant 0 : i32
      %dma_start3A_58 = tpu.memref_slice %arg2[%dma_start3A_56, %dma_start3A_57] : memref<10000x128xi16, #tpu.memory_space<hbm>> -> memref<10000x128xi16, #tpu.memory_space<hbm>>
      tpu.enqueue_indirect_dma source(%dma_start3A_58 : memref<10000x128xi16, #tpu.memory_space<hbm>>) target(%arg8 : memref<200x128xi16, #tpu.memory_space<vmem>>) offsets(%dma_start3A_55 : memref<200xi32, #tpu.memory_space<vmem>>) semaphore(%arg14 : memref<!tpu.dma_semaphore, #tpu.memory_space<semaphore_mem>>)
      %add3A_59 = arith.constant 2 : i32
      %add3A_60 = arith.addi %mul3A_43, %add3A_59 : i32
      %dma_start3A_61 = arith.constant 0 : i32
      %dma_start3A_62 = tpu.memref_slice %arg5[%add3A_60, %dma_start3A_61] : memref<50x200xi32, #tpu.memory_space<vmem>> -> memref<1x200xi32, #tpu.memory_space<vmem>>
      %dma_start3A_63 = tpu.memref_squeeze %dma_start3A_62 : memref<1x200xi32, #tpu.memory_space<vmem>> -> memref<200xi32, #tpu.memory_space<vmem>>
      %dma_start3A_64 = arith.constant 0 : i32
      %dma_start3A_65 = arith.constant 0 : i32
      %dma_start3A_66 = tpu.memref_slice %arg2[%dma_start3A_64, %dma_start3A_65] : memref<10000x128xi16, #tpu.memory_space<hbm>> -> memref<10000x128xi16, #tpu.memory_space<hbm>>
      tpu.enqueue_indirect_dma source(%dma_start3A_66 : memref<10000x128xi16, #tpu.memory_space<hbm>>) target(%arg9 : memref<200x128xi16, #tpu.memory_space<vmem>>) offsets(%dma_start3A_63 : memref<200xi32, #tpu.memory_space<vmem>>) semaphore(%arg15 : memref<!tpu.dma_semaphore, #tpu.memory_space<semaphore_mem>>)
      %add3A_67 = arith.constant 3 : i32
      %add3A_68 = arith.addi %mul3A_43, %add3A_67 : i32
      %dma_start3A_69 = arith.constant 0 : i32
      %dma_start3A_70 = tpu.memref_slice %arg5[%add3A_68, %dma_start3A_69] : memref<50x200xi32, #tpu.memory_space<vmem>> -> memref<1x200xi32, #tpu.memory_space<vmem>>
      %dma_start3A_71 = tpu.memref_squeeze %dma_start3A_70 : memref<1x200xi32, #tpu.memory_space<vmem>> -> memref<200xi32, #tpu.memory_space<vmem>>
      %dma_start3A_72 = arith.constant 0 : i32
      %dma_start3A_73 = arith.constant 0 : i32
      %dma_start3A_74 = tpu.memref_slice %arg2[%dma_start3A_72, %dma_start3A_73] : memref<10000x128xi16, #tpu.memory_space<hbm>> -> memref<10000x128xi16, #tpu.memory_space<hbm>>
      tpu.enqueue_indirect_dma source(%dma_start3A_74 : memref<10000x128xi16, #tpu.memory_space<hbm>>) target(%arg10 : memref<200x128xi16, #tpu.memory_space<vmem>>) offsets(%dma_start3A_71 : memref<200xi32, #tpu.memory_space<vmem>>) semaphore(%arg16 : memref<!tpu.dma_semaphore, #tpu.memory_space<semaphore_mem>>)
      %add3A_75 = arith.constant 4 : i32
      %add3A_76 = arith.addi %mul3A_43, %add3A_75 : i32
      %dma_start3A_77 = arith.constant 0 : i32
      %dma_start3A_78 = tpu.memref_slice %arg5[%add3A_76, %dma_start3A_77] : memref<50x200xi32, #tpu.memory_space<vmem>> -> memref<1x200xi32, #tpu.memory_space<vmem>>
      %dma_start3A_79 = tpu.memref_squeeze %dma_start3A_78 : memref<1x200xi32, #tpu.memory_space<vmem>> -> memref<200xi32, #tpu.memory_space<vmem>>
      %dma_start3A_80 = arith.constant 0 : i32
      %dma_start3A_81 = arith.constant 0 : i32
      %dma_start3A_82 = tpu.memref_slice %arg2[%dma_start3A_80, %dma_start3A_81] : memref<10000x128xi16, #tpu.memory_space<hbm>> -> memref<10000x128xi16, #tpu.memory_space<hbm>>
      tpu.enqueue_indirect_dma source(%dma_start3A_82 : memref<10000x128xi16, #tpu.memory_space<hbm>>) target(%arg11 : memref<200x128xi16, #tpu.memory_space<vmem>>) offsets(%dma_start3A_79 : memref<200xi32, #tpu.memory_space<vmem>>) semaphore(%arg17 : memref<!tpu.dma_semaphore, #tpu.memory_space<semaphore_mem>>)
      %dma_wait3A = arith.constant 0 : i32
      %dma_wait3A_83 = tpu.memref_slice %arg5[%add3A_45, %dma_wait3A] : memref<50x200xi32, #tpu.memory_space<vmem>> -> memref<1x200xi32, #tpu.memory_space<vmem>>
      %dma_wait3A_84 = tpu.memref_squeeze %dma_wait3A_83 : memref<1x200xi32, #tpu.memory_space<vmem>> -> memref<200xi32, #tpu.memory_space<vmem>>
      %dma_wait3A_85 = arith.constant 0 : i32
      %dma_wait3A_86 = arith.constant 0 : i32
      %dma_wait3A_87 = tpu.memref_slice %arg2[%dma_wait3A_85, %dma_wait3A_86] : memref<10000x128xi16, #tpu.memory_space<hbm>> -> memref<10000x128xi16, #tpu.memory_space<hbm>>
      tpu.wait_indirect_dma semaphore(%arg13 : memref<!tpu.dma_semaphore, #tpu.memory_space<semaphore_mem>>) src(%dma_wait3A_87 : memref<10000x128xi16, #tpu.memory_space<hbm>>) dst(%arg7 : memref<200x128xi16, #tpu.memory_space<vmem>>)
      %add3A_88 = arith.constant 0 : i32
      %add3A_89 = arith.addi %mul3A_43, %add3A_88 : i32
      %dma_start3A_90 = arith.constant 0 : i32
      %dma_start3A_91 = tpu.memref_slice %arg6[%add3A_89, %dma_start3A_90] : memref<50x200xi32, #tpu.memory_space<vmem>> -> memref<1x200xi32, #tpu.memory_space<vmem>>
      %dma_start3A_92 = tpu.memref_squeeze %dma_start3A_91 : memref<1x200xi32, #tpu.memory_space<vmem>> -> memref<200xi32, #tpu.memory_space<vmem>>
      %dma_start3A_93 = arith.constant 0 : i32
      %dma_start3A_94 = arith.constant 0 : i32
      %dma_start3A_95 = tpu.memref_slice %arg12[%dma_start3A_93, %dma_start3A_94] : memref<10000x128xi16, #tpu.memory_space<vmem_shared>> -> memref<10000x128xi16, #tpu.memory_space<vmem_shared>>
      tpu.enqueue_indirect_dma source(%arg7 : memref<200x128xi16, #tpu.memory_space<vmem>>) target(%dma_start3A_95 : memref<10000x128xi16, #tpu.memory_space<vmem_shared>>) offsets(%dma_start3A_92 : memref<200xi32, #tpu.memory_space<vmem>>) semaphore(%arg18 : memref<!tpu.dma_semaphore, #tpu.memory_space<semaphore_mem>>) {add = true}
      %dma_wait3A_96 = arith.constant 0 : i32
      %dma_wait3A_97 = tpu.memref_slice %arg5[%add3A_52, %dma_wait3A_96] : memref<50x200xi32, #tpu.memory_space<vmem>> -> memref<1x200xi32, #tpu.memory_space<vmem>>
      %dma_wait3A_98 = tpu.memref_squeeze %dma_wait3A_97 : memref<1x200xi32, #tpu.memory_space<vmem>> -> memref<200xi32, #tpu.memory_space<vmem>>
      %dma_wait3A_99 = arith.constant 0 : i32
      %dma_wait3A_100 = arith.constant 0 : i32
      %dma_wait3A_101 = tpu.memref_slice %arg2[%dma_wait3A_99, %dma_wait3A_100] : memref<10000x128xi16, #tpu.memory_space<hbm>> -> memref<10000x128xi16, #tpu.memory_space<hbm>>
      tpu.wait_indirect_dma semaphore(%arg14 : memref<!tpu.dma_semaphore, #tpu.memory_space<semaphore_mem>>) src(%dma_wait3A_101 : memref<10000x128xi16, #tpu.memory_space<hbm>>) dst(%arg8 : memref<200x128xi16, #tpu.memory_space<vmem>>)
      %add3A_102 = arith.constant 1 : i32
      %add3A_103 = arith.addi %mul3A_43, %add3A_102 : i32
      %dma_start3A_104 = arith.constant 0 : i32
      %dma_start3A_105 = tpu.memref_slice %arg6[%add3A_103, %dma_start3A_104] : memref<50x200xi32, #tpu.memory_space<vmem>> -> memref<1x200xi32, #tpu.memory_space<vmem>>
      %dma_start3A_106 = tpu.memref_squeeze %dma_start3A_105 : memref<1x200xi32, #tpu.memory_space<vmem>> -> memref<200xi32, #tpu.memory_space<vmem>>
      %dma_start3A_107 = arith.constant 0 : i32
      %dma_start3A_108 = arith.constant 0 : i32
      %dma_start3A_109 = tpu.memref_slice %arg12[%dma_start3A_107, %dma_start3A_108] : memref<10000x128xi16, #tpu.memory_space<vmem_shared>> -> memref<10000x128xi16, #tpu.memory_space<vmem_shared>>
      tpu.enqueue_indirect_dma source(%arg8 : memref<200x128xi16, #tpu.memory_space<vmem>>) target(%dma_start3A_109 : memref<10000x128xi16, #tpu.memory_space<vmem_shared>>) offsets(%dma_start3A_106 : memref<200xi32, #tpu.memory_space<vmem>>) semaphore(%arg19 : memref<!tpu.dma_semaphore, #tpu.memory_space<semaphore_mem>>) {add = true}
      %dma_wait3A_110 = arith.constant 0 : i32
      %dma_wait3A_111 = tpu.memref_slice %arg5[%add3A_60, %dma_wait3A_110] : memref<50x200xi32, #tpu.memory_space<vmem>> -> memref<1x200xi32, #tpu.memory_space<vmem>>
      %dma_wait3A_112 = tpu.memref_squeeze %dma_wait3A_111 : memref<1x200xi32, #tpu.memory_space<vmem>> -> memref<200xi32, #tpu.memory_space<vmem>>
      %dma_wait3A_113 = arith.constant 0 : i32
      %dma_wait3A_114 = arith.constant 0 : i32
      %dma_wait3A_115 = tpu.memref_slice %arg2[%dma_wait3A_113, %dma_wait3A_114] : memref<10000x128xi16, #tpu.memory_space<hbm>> -> memref<10000x128xi16, #tpu.memory_space<hbm>>
      tpu.wait_indirect_dma semaphore(%arg15 : memref<!tpu.dma_semaphore, #tpu.memory_space<semaphore_mem>>) src(%dma_wait3A_115 : memref<10000x128xi16, #tpu.memory_space<hbm>>) dst(%arg9 : memref<200x128xi16, #tpu.memory_space<vmem>>)
      %add3A_116 = arith.constant 2 : i32
      %add3A_117 = arith.addi %mul3A_43, %add3A_116 : i32
      %dma_start3A_118 = arith.constant 0 : i32
      %dma_start3A_119 = tpu.memref_slice %arg6[%add3A_117, %dma_start3A_118] : memref<50x200xi32, #tpu.memory_space<vmem>> -> memref<1x200xi32, #tpu.memory_space<vmem>>
      %dma_start3A_120 = tpu.memref_squeeze %dma_start3A_119 : memref<1x200xi32, #tpu.memory_space<vmem>> -> memref<200xi32, #tpu.memory_space<vmem>>
      %dma_start3A_121 = arith.constant 0 : i32
      %dma_start3A_122 = arith.constant 0 : i32
      %dma_start3A_123 = tpu.memref_slice %arg12[%dma_start3A_121, %dma_start3A_122] : memref<10000x128xi16, #tpu.memory_space<vmem_shared>> -> memref<10000x128xi16, #tpu.memory_space<vmem_shared>>
      tpu.enqueue_indirect_dma source(%arg9 : memref<200x128xi16, #tpu.memory_space<vmem>>) target(%dma_start3A_123 : memref<10000x128xi16, #tpu.memory_space<vmem_shared>>) offsets(%dma_start3A_120 : memref<200xi32, #tpu.memory_space<vmem>>) semaphore(%arg20 : memref<!tpu.dma_semaphore, #tpu.memory_space<semaphore_mem>>) {add = true}
      %dma_wait3A_124 = arith.constant 0 : i32
      %dma_wait3A_125 = tpu.memref_slice %arg5[%add3A_68, %dma_wait3A_124] : memref<50x200xi32, #tpu.memory_space<vmem>> -> memref<1x200xi32, #tpu.memory_space<vmem>>
      %dma_wait3A_126 = tpu.memref_squeeze %dma_wait3A_125 : memref<1x200xi32, #tpu.memory_space<vmem>> -> memref<200xi32, #tpu.memory_space<vmem>>
      %dma_wait3A_127 = arith.constant 0 : i32
      %dma_wait3A_128 = arith.constant 0 : i32
      %dma_wait3A_129 = tpu.memref_slice %arg2[%dma_wait3A_127, %dma_wait3A_128] : memref<10000x128xi16, #tpu.memory_space<hbm>> -> memref<10000x128xi16, #tpu.memory_space<hbm>>
      tpu.wait_indirect_dma semaphore(%arg16 : memref<!tpu.dma_semaphore, #tpu.memory_space<semaphore_mem>>) src(%dma_wait3A_129 : memref<10000x128xi16, #tpu.memory_space<hbm>>) dst(%arg10 : memref<200x128xi16, #tpu.memory_space<vmem>>)
      %add3A_130 = arith.constant 3 : i32
      %add3A_131 = arith.addi %mul3A_43, %add3A_130 : i32
      %dma_start3A_132 = arith.constant 0 : i32
      %dma_start3A_133 = tpu.memref_slice %arg6[%add3A_131, %dma_start3A_132] : memref<50x200xi32, #tpu.memory_space<vmem>> -> memref<1x200xi32, #tpu.memory_space<vmem>>
      %dma_start3A_134 = tpu.memref_squeeze %dma_start3A_133 : memref<1x200xi32, #tpu.memory_space<vmem>> -> memref<200xi32, #tpu.memory_space<vmem>>
      %dma_start3A_135 = arith.constant 0 : i32
      %dma_start3A_136 = arith.constant 0 : i32
      %dma_start3A_137 = tpu.memref_slice %arg12[%dma_start3A_135, %dma_start3A_136] : memref<10000x128xi16, #tpu.memory_space<vmem_shared>> -> memref<10000x128xi16, #tpu.memory_space<vmem_shared>>
      tpu.enqueue_indirect_dma source(%arg10 : memref<200x128xi16, #tpu.memory_space<vmem>>) target(%dma_start3A_137 : memref<10000x128xi16, #tpu.memory_space<vmem_shared>>) offsets(%dma_start3A_134 : memref<200xi32, #tpu.memory_space<vmem>>) semaphore(%arg21 : memref<!tpu.dma_semaphore, #tpu.memory_space<semaphore_mem>>) {add = true}
      %dma_wait3A_138 = arith.constant 0 : i32
      %dma_wait3A_139 = tpu.memref_slice %arg5[%add3A_76, %dma_wait3A_138] : memref<50x200xi32, #tpu.memory_space<vmem>> -> memref<1x200xi32, #tpu.memory_space<vmem>>
      %dma_wait3A_140 = tpu.memref_squeeze %dma_wait3A_139 : memref<1x200xi32, #tpu.memory_space<vmem>> -> memref<200xi32, #tpu.memory_space<vmem>>
      %dma_wait3A_141 = arith.constant 0 : i32
      %dma_wait3A_142 = arith.constant 0 : i32
      %dma_wait3A_143 = tpu.memref_slice %arg2[%dma_wait3A_141, %dma_wait3A_142] : memref<10000x128xi16, #tpu.memory_space<hbm>> -> memref<10000x128xi16, #tpu.memory_space<hbm>>
      tpu.wait_indirect_dma semaphore(%arg17 : memref<!tpu.dma_semaphore, #tpu.memory_space<semaphore_mem>>) src(%dma_wait3A_143 : memref<10000x128xi16, #tpu.memory_space<hbm>>) dst(%arg11 : memref<200x128xi16, #tpu.memory_space<vmem>>)
      %add3A_144 = arith.constant 4 : i32
      %add3A_145 = arith.addi %mul3A_43, %add3A_144 : i32
      %dma_start3A_146 = arith.constant 0 : i32
      %dma_start3A_147 = tpu.memref_slice %arg6[%add3A_145, %dma_start3A_146] : memref<50x200xi32, #tpu.memory_space<vmem>> -> memref<1x200xi32, #tpu.memory_space<vmem>>
      %dma_start3A_148 = tpu.memref_squeeze %dma_start3A_147 : memref<1x200xi32, #tpu.memory_space<vmem>> -> memref<200xi32, #tpu.memory_space<vmem>>
      %dma_start3A_149 = arith.constant 0 : i32
      %dma_start3A_150 = arith.constant 0 : i32
      %dma_start3A_151 = tpu.memref_slice %arg12[%dma_start3A_149, %dma_start3A_150] : memref<10000x128xi16, #tpu.memory_space<vmem_shared>> -> memref<10000x128xi16, #tpu.memory_space<vmem_shared>>
      tpu.enqueue_indirect_dma source(%arg11 : memref<200x128xi16, #tpu.memory_space<vmem>>) target(%dma_start3A_151 : memref<10000x128xi16, #tpu.memory_space<vmem_shared>>) offsets(%dma_start3A_148 : memref<200xi32, #tpu.memory_space<vmem>>) semaphore(%arg22 : memref<!tpu.dma_semaphore, #tpu.memory_space<semaphore_mem>>) {add = true}
      %dma_wait3A_152 = arith.constant 0 : i32
      %dma_wait3A_153 = tpu.memref_slice %arg6[%add3A_89, %dma_wait3A_152] : memref<50x200xi32, #tpu.memory_space<vmem>> -> memref<1x200xi32, #tpu.memory_space<vmem>>
      %dma_wait3A_154 = tpu.memref_squeeze %dma_wait3A_153 : memref<1x200xi32, #tpu.memory_space<vmem>> -> memref<200xi32, #tpu.memory_space<vmem>>
      %dma_wait3A_155 = arith.constant 0 : i32
      %dma_wait3A_156 = arith.constant 0 : i32
      %dma_wait3A_157 = tpu.memref_slice %arg12[%dma_wait3A_155, %dma_wait3A_156] : memref<10000x128xi16, #tpu.memory_space<vmem_shared>> -> memref<10000x128xi16, #tpu.memory_space<vmem_shared>>
      tpu.wait_indirect_dma semaphore(%arg18 : memref<!tpu.dma_semaphore, #tpu.memory_space<semaphore_mem>>) src(%arg7 : memref<200x128xi16, #tpu.memory_space<vmem>>) dst(%dma_wait3A_157 : memref<10000x128xi16, #tpu.memory_space<vmem_shared>>)
      %dma_wait3A_158 = arith.constant 0 : i32
      %dma_wait3A_159 = tpu.memref_slice %arg6[%add3A_103, %dma_wait3A_158] : memref<50x200xi32, #tpu.memory_space<vmem>> -> memref<1x200xi32, #tpu.memory_space<vmem>>
      %dma_wait3A_160 = tpu.memref_squeeze %dma_wait3A_159 : memref<1x200xi32, #tpu.memory_space<vmem>> -> memref<200xi32, #tpu.memory_space<vmem>>
      %dma_wait3A_161 = arith.constant 0 : i32
      %dma_wait3A_162 = arith.constant 0 : i32
      %dma_wait3A_163 = tpu.memref_slice %arg12[%dma_wait3A_161, %dma_wait3A_162] : memref<10000x128xi16, #tpu.memory_space<vmem_shared>> -> memref<10000x128xi16, #tpu.memory_space<vmem_shared>>
      tpu.wait_indirect_dma semaphore(%arg19 : memref<!tpu.dma_semaphore, #tpu.memory_space<semaphore_mem>>) src(%arg8 : memref<200x128xi16, #tpu.memory_space<vmem>>) dst(%dma_wait3A_163 : memref<10000x128xi16, #tpu.memory_space<vmem_shared>>)
      %dma_wait3A_164 = arith.constant 0 : i32
      %dma_wait3A_165 = tpu.memref_slice %arg6[%add3A_117, %dma_wait3A_164] : memref<50x200xi32, #tpu.memory_space<vmem>> -> memref<1x200xi32, #tpu.memory_space<vmem>>
      %dma_wait3A_166 = tpu.memref_squeeze %dma_wait3A_165 : memref<1x200xi32, #tpu.memory_space<vmem>> -> memref<200xi32, #tpu.memory_space<vmem>>
      %dma_wait3A_167 = arith.constant 0 : i32
      %dma_wait3A_168 = arith.constant 0 : i32
      %dma_wait3A_169 = tpu.memref_slice %arg12[%dma_wait3A_167, %dma_wait3A_168] : memref<10000x128xi16, #tpu.memory_space<vmem_shared>> -> memref<10000x128xi16, #tpu.memory_space<vmem_shared>>
      tpu.wait_indirect_dma semaphore(%arg20 : memref<!tpu.dma_semaphore, #tpu.memory_space<semaphore_mem>>) src(%arg9 : memref<200x128xi16, #tpu.memory_space<vmem>>) dst(%dma_wait3A_169 : memref<10000x128xi16, #tpu.memory_space<vmem_shared>>)
      %dma_wait3A_170 = arith.constant 0 : i32
      %dma_wait3A_171 = tpu.memref_slice %arg6[%add3A_131, %dma_wait3A_170] : memref<50x200xi32, #tpu.memory_space<vmem>> -> memref<1x200xi32, #tpu.memory_space<vmem>>
      %dma_wait3A_172 = tpu.memref_squeeze %dma_wait3A_171 : memref<1x200xi32, #tpu.memory_space<vmem>> -> memref<200xi32, #tpu.memory_space<vmem>>
      %dma_wait3A_173 = arith.constant 0 : i32
      %dma_wait3A_174 = arith.constant 0 : i32
      %dma_wait3A_175 = tpu.memref_slice %arg12[%dma_wait3A_173, %dma_wait3A_174] : memref<10000x128xi16, #tpu.memory_space<vmem_shared>> -> memref<10000x128xi16, #tpu.memory_space<vmem_shared>>
      tpu.wait_indirect_dma semaphore(%arg21 : memref<!tpu.dma_semaphore, #tpu.memory_space<semaphore_mem>>) src(%arg10 : memref<200x128xi16, #tpu.memory_space<vmem>>) dst(%dma_wait3A_175 : memref<10000x128xi16, #tpu.memory_space<vmem_shared>>)
      %dma_wait3A_176 = arith.constant 0 : i32
      %dma_wait3A_177 = tpu.memref_slice %arg6[%add3A_145, %dma_wait3A_176] : memref<50x200xi32, #tpu.memory_space<vmem>> -> memref<1x200xi32, #tpu.memory_space<vmem>>
      %dma_wait3A_178 = tpu.memref_squeeze %dma_wait3A_177 : memref<1x200xi32, #tpu.memory_space<vmem>> -> memref<200xi32, #tpu.memory_space<vmem>>
      %dma_wait3A_179 = arith.constant 0 : i32
      %dma_wait3A_180 = arith.constant 0 : i32
      %dma_wait3A_181 = tpu.memref_slice %arg12[%dma_wait3A_179, %dma_wait3A_180] : memref<10000x128xi16, #tpu.memory_space<vmem_shared>> -> memref<10000x128xi16, #tpu.memory_space<vmem_shared>>
      tpu.wait_indirect_dma semaphore(%arg22 : memref<!tpu.dma_semaphore, #tpu.memory_space<semaphore_mem>>) src(%arg11 : memref<200x128xi16, #tpu.memory_space<vmem>>) dst(%dma_wait3A_181 : memref<10000x128xi16, #tpu.memory_space<vmem_shared>>)
    }
    %scan3A_30 = arith.constant 10 : i32
    %barrier3A_31 = arith.constant 0 : index
    tpu.barrier barrier_id(%barrier3A_31)
    %mul3A_32 = arith.constant 624 : i32
    %mul3A_33 = arith.muli %arg1, %mul3A_32 : i32
    %mul3A_34 = arith.constant 624 : i32
    %mul3A_35 = arith.muli %arg1, %mul3A_34 : i32
    "tpu.region"() ({
      %run_scoped3A_41 = tpu.sem_alloc : memref<!tpu.dma_semaphore, #tpu.memory_space<semaphore_mem>>
      %dma_start3A = arith.constant 0 : i32
      %dma_start3A_42 = tpu.memref_slice %arg4[%arg0, %mul3A_35, %dma_start3A] : memref<2x10000x128xi16, #tpu.memory_space<hbm>> -> memref<1x624x128xi16, #tpu.memory_space<hbm>>
      %dma_start3A_43 = tpu.memref_squeeze %dma_start3A_42 : memref<1x624x128xi16, #tpu.memory_space<hbm>> -> memref<624x128xi16, #tpu.memory_space<hbm>>
      %dma_start3A_44 = arith.constant 0 : i32
      %dma_start3A_45 = tpu.memref_slice %arg12[%mul3A_33, %dma_start3A_44] : memref<10000x128xi16, #tpu.memory_space<vmem_shared>> -> memref<624x128xi16, #tpu.memory_space<vmem_shared>>
      tpu.enqueue_dma source(%dma_start3A_45 : memref<624x128xi16, #tpu.memory_space<vmem_shared>>) target(%dma_start3A_43 : memref<624x128xi16, #tpu.memory_space<hbm>>) target_semaphore(%run_scoped3A_41 : memref<!tpu.dma_semaphore, #tpu.memory_space<semaphore_mem>>)
      %dma_wait3A = arith.constant 0 : i32
      %dma_wait3A_46 = tpu.memref_slice %arg4[%arg0, %mul3A_35, %dma_wait3A] : memref<2x10000x128xi16, #tpu.memory_space<hbm>> -> memref<1x624x128xi16, #tpu.memory_space<hbm>>
      %dma_wait3A_47 = tpu.memref_squeeze %dma_wait3A_46 : memref<1x624x128xi16, #tpu.memory_space<hbm>> -> memref<624x128xi16, #tpu.memory_space<hbm>>
      %dma_wait3A_48 = arith.constant 0 : i32
      %dma_wait3A_49 = tpu.memref_slice %arg12[%mul3A_33, %dma_wait3A_48] : memref<10000x128xi16, #tpu.memory_space<vmem_shared>> -> memref<624x128xi16, #tpu.memory_space<vmem_shared>>
      tpu.wait_dma2 semaphore(%run_scoped3A_41 : memref<!tpu.dma_semaphore, #tpu.memory_space<semaphore_mem>>) src(%dma_wait3A_49 : memref<624x128xi16, #tpu.memory_space<vmem_shared>>) dst(%dma_wait3A_47 : memref<624x128xi16, #tpu.memory_space<hbm>>)
      tpu.yield
    }) : () -> ()
    %eq3A_36 = arith.constant 15 : i32
    %eq3A_37 = arith.cmpi eq, %arg1, %eq3A_36 : i32
    %convert_element_type3A_38 = arith.extui %eq3A_37 : i1 to i32
    %cond3A_39 = arith.constant 0 : i32
    %cond3A_40 = arith.cmpi ne, %convert_element_type3A_38, %cond3A_39 : i32
    scf.if %cond3A_40 {
      "tpu.region"() ({
        %run_scoped3A_41 = tpu.sem_alloc : memref<!tpu.dma_semaphore, #tpu.memory_space<semaphore_mem>>
        %dma_start3A = arith.constant 9984 : i32
        %dma_start3A_42 = arith.constant 0 : i32
        %dma_start3A_43 = tpu.memref_slice %arg4[%arg0, %dma_start3A, %dma_start3A_42] : memref<2x10000x128xi16, #tpu.memory_space<hbm>> -> memref<1x16x128xi16, #tpu.memory_space<hbm>>
        %dma_start3A_44 = tpu.memref_squeeze %dma_start3A_43 : memref<1x16x128xi16, #tpu.memory_space<hbm>> -> memref<16x128xi16, #tpu.memory_space<hbm>>
        %dma_start3A_45 = arith.constant 9984 : i32
        %dma_start3A_46 = arith.constant 0 : i32
        %dma_start3A_47 = tpu.memref_slice %arg12[%dma_start3A_45, %dma_start3A_46] : memref<10000x128xi16, #tpu.memory_space<vmem_shared>> -> memref<16x128xi16, #tpu.memory_space<vmem_shared>>
        tpu.enqueue_dma source(%dma_start3A_47 : memref<16x128xi16, #tpu.memory_space<vmem_shared>>) target(%dma_start3A_44 : memref<16x128xi16, #tpu.memory_space<hbm>>) target_semaphore(%run_scoped3A_41 : memref<!tpu.dma_semaphore, #tpu.memory_space<semaphore_mem>>)
        %dma_wait3A = arith.constant 9984 : i32
        %dma_wait3A_48 = arith.constant 0 : i32
        %dma_wait3A_49 = tpu.memref_slice %arg4[%arg0, %dma_wait3A, %dma_wait3A_48] : memref<2x10000x128xi16, #tpu.memory_space<hbm>> -> memref<1x16x128xi16, #tpu.memory_space<hbm>>
        %dma_wait3A_50 = tpu.memref_squeeze %dma_wait3A_49 : memref<1x16x128xi16, #tpu.memory_space<hbm>> -> memref<16x128xi16, #tpu.memory_space<hbm>>
        %dma_wait3A_51 = arith.constant 9984 : i32
        %dma_wait3A_52 = arith.constant 0 : i32
        %dma_wait3A_53 = tpu.memref_slice %arg12[%dma_wait3A_51, %dma_wait3A_52] : memref<10000x128xi16, #tpu.memory_space<vmem_shared>> -> memref<16x128xi16, #tpu.memory_space<vmem_shared>>
        tpu.wait_dma2 semaphore(%run_scoped3A_41 : memref<!tpu.dma_semaphore, #tpu.memory_space<semaphore_mem>>) src(%dma_wait3A_53 : memref<16x128xi16, #tpu.memory_space<vmem_shared>>) dst(%dma_wait3A_50 : memref<16x128xi16, #tpu.memory_space<hbm>>)
        tpu.yield
      }) : () -> ()
    } else {
    }
    return
  }
}

module attributes {stable_mosaic.version = 14 : i64} {
  func.func @_enc_body(%arg0: i32, %arg1: memref<2000x128xf32, #tpu.memory_space<vmem>>, %arg2: memref<2000x1xi32, #tpu.memory_space<vmem>>, %arg3: memref<128x128xf32, #tpu.memory_space<vmem>>, %arg4: memref<1x128xf32, #tpu.memory_space<vmem>>, %arg5: memref<128x128xf32, #tpu.memory_space<vmem>>, %arg6: memref<2000x128xi16, #tpu.memory_space<vmem>>) attributes {dimension_semantics = [#tpu.dimension_semantics<arbitrary>], iteration_bounds = array<i64: 5>, scalar_prefetch = 0 : i64, scratch_operands = 0 : i64, tpu.core_type = #tpu.core_type<tc>, window_params = [{transform_indices = @transform_0, window_bounds = array<i64: 2000, 128>}, {transform_indices = @transform_1, window_bounds = array<i64: 2000, 1>}, {pipeline_mode = #tpu.pipeline_mode<synchronous>, transform_indices = @transform_2, window_bounds = array<i64: 128, 128>}, {pipeline_mode = #tpu.pipeline_mode<synchronous>, transform_indices = @transform_3, window_bounds = array<i64: 1, 128>}, {pipeline_mode = #tpu.pipeline_mode<synchronous>, transform_indices = @transform_4, window_bounds = array<i64: 128, 128>}, {transform_indices = @transform_5, window_bounds = array<i64: 2000, 128>}]} {
    %get3A = arith.constant 0 : index
    %get3A_0 = arith.constant 0 : index
    %get3A_1 = vector.load %arg2[%get3A, %get3A_0] : memref<2000x1xi32, #tpu.memory_space<vmem>>, vector<2000x1xi32>
    %jit3A = arith.constant 0 : i32
    %jit3A_2 = arith.constant 19 : i32
    %max3A = vector.broadcast %jit3A : i32 to vector<2000x1xi32>
    %max3A_3 = arith.maxsi %max3A, %get3A_1 : vector<2000x1xi32>
    %min3A = vector.broadcast %jit3A_2 : i32 to vector<2000x1xi32>
    %min3A_4 = arith.minsi %min3A, %max3A_3 : vector<2000x1xi32>
    %iota3A = tpu.iota {dimensions = array<i32: 1>} : vector<2000x128xi32>
    %eq3A = vector.broadcast %min3A_4 : vector<2000x1xi32> to vector<2000x128xi32>
    %eq3A_5 = arith.cmpi eq, %eq3A, %iota3A : vector<2000x128xi32>
    %convert_element_type3A = arith.extui %eq3A_5 : vector<2000x128xi1> to vector<2000x128xi32>
    %convert_element_type3A_6 = arith.sitofp %convert_element_type3A : vector<2000x128xi32> to vector<2000x128xf32>
    %get3A_7 = arith.constant 0 : index
    %get3A_8 = arith.constant 0 : index
    %get3A_9 = vector.load %arg1[%get3A_7, %get3A_8] : memref<2000x128xf32, #tpu.memory_space<vmem>>, vector<2000x128xf32>
    %get3A_10 = arith.constant 0 : index
    %get3A_11 = arith.constant 0 : index
    %get3A_12 = vector.load %arg3[%get3A_10, %get3A_11] : memref<128x128xf32, #tpu.memory_space<vmem>>, vector<128x128xf32>
    %dot_general3A = arith.constant dense<0.000000e+00> : vector<2000x128xf32>
    %dot_general3A_13 = tpu.matmul %get3A_9, %get3A_12, %dot_general3A {dimension_numbers = #tpu.dot_dimension_numbers<[1], [0], [0], [1], [0, 0, 1, 1], [], []>, transpose_lhs_hint = false} : vector<2000x128xf32>, vector<128x128xf32>, vector<2000x128xf32> -> vector<2000x128xf32>
    %get3A_14 = arith.constant 0 : index
    %get3A_15 = arith.constant 0 : index
    %get3A_16 = vector.load %arg4[%get3A_14, %get3A_15] : memref<1x128xf32, #tpu.memory_space<vmem>>, vector<1x128xf32>
    %add3A = vector.broadcast %get3A_16 : vector<1x128xf32> to vector<2000x128xf32>
    %add3A_17 = arith.addf %dot_general3A_13, %add3A : vector<2000x128xf32>
    %get3A_18 = arith.constant 0 : index
    %get3A_19 = arith.constant 0 : index
    %get3A_20 = vector.load %arg5[%get3A_18, %get3A_19] : memref<128x128xf32, #tpu.memory_space<vmem>>, vector<128x128xf32>
    %dot_general3A_21 = arith.constant dense<0.000000e+00> : vector<2000x128xf32>
    %dot_general3A_22 = tpu.matmul %convert_element_type3A_6, %get3A_20, %dot_general3A_21 {dimension_numbers = #tpu.dot_dimension_numbers<[1], [0], [0], [1], [0, 0, 1, 1], [], []>, transpose_lhs_hint = false} : vector<2000x128xf32>, vector<128x128xf32>, vector<2000x128xf32> -> vector<2000x128xf32>
    %add3A_23 = arith.addf %add3A_17, %dot_general3A_22 : vector<2000x128xf32>
    %mul3A = arith.constant 2.560000e+02 : f32
    %mul3A_24 = vector.broadcast %mul3A : f32 to vector<2000x128xf32>
    %mul3A_25 = arith.mulf %add3A_23, %mul3A_24 : vector<2000x128xf32>
    %add3A_26 = arith.constant 5.000000e-01 : f32
    %add3A_27 = vector.broadcast %add3A_26 : f32 to vector<2000x128xf32>
    %add3A_28 = arith.addf %mul3A_25, %add3A_27 : vector<2000x128xf32>
    %floor3A = math.floor %add3A_28 : vector<2000x128xf32>
    %convert_element_type3A_29 = arith.fptosi %floor3A : vector<2000x128xf32> to vector<2000x128xi16>
    %swap3A = arith.constant 0 : index
    %swap3A_30 = arith.constant 0 : index
    %swap3A_31 = vector.load %arg6[%swap3A, %swap3A_30] : memref<2000x128xi16, #tpu.memory_space<vmem>>, vector<2000x128xi16>
    tpu.vector_store %arg6[%swap3A, %swap3A_30], %convert_element_type3A_29 {strides = array<i32>} : memref<2000x128xi16, #tpu.memory_space<vmem>>, vector<2000x128xi16>,
    return
  }
  func.func @transform_0(%arg0: i32) -> (i32, i32) {
    %c0_i32 = arith.constant 0 : i32
    %c0_i32_0 = arith.constant 0 : i32
    return %arg0, %c0_i32 : i32, i32
  }
  func.func @transform_1(%arg0: i32) -> (i32, i32) {
    %c0_i32 = arith.constant 0 : i32
    %c0_i32_0 = arith.constant 0 : i32
    return %arg0, %c0_i32 : i32, i32
  }
  func.func @transform_2(%arg0: i32) -> (i32, i32) {
    %c0_i32 = arith.constant 0 : i32
    %c0_i32_0 = arith.constant 0 : i32
    %c0_i32_1 = arith.constant 0 : i32
    return %c0_i32, %c0_i32_0 : i32, i32
  }
  func.func @transform_3(%arg0: i32) -> (i32, i32) {
    %c0_i32 = arith.constant 0 : i32
    %c0_i32_0 = arith.constant 0 : i32
    %c0_i32_1 = arith.constant 0 : i32
    return %c0_i32, %c0_i32_0 : i32, i32
  }
  func.func @transform_4(%arg0: i32) -> (i32, i32) {
    %c0_i32 = arith.constant 0 : i32
    %c0_i32_0 = arith.constant 0 : i32
    %c0_i32_1 = arith.constant 0 : i32
    return %c0_i32, %c0_i32_0 : i32, i32
  }
  func.func @transform_5(%arg0: i32) -> (i32, i32) {
    %c0_i32 = arith.constant 0 : i32
    %c0_i32_0 = arith.constant 0 : i32
    return %arg0, %c0_i32 : i32, i32
  }
}

module attributes {stable_mosaic.version = 14 : i64} {
  func.func @_bn_body(%arg0: memref<10000x128xi16, #tpu.memory_space<vmem>>, %arg1: memref<2x10000x128xi16, #tpu.memory_space<vmem>>, %arg2: memref<1x1xf32, #tpu.memory_space<vmem>>, %arg3: memref<1x128xf32, #tpu.memory_space<vmem>>, %arg4: memref<1x128xf32, #tpu.memory_space<vmem>>, %arg5: memref<10000x128xi16, #tpu.memory_space<vmem>>) attributes {dimension_semantics = [], scalar_prefetch = 0 : i64, scratch_operands = 0 : i64, tpu.core_type = #tpu.core_type<tc>} {
    %get3A = arith.constant 0 : index
    %get3A_0 = arith.constant 0 : index
    %get3A_1 = vector.load %arg0[%get3A, %get3A_0] : memref<10000x128xi16, #tpu.memory_space<vmem>>, vector<10000x128xi16>
    %convert_element_type3A = arith.sitofp %get3A_1 : vector<10000x128xi16> to vector<10000x128xf32>
    %get3A_2 = arith.constant 0 : index
    %get3A_3 = arith.constant 0 : index
    %get3A_4 = vector.load %arg2[%get3A_2, %get3A_3] : memref<1x1xf32, #tpu.memory_space<vmem>>, vector<1x1xf32>
    %get3A_5 = vector.extract %get3A_4[0, 0] : f32 from vector<1x1xf32>
    %add3A = arith.constant 1.000000e+00 : f32
    %add3A_6 = arith.addf %add3A, %get3A_5 : f32
    %mul3A = vector.broadcast %add3A_6 : f32 to vector<10000x128xf32>
    %mul3A_7 = arith.mulf %convert_element_type3A, %mul3A : vector<10000x128xf32>
    %get3A_8 = arith.constant 0 : index
    %get3A_9 = arith.constant 0 : index
    %get3A_10 = arith.constant 0 : index
    %get3A_11 = vector.load %arg1[%get3A_8, %get3A_9, %get3A_10] : memref<2x10000x128xi16, #tpu.memory_space<vmem>>, vector<1x10000x128xi16>
    %get3A_12 = vector.shape_cast %get3A_11 : vector<1x10000x128xi16> to vector<10000x128xi16>
    %convert_element_type3A_13 = arith.sitofp %get3A_12 : vector<10000x128xi16> to vector<10000x128xf32>
    %add3A_14 = arith.addf %mul3A_7, %convert_element_type3A_13 : vector<10000x128xf32>
    %get3A_15 = arith.constant 1 : index
    %get3A_16 = arith.constant 0 : index
    %get3A_17 = arith.constant 0 : index
    %get3A_18 = vector.load %arg1[%get3A_15, %get3A_16, %get3A_17] : memref<2x10000x128xi16, #tpu.memory_space<vmem>>, vector<1x10000x128xi16>
    %get3A_19 = vector.shape_cast %get3A_18 : vector<1x10000x128xi16> to vector<10000x128xi16>
    %convert_element_type3A_20 = arith.sitofp %get3A_19 : vector<10000x128xi16> to vector<10000x128xf32>
    %add3A_21 = arith.addf %add3A_14, %convert_element_type3A_20 : vector<10000x128xf32>
    %mul3A_22 = arith.constant 3.906250e-03 : f32
    %mul3A_23 = vector.broadcast %mul3A_22 : f32 to vector<10000x128xf32>
    %mul3A_24 = arith.mulf %add3A_21, %mul3A_23 : vector<10000x128xf32>
    %reduce_sum3A = arith.constant dense<0.000000e+00> : vector<128xf32>
    %reduce_sum3A_25 = vector.multi_reduction <add>, %mul3A_24, %reduce_sum3A [0] : vector<10000x128xf32> to vector<128xf32>
    %broadcast_in_dim3A = vector.shape_cast %reduce_sum3A_25 : vector<128xf32> to vector<1x128xf32>
    %div3A = arith.constant 1.000000e+04 : f32
    %div3A_26 = vector.broadcast %div3A : f32 to vector<1x128xf32>
    %div3A_27 = arith.divf %broadcast_in_dim3A, %div3A_26 : vector<1x128xf32>
    %mul3A_28 = arith.mulf %mul3A_24, %mul3A_24 : vector<10000x128xf32>
    %reduce_sum3A_29 = arith.constant dense<0.000000e+00> : vector<128xf32>
    %reduce_sum3A_30 = vector.multi_reduction <add>, %mul3A_28, %reduce_sum3A_29 [0] : vector<10000x128xf32> to vector<128xf32>
    %broadcast_in_dim3A_31 = vector.shape_cast %reduce_sum3A_30 : vector<128xf32> to vector<1x128xf32>
    %div3A_32 = arith.constant 1.000000e+04 : f32
    %div3A_33 = vector.broadcast %div3A_32 : f32 to vector<1x128xf32>
    %div3A_34 = arith.divf %broadcast_in_dim3A_31, %div3A_33 : vector<1x128xf32>
    %mul3A_35 = arith.mulf %div3A_27, %div3A_27 : vector<1x128xf32>
    %sub3A = arith.subf %div3A_34, %mul3A_35 : vector<1x128xf32>
    %sub3A_36 = vector.broadcast %div3A_27 : vector<1x128xf32> to vector<10000x128xf32>
    %sub3A_37 = arith.subf %mul3A_24, %sub3A_36 : vector<10000x128xf32>
    %add3A_38 = arith.constant 9.99999974E-6 : f32
    %add3A_39 = vector.broadcast %add3A_38 : f32 to vector<1x128xf32>
    %add3A_40 = arith.addf %sub3A, %add3A_39 : vector<1x128xf32>
    %rsqrt3A = math.rsqrt %add3A_40 : vector<1x128xf32>
    %mul3A_41 = vector.broadcast %rsqrt3A : vector<1x128xf32> to vector<10000x128xf32>
    %mul3A_42 = arith.mulf %sub3A_37, %mul3A_41 : vector<10000x128xf32>
    %get3A_43 = arith.constant 0 : index
    %get3A_44 = arith.constant 0 : index
    %get3A_45 = vector.load %arg3[%get3A_43, %get3A_44] : memref<1x128xf32, #tpu.memory_space<vmem>>, vector<1x128xf32>
    %mul3A_46 = vector.broadcast %get3A_45 : vector<1x128xf32> to vector<10000x128xf32>
    %mul3A_47 = arith.mulf %mul3A_42, %mul3A_46 : vector<10000x128xf32>
    %get3A_48 = arith.constant 0 : index
    %get3A_49 = arith.constant 0 : index
    %get3A_50 = vector.load %arg4[%get3A_48, %get3A_49] : memref<1x128xf32, #tpu.memory_space<vmem>>, vector<1x128xf32>
    %add3A_51 = vector.broadcast %get3A_50 : vector<1x128xf32> to vector<10000x128xf32>
    %add3A_52 = arith.addf %mul3A_47, %add3A_51 : vector<10000x128xf32>
    %max3A = arith.constant 0.000000e+00 : f32
    %max3A_53 = vector.broadcast %max3A : f32 to vector<10000x128xf32>
    %max3A_54 = arith.maximumf %add3A_52, %max3A_53 : vector<10000x128xf32>
    %mul3A_55 = arith.constant 2.560000e+02 : f32
    %mul3A_56 = vector.broadcast %mul3A_55 : f32 to vector<10000x128xf32>
    %mul3A_57 = arith.mulf %max3A_54, %mul3A_56 : vector<10000x128xf32>
    %add3A_58 = arith.constant 5.000000e-01 : f32
    %add3A_59 = vector.broadcast %add3A_58 : f32 to vector<10000x128xf32>
    %add3A_60 = arith.addf %mul3A_57, %add3A_59 : vector<10000x128xf32>
    %floor3A = math.floor %add3A_60 : vector<10000x128xf32>
    %convert_element_type3A_61 = arith.fptosi %floor3A : vector<10000x128xf32> to vector<10000x128xi16>
    %swap3A = arith.constant 0 : index
    %swap3A_62 = arith.constant 0 : index
    %swap3A_63 = vector.load %arg5[%swap3A, %swap3A_62] : memref<10000x128xi16, #tpu.memory_space<vmem>>, vector<10000x128xi16>
    tpu.vector_store %arg5[%swap3A, %swap3A_62], %convert_element_type3A_61 {strides = array<i32>} : memref<10000x128xi16, #tpu.memory_space<vmem>>, vector<10000x128xi16>,
    return
  }
}

module attributes {stable_mosaic.version = 14 : i64} {
  func.func @_bn_pool_body(%arg0: memref<10000x128xi16, #tpu.memory_space<vmem>>, %arg1: memref<2x10000x128xi16, #tpu.memory_space<vmem>>, %arg2: memref<1x1xf32, #tpu.memory_space<vmem>>, %arg3: memref<1x128xf32, #tpu.memory_space<vmem>>, %arg4: memref<1x128xf32, #tpu.memory_space<vmem>>, %arg5: memref<10000x1xi32, #tpu.memory_space<vmem>>, %arg6: memref<128x128xf32, #tpu.memory_space<vmem>>) attributes {dimension_semantics = [], scalar_prefetch = 0 : i64, scratch_operands = 0 : i64, tpu.core_type = #tpu.core_type<tc>} {
    %get3A = arith.constant 0 : index
    %get3A_0 = arith.constant 0 : index
    %get3A_1 = vector.load %arg0[%get3A, %get3A_0] : memref<10000x128xi16, #tpu.memory_space<vmem>>, vector<10000x128xi16>
    %convert_element_type3A = arith.sitofp %get3A_1 : vector<10000x128xi16> to vector<10000x128xf32>
    %get3A_2 = arith.constant 0 : index
    %get3A_3 = arith.constant 0 : index
    %get3A_4 = vector.load %arg2[%get3A_2, %get3A_3] : memref<1x1xf32, #tpu.memory_space<vmem>>, vector<1x1xf32>
    %get3A_5 = vector.extract %get3A_4[0, 0] : f32 from vector<1x1xf32>
    %add3A = arith.constant 1.000000e+00 : f32
    %add3A_6 = arith.addf %add3A, %get3A_5 : f32
    %mul3A = vector.broadcast %add3A_6 : f32 to vector<10000x128xf32>
    %mul3A_7 = arith.mulf %convert_element_type3A, %mul3A : vector<10000x128xf32>
    %get3A_8 = arith.constant 0 : index
    %get3A_9 = arith.constant 0 : index
    %get3A_10 = arith.constant 0 : index
    %get3A_11 = vector.load %arg1[%get3A_8, %get3A_9, %get3A_10] : memref<2x10000x128xi16, #tpu.memory_space<vmem>>, vector<1x10000x128xi16>
    %get3A_12 = vector.shape_cast %get3A_11 : vector<1x10000x128xi16> to vector<10000x128xi16>
    %convert_element_type3A_13 = arith.sitofp %get3A_12 : vector<10000x128xi16> to vector<10000x128xf32>
    %add3A_14 = arith.addf %mul3A_7, %convert_element_type3A_13 : vector<10000x128xf32>
    %get3A_15 = arith.constant 1 : index
    %get3A_16 = arith.constant 0 : index
    %get3A_17 = arith.constant 0 : index
    %get3A_18 = vector.load %arg1[%get3A_15, %get3A_16, %get3A_17] : memref<2x10000x128xi16, #tpu.memory_space<vmem>>, vector<1x10000x128xi16>
    %get3A_19 = vector.shape_cast %get3A_18 : vector<1x10000x128xi16> to vector<10000x128xi16>
    %convert_element_type3A_20 = arith.sitofp %get3A_19 : vector<10000x128xi16> to vector<10000x128xf32>
    %add3A_21 = arith.addf %add3A_14, %convert_element_type3A_20 : vector<10000x128xf32>
    %mul3A_22 = arith.constant 3.906250e-03 : f32
    %mul3A_23 = vector.broadcast %mul3A_22 : f32 to vector<10000x128xf32>
    %mul3A_24 = arith.mulf %add3A_21, %mul3A_23 : vector<10000x128xf32>
    %reduce_sum3A = arith.constant dense<0.000000e+00> : vector<128xf32>
    %reduce_sum3A_25 = vector.multi_reduction <add>, %mul3A_24, %reduce_sum3A [0] : vector<10000x128xf32> to vector<128xf32>
    %broadcast_in_dim3A = vector.shape_cast %reduce_sum3A_25 : vector<128xf32> to vector<1x128xf32>
    %div3A = arith.constant 1.000000e+04 : f32
    %div3A_26 = vector.broadcast %div3A : f32 to vector<1x128xf32>
    %div3A_27 = arith.divf %broadcast_in_dim3A, %div3A_26 : vector<1x128xf32>
    %mul3A_28 = arith.mulf %mul3A_24, %mul3A_24 : vector<10000x128xf32>
    %reduce_sum3A_29 = arith.constant dense<0.000000e+00> : vector<128xf32>
    %reduce_sum3A_30 = vector.multi_reduction <add>, %mul3A_28, %reduce_sum3A_29 [0] : vector<10000x128xf32> to vector<128xf32>
    %broadcast_in_dim3A_31 = vector.shape_cast %reduce_sum3A_30 : vector<128xf32> to vector<1x128xf32>
    %div3A_32 = arith.constant 1.000000e+04 : f32
    %div3A_33 = vector.broadcast %div3A_32 : f32 to vector<1x128xf32>
    %div3A_34 = arith.divf %broadcast_in_dim3A_31, %div3A_33 : vector<1x128xf32>
    %mul3A_35 = arith.mulf %div3A_27, %div3A_27 : vector<1x128xf32>
    %sub3A = arith.subf %div3A_34, %mul3A_35 : vector<1x128xf32>
    %sub3A_36 = vector.broadcast %div3A_27 : vector<1x128xf32> to vector<10000x128xf32>
    %sub3A_37 = arith.subf %mul3A_24, %sub3A_36 : vector<10000x128xf32>
    %add3A_38 = arith.constant 9.99999974E-6 : f32
    %add3A_39 = vector.broadcast %add3A_38 : f32 to vector<1x128xf32>
    %add3A_40 = arith.addf %sub3A, %add3A_39 : vector<1x128xf32>
    %rsqrt3A = math.rsqrt %add3A_40 : vector<1x128xf32>
    %mul3A_41 = vector.broadcast %rsqrt3A : vector<1x128xf32> to vector<10000x128xf32>
    %mul3A_42 = arith.mulf %sub3A_37, %mul3A_41 : vector<10000x128xf32>
    %get3A_43 = arith.constant 0 : index
    %get3A_44 = arith.constant 0 : index
    %get3A_45 = vector.load %arg3[%get3A_43, %get3A_44] : memref<1x128xf32, #tpu.memory_space<vmem>>, vector<1x128xf32>
    %mul3A_46 = vector.broadcast %get3A_45 : vector<1x128xf32> to vector<10000x128xf32>
    %mul3A_47 = arith.mulf %mul3A_42, %mul3A_46 : vector<10000x128xf32>
    %get3A_48 = arith.constant 0 : index
    %get3A_49 = arith.constant 0 : index
    %get3A_50 = vector.load %arg4[%get3A_48, %get3A_49] : memref<1x128xf32, #tpu.memory_space<vmem>>, vector<1x128xf32>
    %add3A_51 = vector.broadcast %get3A_50 : vector<1x128xf32> to vector<10000x128xf32>
    %add3A_52 = arith.addf %mul3A_47, %add3A_51 : vector<10000x128xf32>
    %get3A_53 = arith.constant 0 : index
    %get3A_54 = arith.constant 0 : index
    %get3A_55 = vector.load %arg5[%get3A_53, %get3A_54] : memref<10000x1xi32, #tpu.memory_space<vmem>>, vector<10000x1xi32>
    %iota3A = tpu.iota {dimensions = array<i32: 1>} : vector<10000x128xi32>
    %eq3A = vector.broadcast %get3A_55 : vector<10000x1xi32> to vector<10000x128xi32>
    %eq3A_56 = arith.cmpi eq, %eq3A, %iota3A : vector<10000x128xi32>
    %convert_element_type3A_57 = arith.extui %eq3A_56 : vector<10000x128xi1> to vector<10000x128xi32>
    %convert_element_type3A_58 = arith.sitofp %convert_element_type3A_57 : vector<10000x128xi32> to vector<10000x128xf32>
    %dot_general3A = arith.constant dense<0.000000e+00> : vector<128x128xf32>
    %dot_general3A_59 = tpu.matmul %convert_element_type3A_58, %add3A_52, %dot_general3A {dimension_numbers = #tpu.dot_dimension_numbers<[0], [0], [1], [1], [0, 1, 1, 1], [], []>, transpose_lhs_hint = false} : vector<10000x128xf32>, vector<10000x128xf32>, vector<128x128xf32> -> vector<128x128xf32>
    %swap3A = arith.constant 0 : index
    %swap3A_60 = arith.constant 0 : index
    %swap3A_61 = vector.load %arg6[%swap3A, %swap3A_60] : memref<128x128xf32, #tpu.memory_space<vmem>>, vector<128x128xf32>
    tpu.vector_store %arg6[%swap3A, %swap3A_60], %dot_general3A_59 {strides = array<i32>} : memref<128x128xf32, #tpu.memory_space<vmem>>, vector<128x128xf32>,
    return
  }
}

</mosaic_0001>

<sc_bundles>
// kernel: kernel.12.cloned.1.call-start
scs
__scs_entry_jumppad:
0x0: {  	(pc) =	sbr.rel $0x88, $3  }
0x1: {  	(tag) =	ssettag $0x0;
	lr =	simm.s32 $0x1  }
0x2: {  	[smem:$0x3F97] =	sst lr;
	_ =	strace $0xD0000000  }
0x3: {  	_ = 	snop  }
0x4: {  	_ = 	snop  }
0x5: {  	_ = 	snop  }
0x6: {  	_ = 	snop  }
0x7: {  	_ = 	snop  }
__scs_overlays_trampoline_lowered:
0x8: {  	[smem:$0x3FA6] =	sst s0  }
0x9: {  	[smem:$0x3FA7] =	sst s1  }
0xa: {  	[smem:$0x3FA8] =	sst s2  }
0xb: {  	[smem:$0x3FA9] =	sst s3  }
0xc: {  	[smem:$0x3FAA] =	sst s4  }
0xd: {  	[smem:$0x3FAB] =	sst s5  }
0xe: {  	[smem:$0x3FAC] =	sst s6  }
0xf: {  	[smem:$0x3FAD] =	sst s7  }
0x10: {  	[smem:$0x3FAE] =	sst s8  }
0x11: {  	[smem:$0x3FAF] =	sst s9;
	s0 =	simm.s32 @!p0 $0x0  }
0x12: {  	s1 =	sld [smem:$0x3F95];
	s0 =	simm.s32 @p0 $0x1  }
0x13: {  	[smem:$0x3FB0] =	sst s0;
	s0 =	simm.s32 @!p1 $0x0  }
0x14: {  	s2 =	sld [smem:$0x3F94];
	s0 =	simm.s32 @p1 $0x1  }
0x15: {  	[smem:$0x3FB1] =	sst s0;
	s0 =	simm.s32 @!p2 $0x0  }
0x16: {  	s3 =	sld [smem:$0x3FDB];
	s0 =	simm.s32 @p2 $0x1  }
0x17: {  	s4 =	simm.s32 $0x1BF5;
	[smem:$0x3FB3] =	sst s0  }
0x18: {  	s0 =	sld [smem:$0x3F96];
	_ =	swait.ge [sflag:s4], $0x0  }
0x19: {  	s7 =	sld [smem:$0x3F97]  }
0x1a: {  	s8 =	sadd.s32 $0xFFFFE003, lr  }
0x1b: {  	s9 =	sadd.s32 $0xFFFFFEF7, lr;
	s5 =	simm.s32 $0xFFFFFFFF;
	p2 =	slt.u32 s8, $0xFFFFF086  }
0x1c: {  	p1 =	slt.u32 s9, $0xF7A;
	s5 =	simm.s32 @!p2 $0x0  }
0x1d: {  	s5 =	simm.s32 @p1 $0x1;
	p0 =	seq.s32 s7, s2  }
0x1e: {  	s7 =	smul.u32 @!p0 $0xF7A, s2;
	p2 =	seq.s32 @!p0 s5, $0x0  }
0x1f: {  	s9 =	smul.u32 $0xF7A, s1;
	s8 =	simm.s32 @!p0 $0x1BF5;
	p2 =	por !p2, p0  }
0x20: {  	[sflag:s8] =	ssyncset.s32 @!p0 $0xFFFFF086;
	s6 =	sadd.s32 @!p0 s3, s7;
	s7 =	simm.s32 @!p0 $0x108  }
0x21: {  	s3 =	sadd.s32 s3, s9;
	s6 =	sadd.s32 @!p0 $0x88, s6;
	s7 =	simm.s32 @p2 $0x1082  }
0x22: {  	[simem:s7], [sflag:s8] =	dma.local @!p0 [hbm:s6], $0xF7A  }
0x23: {  	s9 =	sor.u32 $0xD0000000, s2;
	s6 =	simm.s32 $0x108;
	_ =	swait.ge @!p0 [sflag:s8], $0x0  }
0x24: {  	s3 =	sadd.s32 $0x88, s3;
	s6 =	simm.s32 @!p1 $0x1082;
	[sflag:s4] =	ssyncset.s32 $0xFFFFF086  }
0x25: {  	[simem:s6], [sflag:s4] =	dma.local [hbm:s3], $0xF7A  }
0x26: {  	[smem:$0x3F97] =	sst s1;
	(tag) =	ssettag s2;
	_ =	strace s9  }
0x27: {  	s1 =	sld [smem:$0x3FA7]  }
0x28: {  	s2 =	sld [smem:$0x3FA8]  }
0x29: {  	s4 =	sld [smem:$0x3FAA]  }
0x2a: {  	p0 =	seq.s32 s5, $0x0;
	s5 =	sld [smem:$0x3FAB]  }
0x2b: {  	s6 =	sld [smem:$0x3FAC]  }
0x2c: {  	s7 =	sld [smem:$0x3FAD]  }
0x2d: {  	s3 =	simm.s32 $0x108;
	s8 =	sld [smem:$0x3FAE]  }
0x2e: {  	s3 =	simm.s32 @!p0 $0x1082;
	s9 =	sld [smem:$0x3FAF]  }
0x2f: {  	lr =	sadd.s32 s0, s3;
	s0 =	sld [smem:$0x3FA6]  }
0x30: {  	s3 =	sld [smem:$0x3FA9]  }
0x31: {  	[smem:$0x3FB2] =	sst s10  }
0x32: {  	s10 =	sld [smem:$0x3FB0];
	_ =	sdelay $0x3  }
0x33: {  	p0 =	seq.s32 s10, $0x1;
	s10 =	sld [smem:$0x3FB2];
	_ =	sdelay $0x3  }
0x34: {  	[smem:$0x3FB2] =	sst s10  }
0x35: {  	s10 =	sld [smem:$0x3FB1];
	_ =	sdelay $0x3  }
0x36: {  	p1 =	seq.s32 s10, $0x1;
	s10 =	sld [smem:$0x3FB2];
	_ =	sdelay $0x3  }
0x37: {  	[smem:$0x3FB2] =	sst s10  }
0x38: {  	s10 =	sld [smem:$0x3FB3]  }
0x39: {  	_ = 	snop;
	(pc) =	sbr.ind lr, $3  }
0x3a: {  	_ = 	snop  }
0x3b: {  	_ = 	snop  }
0x3c: {  	p2 =	seq.s32 s10, $0x1;
	s10 =	sld [smem:$0x3FB2]  }
0x3d: {  	_ =	shalt  }
0x3e: {  	_ =	shalt  }
0x3f: {  	_ =	shalt  }
0x40: {  	_ =	shalt  }
0x41: {  	_ =	shalt  }
0x42: {  	_ =	shalt  }
0x43: {  	_ =	shalt  }
0x44: {  	_ =	shalt  }
0x45: {  	_ =	shalt  }
0x46: {  	_ =	shalt  }
0x47: {  	_ =	shalt  }
0x48: {  	_ =	shalt  }
0x49: {  	_ =	shalt  }
0x4a: {  	_ =	shalt  }
0x4b: {  	_ =	shalt  }
0x4c: {  	_ =	shalt  }
0x4d: {  	_ =	shalt  }
0x4e: {  	_ =	shalt  }
0x4f: {  	_ =	shalt  }
0x50: {  	_ =	shalt  }
0x51: {  	_ =	shalt  }
0x52: {  	_ =	shalt  }
0x53: {  	_ =	shalt  }
0x54: {  	_ =	shalt  }
0x55: {  	_ =	shalt  }
0x56: {  	_ =	shalt  }
0x57: {  	_ =	shalt  }
0x58: {  	_ =	shalt  }
0x59: {  	_ =	shalt  }
0x5a: {  	_ =	shalt  }
0x5b: {  	_ =	shalt  }
0x5c: {  	_ =	shalt  }
0x5d: {  	_ =	shalt  }
0x5e: {  	_ =	shalt  }
0x5f: {  	_ =	shalt  }
0x60: {  	_ =	shalt  }
0x61: {  	_ =	shalt  }
0x62: {  	_ =	shalt  }
0x63: {  	_ =	shalt  }
0x64: {  	_ =	shalt  }
0x65: {  	_ =	shalt  }
0x66: {  	_ =	shalt  }
0x67: {  	_ =	shalt  }
0x68: {  	_ =	shalt  }
0x69: {  	_ =	shalt  }
0x6a: {  	_ =	shalt  }
0x6b: {  	_ =	shalt  }
0x6c: {  	_ =	shalt  }
0x6d: {  	_ =	shalt  }
0x6e: {  	_ =	shalt  }
0x6f: {  	_ =	shalt  }
0x70: {  	_ =	shalt  }
0x71: {  	_ =	shalt  }
0x72: {  	_ =	shalt  }
0x73: {  	_ =	shalt  }
0x74: {  	_ =	shalt  }
0x75: {  	_ =	shalt  }
0x76: {  	_ =	shalt  }
0x77: {  	_ =	shalt  }
0x78: {  	_ =	shalt  }
0x79: {  	_ =	shalt  }
0x7a: {  	_ =	shalt  }
0x7b: {  	_ =	shalt  }
0x7c: {  	_ =	shalt  }
0x7d: {  	_ =	shalt  }
0x7e: {  	_ =	shalt  }
0x7f: {  	_ =	shalt  }
0x80: {  	_ =	shalt  }
0x81: {  	_ =	shalt  }
0x82: {  	_ =	shalt  }
0x83: {  	_ =	shalt  }
0x84: {  	_ =	shalt  }
0x85: {  	_ =	shalt  }
0x86: {  	_ =	shalt  }
0x87: {  	_ =	shalt  }
.Lfunc_end0:
.L_simem_size_0:
called_computation.1_lowered:
.L_overlay_start_0:
0x88: {  	s2 =	sld [smem:$0x3FD9]  }
0x89: {  	s3 =	sld [smem:$0x3FFE];
	_ =	sdelay $0x1  }
0x8a: {  	s1 =	srdreg.scid  }
0x8b: {  	s0 =	sand.u32 $0x1, s1  }
0x8c: {  	s16 =	sshll.u32 s0, $0xA;
	s2 =	sadd.s32 s3, s2  }
0x8d: {  	s2 =	sadd.s32 s2, s16  }
0x8e: {  	[smem:$0x3FBE] =	sst s2  }
0x8f: {  	_ = 	snop  }
0x90: {  	(tm) =	ssettm $0x1  }
0x91: {  	s17 =	sld [smem:$0x3FFB];
	_ =	sdelay $0x3  }
0x92: {  	_ =	strace s17  }
0x93: {  	s2 =	sld [smem:$0x3FFC];
	_ =	sdelay $0x3  }
0x94: {  	_ =	strace s2  }
0x95: {  	s2 =	sld [smem:$0x3FFD];
	_ =	sdelay $0x3  }
0x96: {  	_ =	strace s2  }
0x97: {  	_ =	strace $0x8FFFFFFF  }
0x98: {  	s18 =	sld [smem:$0x3FDB];
	_ =	sdelay $0x1  }
0x99: {  	s19 =	simm.s32 $_scs_section_size  }
0x9a: {  	s4 =	simm.s32 $_size__tile_overlayer_lowered;
	s5 =	simm.s32 $_tile_overlayer_lowered  }
0x9b: {  	s22 =	simm.s32 $0x1BFF;
	s21 =	sshll.u32 s5, $0x1;
	s2 =	sadd.s32 s19, s18  }
0x9c: {  	s6 =	simm.s32 $0x0;
	s20 =	sshll.u32 s4, $0x1;
	s4 =	sadd.s32 s21, s2  }
0x9d: {  	[timem:s6], [sflag:s22] =	dma.local [hbm:s4], s20  }
0x9e: {  	_ =	swait.ge [sflag:s22], s20  }
0x9f: {  	s3 =	ssub.s32 $0x0, s20;
	[sflag:s22] =	ssyncset.done $0x0  }
0xa0: {  	[sflag:s22] =	ssyncadd.s32 s3;
	_ =	sdelay $0x1  }
0xa1: {  	s23 =	simm.s32 $0x1B8B  }
0xa2: {  	_ =	swait.ge [sflag:s23], $0x1  }
0xa3: {  	[sflag:s23] =	ssyncset.done $0x0  }
0xa4: {  	s25 =	simm.s32 $0x1B8E;
	s24 =	sld [smem:$0x3FFE];
	[sflag:s23] =	ssyncadd.s32 $0xFFFFFFFF  }
0xa5: {  	s26 =	simm.s32 $execute0_lowered;
	[smem:$0x3FD2] =	sst s25  }
0xa6: {  	s4 =	sshll.u32 s26, $0x1;
	_ =	strace $0x80000049;
	[dreg:$0x1] =	wrdreg $0xFFFFFFFF  }
0xa7: {  	s28 =	simm.s32 $_size_execute0_lowered;
	s2 =	sadd.s32 s2, s4;
	[dreg:$0x0] =	wrdreg $0x0  }
0xa8: {  	s4 =	sshll.u32 s28, $0x1;
	[dreg:$0x2] =	wrdreg s2  }
0xa9: {  	[dreg:$0x3] =	wrdreg s4  }
0xaa: {  	[dreg:$0x4] =	wrdreg $0xC0  }
0xab: {  	_ =	task [dreg:s6], $0x5FFFF  }
0xac: {  	[dreg:$0x1] =	wrdreg $0xFFFFFFFF  }
0xad: {  	[dreg:$0x0] =	wrdreg $0x60  }
0xae: {  	[dreg:$0x2] =	wrdreg s24  }
0xaf: {  	[dreg:$0x3] =	wrdreg $0x148200  }
0xb0: {  	[dreg:$0x4] =	wrdreg $0x9  }
0xb1: {  	_ =	task.clear_ibuf [dreg:s6], $0x5FFFF;
	_ =	strace $0x90000049  }
0xb2: {  	s29 =	simm.s32 $0x9;
	_ =	strace $0x8000004B  }
0xb3: {  	_ =	swait.ge [sflag:s29], $0x1  }
0xb4: {  	[sflag:s29] =	ssyncadd.s32 $0xFFFFFFFF  }
0xb5: {  	_ =	strace $0x9000004B  }
0xb6: {  	_ =	sfence  }
0xb7: {  	s30 =	sld [smem:$0x0];
	_ =	sdelay $0x2  }
0xb8: {  	s31 =	sshll.u32 s1, $0xD;
	s1 =	sshrl.u32 s1, $0x2  }
0xb9: {  	s3 =	sand.u32 $0x4000, s31;
	s1 =	sadd.s32 s1, s30  }
0xba: {  	s0 =	sor.u32 s3, s0;
	s1 =	sshll.u32 s1, $0x11  }
0xbb: {  	s0 =	sor.u32 s1, s0  }
0xbc: {  	s0 =	sadd.s32 $0x8F2B, s0  }
0xbd: {  	[sflag:s0] =	ssyncadd.remote.s32 $0x1  }
0xbe: {  	_ =	sfence.sel $0xFFFF  }
0xbf: {  	[dreg:$0x0] =	wrdreg $0xFFFFFFFF;
	(pc) =	sbr.abs _section_cstart, $3  }
0xc0: {  	[dreg:$0x1] =	wrdreg $0xFFFFFFFF  }
0xc1: {  	_ =	task.clear_ibuf [dreg:s6], $0x2FFFF;
	_ =	strace $0x9FFFFFFF  }
0xc2: {  	(tm) =	ssettm $0x7FFFFFFF  }
0xc3: {  	_ =	shalt  }
tec
execute0_lowered:
.L_overlay_start_1:
0x0: {  	(tag) =	ssettag $0x1  }
0x1: {  	s0 =	srdreg.scid;
	s1 =	rddreg [dreg:$0x0]  }
0x2: {  	s2 =	rddreg [dreg:$0x1];
	s15 =	stileid.u32;
	s3 =	simm.s32 $0x0  }
0x3: {  	s16 =	simm.s32 $0xB;
	s18 =	simm.s32 $0xC8;
	s19 =	simm.s32 $0x8020  }
0x4: {  	s28 =	simm.s32 $0x5;
	s29 =	simm.s32 $0x6;
	s30 =	simm.s32 $0x7  }
0x5: {  	s31 =	simm.s32 $0x8;
	s17 =	simm.s32 $0xA;
	s7 =	smul.u32 $0x27000, s15  }
0x6: {  	s0 =	sand.u32 $0x1, s0;
	[smem:$0x7FF] =	sst s3;
	s10 =	smul.u32 $0x13800, s15  }
0x7: {  	p0 =	sne.s32 s15, $0xF;
	s4 =	sshll.u32 s0, $0x4;
	_ =	strace $0x8000004A  }
0x8: {  	s6 =	ssub.s32 $0x2, s0;
	s0 =	smul.u32 $0x138800, s0;
	s4 =	sor.u32 s15, s4  }
0x9: {  	s20 =	sshrl.u32 s6, $0x1;
	s21 =	sshrl.u32 s7, $0x2;
	s22 =	sshrl.u32 s10, $0x1  }
0xa: {  	s15 =	simm.s32 $0x4E20;
	s5 =	smul.u32 $0x2710, s4;
	s4 =	sadd.s32 $0x15C00, s1  }
0xb: {  	s6 =	ssub.s32 s6, s20;
	s9 =	sadd.s32 s21, s2;
	s26 =	sadd.s32 s10, s0  }
0xc: {  	s0 =	sshrl.u32 s0, $0x4;
	s20 =	simm.s32 $0xB220;
	s21 =	simm.s32 $0xE420  }
0xd: {  	s23 =	sadd.s32 $0x3200, s9;
	s24 =	sadd.s32 $0x6400, s9;
	s25 =	sadd.s32 $0x9600, s9  }
0xe: {  	s9 =	sadd.s32 $0x9C000, s2;
	s7 =	sshrl.u32 s26, $0x4;
	[dreg:$0x3] =	wrdreg s23  }
0xf: {  	s14 =	smax.u32 s6, $0x1;
	s26 =	simm.s32 $0x4;
	[dreg:$0x4] =	wrdreg s24  }
0x10: {  	s5 =	sshrl.u32 s5, $0x3;
	[dreg:$0x5] =	wrdreg s25;
	s23 =	simm.s32 $0x1  }
0x11: {  	s24 =	simm.s32 $0x2;
	s25 =	simm.s32 $0x3;
	s8 =	sadd.s32 s5, s1  }
0x12: {  	s1 =	sadd.s32 $0x29600, s1;
	s5 =	sadd.s32 s22, s2;
	s22 =	simm.s32 $0x11620  }
0x13: {  	s10 =	sadd.s32 $0x2200, s8;
	s11 =	sadd.s32 $0xBE40, s8;
	s0 =	sadd.s32 s1, s0  }
0x14: {  	v0 =	vimm.s32 $0x0;
	s12 =	sadd.s32 s1, s7;
	s13 =	sadd.s32 $0x13800, s0;
	s0 =	simm.s32 $0x9  }
.LBB2_1:
0x15: {  	s6 =	simm.s32 $0x100;
	s1 =	simm.s32 $0x0  }
.LBB2_2:
0x16: {  	p1 =	sne.s32 s6, $0xC700;
	[tilespmem:s1+$0x4E50] =	vst v0;
	s7 =	smov.u32 s6;
	s6 =	sadd.s32 $0x100, s6  }
.Ltmp0:
0x17: {  	[tilespmem:s1+$0x4E40] =	vst v0;
	(pc) =	sbr.rel @p1 .LBB2_2-.Ltmp0, $3  }
0x18: {  	[tilespmem:s1+$0x4E20] =	vst v0  }
0x19: {  	[tilespmem:s1+$0x4E30] =	vst v0;
	_ =	sdelay $0x1  }
0x1a: {  	s1 =	sshra.s32 s7, $0x2  }
0x1b: {  	[tilespmem:s1+$0x4E50] =	vst v0  }
0x1c: {  	[tilespmem:s1+$0x4E40] =	vst v0  }
0x1d: {  	[tilespmem:s1+$0x4E20] =	vst v0  }
0x1e: {  	[tilespmem:s1+$0x4E30] =	vst v0  }
0x1f: {  	[spmem:s5] =	stream.linear.scatter [tilespmem:s15], [sflag:$0xB], $0x3200, $0x38;
	[tilespmem:$0x1E460] =	vst v63  }
0x20: {  	_ =	swait.ge [sflag:s16], $0x3200  }
0x21: {  	[sflag:s16] =	ssyncset.done $0x0  }
0x22: {  	s7 =	rddreg [dreg:$0x3];
	[sflag:s16] =	ssyncadd.s32 $0xFFFFCE00  }
0x23: {  	[spmem:s7] =	stream.linear.scatter [tilespmem:s15], [sflag:$0xB], $0x3200, $0x38;
	[tilespmem:$0x1E460] =	vst v63  }
0x24: {  	_ =	swait.ge [sflag:s16], $0x3200  }
0x25: {  	[sflag:s16] =	ssyncset.done $0x0  }
0x26: {  	s8 =	rddreg [dreg:$0x4];
	[sflag:s16] =	ssyncadd.s32 $0xFFFFCE00  }
0x27: {  	[spmem:s8] =	stream.linear.scatter [tilespmem:s15], [sflag:$0xB], $0x3200, $0x38;
	[tilespmem:$0x1E460] =	vst v63  }
0x28: {  	_ =	swait.ge [sflag:s16], $0x3200  }
0x29: {  	[sflag:s16] =	ssyncset.done $0x0  }
0x2a: {  	s6 =	rddreg [dreg:$0x5];
	[sflag:s16] =	ssyncadd.s32 $0xFFFFCE00  }
0x2b: {  	[spmem:s6] =	stream.linear.scatter [tilespmem:s15], [sflag:$0xB], $0x600, $0x38;
	[tilespmem:$0x1E460] =	vst v63  }
0x2c: {  	_ =	swait.ge [sflag:s16], $0x600  }
0x2d: {  	[sflag:s16] =	ssyncset.done $0x0  }
0x2e: {  	s1 =	simm.s32 @!p0 $0x4E20;
	[sflag:s16] =	ssyncadd.s32 $0xFFFFFA00  }
0x2f: {  	[spmem:s9] =	stream.linear.scatter @!p0 [tilespmem:s1], [sflag:$0xB], $0x400, $0x38;
	[tilespmem:$0x1E460] =	vst v63  }
0x30: {  	s1 =	simm.s32 @!p0 $0xB  }
0x31: {  	_ =	swait.ge @!p0 [sflag:s1], $0x400  }
0x32: {  	[sflag:s1] =	ssyncset.done @!p0 $0x0  }
0x33: {  	s7 =	simm.s32 $0x0;
	[sflag:s1] =	ssyncadd.s32 @!p0 $0xFFFFFC00  }
0x34: {  	[tilespmem:s7], [sflag:$0xB] =	stream.linear.gather [hbm4b:s10+s7], $0x2710, $0x38;
	[tilespmem:$0x1E460] =	vst v63  }
0x35: {  	_ =	swait.ge [sflag:s16], $0x2710  }
0x36: {  	[sflag:s16] =	ssyncset.done $0x0  }
0x37: {  	s6 =	simm.s32 $0x2710;
	[sflag:s16] =	ssyncadd.s32 $0xFFFFD8F0  }
0x38: {  	[tilespmem:s6], [sflag:$0xB] =	stream.linear.gather [hbm4b:s11+s7], $0x2710, $0x38;
	[tilespmem:$0x1E460] =	vst v63  }
0x39: {  	_ =	swait.ge [sflag:s16], $0x2710  }
0x3a: {  	[sflag:s16] =	ssyncset.done $0x0  }
0x3b: {  	[sflag:s16] =	ssyncadd.s32 $0xFFFFD8F0  }
0x3c: {  	s8 =	simm.s32 $0x0;
	[bflag:$0x0] =	sbarrier.arrive $0xFFFF  }
0x3d: {  	[tilespmem:s15], [sflag:$0x1] =	stream.indirect.gather [hbm4b:s4+s18], $0x40, s8, s18, $0xb8;
	[tilespmem:$0x1E460] =	vst v63  }
0x3e: {  	s6 =	simm.s32 $0xC8  }
0x3f: {  	[tilespmem:s19], [sflag:$0x2] =	stream.indirect.gather [hbm4b:s4+s18], $0x40, s6, s18, $0xb8;
	[tilespmem:$0x1E460] =	vst v63  }
0x40: {  	s7 =	simm.s32 $0x190  }
0x41: {  	[tilespmem:s20], [sflag:$0x3] =	stream.indirect.gather [hbm4b:s4+s18], $0x40, s7, s18, $0xb8;
	[tilespmem:$0x1E460] =	vst v63  }
0x42: {  	s8 =	simm.s32 $0x258  }
0x43: {  	[tilespmem:s21], [sflag:$0x4] =	stream.indirect.gather [hbm4b:s4+s18], $0x40, s8, s18, $0xb8;
	[tilespmem:$0x1E460] =	vst v63  }
0x44: {  	s6 =	simm.s32 $0x320  }
0x45: {  	[tilespmem:s22], [sflag:$0x5] =	stream.indirect.gather [hbm4b:s4+s18], $0x40, s6, s18, $0xb8;
	[tilespmem:$0x1E460] =	vst v63  }
0x46: {  	_ =	swait.ge [sflag:s23], $0x3200  }
0x47: {  	[sflag:s23] =	ssyncset.done $0x0  }
0x48: {  	s7 =	simm.s32 $0x2710;
	[sflag:s23] =	ssyncadd.s32 $0xFFFFCE00  }
0x49: {  	[spmem:s2] =	stream.indirect.scatter.add.s16 [tilespmem:s15], [sflag:$0x6], $0x40, s7, s18, $0xb8;
	[tilespmem:$0x1E460] =	vst v63  }
0x4a: {  	_ =	swait.ge [sflag:s24], $0x3200  }
0x4b: {  	[sflag:s24] =	ssyncset.done $0x0  }
0x4c: {  	s8 =	simm.s32 $0x27D8;
	[sflag:s24] =	ssyncadd.s32 $0xFFFFCE00  }
0x4d: {  	[spmem:s2] =	stream.indirect.scatter.add.s16 [tilespmem:s19], [sflag:$0x7], $0x40, s8, s18, $0xb8;
	[tilespmem:$0x1E460] =	vst v63  }
0x4e: {  	_ =	swait.ge [sflag:s25], $0x3200  }
0x4f: {  	[sflag:s25] =	ssyncset.done $0x0  }
0x50: {  	s6 =	simm.s32 $0x28A0;
	[sflag:s25] =	ssyncadd.s32 $0xFFFFCE00  }
0x51: {  	[spmem:s2] =	stream.indirect.scatter.add.s16 [tilespmem:s20], [sflag:$0x8], $0x40, s6, s18, $0xb8;
	[tilespmem:$0x1E460] =	vst v63  }
0x52: {  	_ =	swait.ge [sflag:s26], $0x3200  }
0x53: {  	[sflag:s26] =	ssyncset.done $0x0  }
0x54: {  	s7 =	simm.s32 $0x2968;
	[sflag:s26] =	ssyncadd.s32 $0xFFFFCE00  }
0x55: {  	[spmem:s2] =	stream.indirect.scatter.add.s16 [tilespmem:s21], [sflag:$0x9], $0x40, s7, s18, $0xb8;
	[tilespmem:$0x1E460] =	vst v63  }
0x56: {  	_ =	swait.ge [sflag:s28], $0x3200  }
0x57: {  	[sflag:s28] =	ssyncset.done $0x0  }
0x58: {  	s8 =	simm.s32 $0x2A30;
	[sflag:s28] =	ssyncadd.s32 $0xFFFFCE00  }
0x59: {  	[spmem:s2] =	stream.indirect.scatter.add.s16 [tilespmem:s22], [sflag:$0xA], $0x40, s8, s18, $0xb8;
	[tilespmem:$0x1E460] =	vst v63  }
0x5a: {  	_ =	swait.ge [sflag:s29], $0x3200  }
0x5b: {  	[sflag:s29] =	ssyncset.done $0x0  }
0x5c: {  	[sflag:s29] =	ssyncadd.s32 $0xFFFFCE00  }
0x5d: {  	_ =	swait.ge [sflag:s30], $0x3200  }
0x5e: {  	[sflag:s30] =	ssyncset.done $0x0  }
0x5f: {  	[sflag:s30] =	ssyncadd.s32 $0xFFFFCE00  }
0x60: {  	_ =	swait.ge [sflag:s31], $0x3200  }
0x61: {  	[sflag:s31] =	ssyncset.done $0x0  }
0x62: {  	[sflag:s31] =	ssyncadd.s32 $0xFFFFCE00  }
0x63: {  	_ =	swait.ge [sflag:s0], $0x3200  }
0x64: {  	[sflag:s0] =	ssyncset.done $0x0  }
0x65: {  	[sflag:s0] =	ssyncadd.s32 $0xFFFFCE00  }
0x66: {  	_ =	swait.ge [sflag:s17], $0x3200  }
0x67: {  	s1 =	simm.s32 $0xFA0;
	s6 =	simm.s32 $0x1F40;
	[sflag:s17] =	ssyncset.done $0x0  }
.LBB2_4:
0x68: {  	s7 =	sshra.s32 s1, $0x2  }
0x69: {  	[sflag:s17] =	ssyncadd.s32 $0xFFFFCE00;
	s1 =	smov.u32 s6;
	s8 =	sadd.s32 $0xFA0, s6  }
0x6a: {  	[tilespmem:s15], [sflag:$0x1] =	stream.indirect.gather [hbm4b:s4+s18], $0x40, s7, s18, $0xb8;
	[tilespmem:$0x1E460] =	vst v63  }
0x6b: {  	p1 =	sne.s32 s6, $0x8CA0;
	s6 =	sadd.s32 $0xC8, s7  }
0x6c: {  	[tilespmem:s19], [sflag:$0x2] =	stream.indirect.gather [hbm4b:s4+s18], $0x40, s6, s18, $0xb8;
	[tilespmem:$0x1E460] =	vst v63  }
0x6d: {  	s6 =	sadd.s32 $0x190, s7  }
0x6e: {  	[tilespmem:s20], [sflag:$0x3] =	stream.indirect.gather [hbm4b:s4+s18], $0x40, s6, s18, $0xb8;
	[tilespmem:$0x1E460] =	vst v63  }
0x6f: {  	s6 =	sadd.s32 $0x258, s7  }
0x70: {  	[tilespmem:s21], [sflag:$0x4] =	stream.indirect.gather [hbm4b:s4+s18], $0x40, s6, s18, $0xb8;
	[tilespmem:$0x1E460] =	vst v63  }
0x71: {  	s6 =	sadd.s32 $0x320, s7  }
0x72: {  	[tilespmem:s22], [sflag:$0x5] =	stream.indirect.gather [hbm4b:s4+s18], $0x40, s6, s18, $0xb8;
	[tilespmem:$0x1E460] =	vst v63  }
0x73: {  	_ =	swait.ge [sflag:s23], $0x3200  }
0x74: {  	[sflag:s23] =	ssyncset.done $0x0  }
0x75: {  	s6 =	sadd.s32 $0x2710, s7;
	[sflag:s23] =	ssyncadd.s32 $0xFFFFCE00  }
0x76: {  	[spmem:s2] =	stream.indirect.scatter.add.s16 [tilespmem:s15], [sflag:$0x6], $0x40, s6, s18, $0xb8;
	[tilespmem:$0x1E460] =	vst v63  }
0x77: {  	_ =	swait.ge [sflag:s24], $0x3200  }
0x78: {  	[sflag:s24] =	ssyncset.done $0x0  }
0x79: {  	s6 =	sadd.s32 $0x27D8, s7;
	[sflag:s24] =	ssyncadd.s32 $0xFFFFCE00  }
0x7a: {  	[spmem:s2] =	stream.indirect.scatter.add.s16 [tilespmem:s19], [sflag:$0x7], $0x40, s6, s18, $0xb8;
	[tilespmem:$0x1E460] =	vst v63  }
0x7b: {  	_ =	swait.ge [sflag:s25], $0x3200  }
0x7c: {  	[sflag:s25] =	ssyncset.done $0x0  }
0x7d: {  	s6 =	sadd.s32 $0x28A0, s7;
	[sflag:s25] =	ssyncadd.s32 $0xFFFFCE00  }
0x7e: {  	[spmem:s2] =	stream.indirect.scatter.add.s16 [tilespmem:s20], [sflag:$0x8], $0x40, s6, s18, $0xb8;
	[tilespmem:$0x1E460] =	vst v63  }
0x7f: {  	_ =	swait.ge [sflag:s26], $0x3200  }
0x80: {  	[sflag:s26] =	ssyncset.done $0x0  }
0x81: {  	s6 =	sadd.s32 $0x2968, s7;
	[sflag:s26] =	ssyncadd.s32 $0xFFFFCE00  }
0x82: {  	[spmem:s2] =	stream.indirect.scatter.add.s16 [tilespmem:s21], [sflag:$0x9], $0x40, s6, s18, $0xb8;
	[tilespmem:$0x1E460] =	vst v63  }
0x83: {  	_ =	swait.ge [sflag:s28], $0x3200  }
0x84: {  	[sflag:s28] =	ssyncset.done $0x0  }
0x85: {  	s6 =	sadd.s32 $0x2A30, s7;
	[sflag:s28] =	ssyncadd.s32 $0xFFFFCE00  }
0x86: {  	[spmem:s2] =	stream.indirect.scatter.add.s16 [tilespmem:s22], [sflag:$0xA], $0x40, s6, s18, $0xb8;
	[tilespmem:$0x1E460] =	vst v63  }
0x87: {  	_ =	swait.ge [sflag:s29], $0x3200  }
0x88: {  	[sflag:s29] =	ssyncset.done $0x0  }
0x89: {  	[sflag:s29] =	ssyncadd.s32 $0xFFFFCE00  }
0x8a: {  	_ =	swait.ge [sflag:s30], $0x3200  }
0x8b: {  	[sflag:s30] =	ssyncset.done $0x0  }
0x8c: {  	[sflag:s30] =	ssyncadd.s32 $0xFFFFCE00  }
0x8d: {  	_ =	swait.ge [sflag:s31], $0x3200  }
0x8e: {  	[sflag:s31] =	ssyncset.done $0x0  }
0x8f: {  	[sflag:s31] =	ssyncadd.s32 $0xFFFFCE00  }
.Ltmp1:
0x90: {  	_ =	swait.ge [sflag:s0], $0x3200;
	(pc) =	sbr.rel @p1 .LBB2_4-.Ltmp1, $4  }
0x91: {  	[sflag:s0] =	ssyncset.done $0x0  }
0x92: {  	[sflag:s0] =	ssyncadd.s32 $0xFFFFCE00  }
0x93: {  	_ =	swait.ge [sflag:s17], $0x3200  }
0x94: {  	s6 =	smov.u32 s8;
	[sflag:s17] =	ssyncset.done $0x0  }
0x95: {  	s1 =	sshra.s32 s1, $0x2;
	[sflag:s17] =	ssyncadd.s32 $0xFFFFCE00  }
0x96: {  	[tilespmem:s15], [sflag:$0x1] =	stream.indirect.gather [hbm4b:s4+s18], $0x40, s1, s18, $0xb8;
	[tilespmem:$0x1E460] =	vst v63  }
0x97: {  	s6 =	sadd.s32 $0xC8, s1  }
0x98: {  	[tilespmem:s19], [sflag:$0x2] =	stream.indirect.gather [hbm4b:s4+s18], $0x40, s6, s18, $0xb8;
	[tilespmem:$0x1E460] =	vst v63  }
0x99: {  	s8 =	sadd.s32 $0x190, s1  }
0x9a: {  	[tilespmem:s20], [sflag:$0x3] =	stream.indirect.gather [hbm4b:s4+s18], $0x40, s8, s18, $0xb8;
	[tilespmem:$0x1E460] =	vst v63  }
0x9b: {  	s7 =	sadd.s32 $0x258, s1  }
0x9c: {  	[tilespmem:s21], [sflag:$0x4] =	stream.indirect.gather [hbm4b:s4+s18], $0x40, s7, s18, $0xb8;
	[tilespmem:$0x1E460] =	vst v63  }
0x9d: {  	s8 =	sadd.s32 $0x320, s1  }
0x9e: {  	[tilespmem:s22], [sflag:$0x5] =	stream.indirect.gather [hbm4b:s4+s18], $0x40, s8, s18, $0xb8;
	[tilespmem:$0x1E460] =	vst v63  }
0x9f: {  	_ =	swait.ge [sflag:s23], $0x3200  }
0xa0: {  	[sflag:s23] =	ssyncset.done $0x0  }
0xa1: {  	s7 =	sadd.s32 $0x2710, s1;
	[sflag:s23] =	ssyncadd.s32 $0xFFFFCE00  }
0xa2: {  	[spmem:s2] =	stream.indirect.scatter.add.s16 [tilespmem:s15], [sflag:$0x6], $0x40, s7, s18, $0xb8;
	[tilespmem:$0x1E460] =	vst v63  }
0xa3: {  	_ =	swait.ge [sflag:s24], $0x3200  }
0xa4: {  	[sflag:s24] =	ssyncset.done $0x0  }
0xa5: {  	s8 =	sadd.s32 $0x27D8, s1;
	[sflag:s24] =	ssyncadd.s32 $0xFFFFCE00  }
0xa6: {  	[spmem:s2] =	stream.indirect.scatter.add.s16 [tilespmem:s19], [sflag:$0x7], $0x40, s8, s18, $0xb8;
	[tilespmem:$0x1E460] =	vst v63  }
0xa7: {  	_ =	swait.ge [sflag:s25], $0x3200  }
0xa8: {  	[sflag:s25] =	ssyncset.done $0x0  }
0xa9: {  	s7 =	sadd.s32 $0x28A0, s1;
	[sflag:s25] =	ssyncadd.s32 $0xFFFFCE00  }
0xaa: {  	[spmem:s2] =	stream.indirect.scatter.add.s16 [tilespmem:s20], [sflag:$0x8], $0x40, s7, s18, $0xb8;
	[tilespmem:$0x1E460] =	vst v63  }
0xab: {  	_ =	swait.ge [sflag:s26], $0x3200  }
0xac: {  	[sflag:s26] =	ssyncset.done $0x0  }
0xad: {  	s8 =	sadd.s32 $0x2968, s1;
	[sflag:s26] =	ssyncadd.s32 $0xFFFFCE00  }
0xae: {  	[spmem:s2] =	stream.indirect.scatter.add.s16 [tilespmem:s21], [sflag:$0x9], $0x40, s8, s18, $0xb8;
	[tilespmem:$0x1E460] =	vst v63  }
0xaf: {  	_ =	swait.ge [sflag:s28], $0x3200  }
0xb0: {  	[sflag:s28] =	ssyncset.done $0x0  }
0xb1: {  	s1 =	sadd.s32 $0x2A30, s1;
	[sflag:s28] =	ssyncadd.s32 $0xFFFFCE00  }
0xb2: {  	[spmem:s2] =	stream.indirect.scatter.add.s16 [tilespmem:s22], [sflag:$0xA], $0x40, s1, s18, $0xb8;
	[tilespmem:$0x1E460] =	vst v63  }
0xb3: {  	_ =	swait.ge [sflag:s29], $0x3200  }
0xb4: {  	[sflag:s29] =	ssyncset.done $0x0  }
0xb5: {  	[sflag:s29] =	ssyncadd.s32 $0xFFFFCE00  }
0xb6: {  	_ =	swait.ge [sflag:s30], $0x3200  }
0xb7: {  	[sflag:s30] =	ssyncset.done $0x0  }
0xb8: {  	[sflag:s30] =	ssyncadd.s32 $0xFFFFCE00  }
0xb9: {  	_ =	swait.ge [sflag:s31], $0x3200  }
0xba: {  	[sflag:s31] =	ssyncset.done $0x0  }
0xbb: {  	[sflag:s31] =	ssyncadd.s32 $0xFFFFCE00  }
0xbc: {  	_ =	swait.ge [sflag:s0], $0x3200  }
0xbd: {  	[sflag:s0] =	ssyncset.done $0x0  }
0xbe: {  	[sflag:s0] =	ssyncadd.s32 $0xFFFFCE00  }
0xbf: {  	_ =	swait.ge [sflag:s17], $0x3200  }
0xc0: {  	s7 =	stileid.u32;
	[sflag:s17] =	ssyncset.done $0x0  }
0xc1: {  	s1 =	sshll.u32 s7, $0x6;
	[sflag:s17] =	ssyncadd.s32 $0xFFFFCE00  }
0xc2: {  	s8 =	sshrl.u32 s5, $0x3;
	s1 =	sor.u32 $0x1C0B, s1;
	[bflag:$0x0] =	sbarrier.arrive $0xFFFF  }
0xc3: {  	[hbm:s12], [sflag:s1] =	dma.local [spmem:s8], $0x1380  }
0xc4: {  	_ =	swait.ge [sflag:s16], $0x1380  }
0xc5: {  	s3 =	sadd.s32 $0x1, s3;
	[sflag:s16] =	ssyncset.done $0x0  }
0xc6: {  	p1 =	sne.s32 s3, s14;
	s6 =	sshrl.u32 @!p0 s9, $0x3;
	[sflag:s16] =	ssyncadd.s32 $0xFFFFEC80  }
0xc7: {  	[hbm:s13], [sflag:s1] =	dma.local @!p0 [spmem:s6], $0x80  }
.Ltmp2:
0xc8: {  	_ = 	snop;
	(pc) =	sbr.rel @p1 .LBB2_1-.Ltmp2, $4  }
0xc9: {  	s1 =	simm.s32 @!p0 $0xB  }
0xca: {  	_ =	swait.ge @!p0 [sflag:s1], $0x80  }
0xcb: {  	[sflag:s1] =	ssyncset.done @!p0 $0x0  }
0xcc: {  	[sflag:s1] =	ssyncadd.s32 @!p0 $0xFFFFFF80  }
0xcd: {  	_ =	sfence.sel $0x180000  }
0xce: {  	[bflag:$0x0] =	sbarrier.arrive $0xFFFF  }
0xcf: {  	_ =	strace $0x9000004A  }
0xd0: {  	s0 =	stileid.u32;
	[bflag:$0x2] =	sbarrier.arrive $0xFFFF  }
0xd1: {  	p0 =	sne.s32 s0, $0x0;
	s0 =	rddreg [dreg:$0x2]  }
0xd2: {  	s0 =	sadd.s32 @!p0 $0x100000, s0  }
0xd3: {  	[sflag:s0] =	ssyncadd.tile.s32 @!p0 $0x1;
	_ =	shalt  }
.Lfunc_end2:
_tile_overlayer_lowered:
.L_overlay_start_2:
0xd4: {  	(tag) =	ssettag $0x2  }
0xd5: {  	s0 =	rddreg [dreg:$0x0];
	s2 =	stileid.u32  }
0xd6: {  	s1 =	rddreg [dreg:$0x1];
	p0 =	sne.s32 s2, $0x0  }
0xd7: {  	s3 =	rddreg [dreg:$0x2];
	[bflag:$0x3] =	sbarrier.arrive $0xFFFF;
	s2 =	simm.s32 @!p0 $0x1C0B  }
0xd8: {  	[timem:s3], [sflag:s2] =	dma.local @!p0 [hbm:s0], s1  }
0xd9: {  	s0 =	simm.s32 @!p0 $0xB  }
0xda: {  	_ =	swait.ge @!p0 [sflag:s0], s1  }
0xdb: {  	s1 =	ssub.s32 @!p0 $0x0, s1;
	[sflag:s0] =	ssyncset.done @!p0 $0x0  }
0xdc: {  	[sflag:s0] =	ssyncadd.s32 @!p0 s1  }
0xdd: {  	[bflag:$0x3] =	sbarrier.arrive $0xFFFF  }
0xde: {  	_ =	shalt  }

// kernel: kernel.15.cloned.1.call-start
scs
__scs_entry_jumppad:
0x0: {  	(pc) =	sbr.rel $0x88, $3  }
0x1: {  	(tag) =	ssettag $0x0;
	lr =	simm.s32 $0x1  }
0x2: {  	[smem:$0x3F97] =	sst lr;
	_ =	strace $0xD0000000  }
0x3: {  	_ = 	snop  }
0x4: {  	_ = 	snop  }
0x5: {  	_ = 	snop  }
0x6: {  	_ = 	snop  }
0x7: {  	_ = 	snop  }
__scs_overlays_trampoline_lowered:
0x8: {  	[smem:$0x3FA6] =	sst s0  }
0x9: {  	[smem:$0x3FA7] =	sst s1  }
0xa: {  	[smem:$0x3FA8] =	sst s2  }
0xb: {  	[smem:$0x3FA9] =	sst s3  }
0xc: {  	[smem:$0x3FAA] =	sst s4  }
0xd: {  	[smem:$0x3FAB] =	sst s5  }
0xe: {  	[smem:$0x3FAC] =	sst s6  }
0xf: {  	[smem:$0x3FAD] =	sst s7  }
0x10: {  	[smem:$0x3FAE] =	sst s8  }
0x11: {  	[smem:$0x3FAF] =	sst s9;
	s0 =	simm.s32 @!p0 $0x0  }
0x12: {  	s1 =	sld [smem:$0x3F95];
	s0 =	simm.s32 @p0 $0x1  }
0x13: {  	[smem:$0x3FB0] =	sst s0;
	s0 =	simm.s32 @!p1 $0x0  }
0x14: {  	s2 =	sld [smem:$0x3F94];
	s0 =	simm.s32 @p1 $0x1  }
0x15: {  	[smem:$0x3FB1] =	sst s0;
	s0 =	simm.s32 @!p2 $0x0  }
0x16: {  	s3 =	sld [smem:$0x3FDB];
	s0 =	simm.s32 @p2 $0x1  }
0x17: {  	s4 =	simm.s32 $0x1BF5;
	[smem:$0x3FB3] =	sst s0  }
0x18: {  	s0 =	sld [smem:$0x3F96];
	_ =	swait.ge [sflag:s4], $0x0  }
0x19: {  	s7 =	sld [smem:$0x3F97]  }
0x1a: {  	s8 =	sadd.s32 $0xFFFFE003, lr  }
0x1b: {  	s9 =	sadd.s32 $0xFFFFFEF7, lr;
	s5 =	simm.s32 $0xFFFFFFFF;
	p2 =	slt.u32 s8, $0xFFFFF086  }
0x1c: {  	p1 =	slt.u32 s9, $0xF7A;
	s5 =	simm.s32 @!p2 $0x0  }
0x1d: {  	s5 =	simm.s32 @p1 $0x1;
	p0 =	seq.s32 s7, s2  }
0x1e: {  	s7 =	smul.u32 @!p0 $0xF7A, s2;
	p2 =	seq.s32 @!p0 s5, $0x0  }
0x1f: {  	s9 =	smul.u32 $0xF7A, s1;
	s8 =	simm.s32 @!p0 $0x1BF5;
	p2 =	por !p2, p0  }
0x20: {  	[sflag:s8] =	ssyncset.s32 @!p0 $0xFFFFF086;
	s6 =	sadd.s32 @!p0 s3, s7;
	s7 =	simm.s32 @!p0 $0x108  }
0x21: {  	s3 =	sadd.s32 s3, s9;
	s6 =	sadd.s32 @!p0 $0x88, s6;
	s7 =	simm.s32 @p2 $0x1082  }
0x22: {  	[simem:s7], [sflag:s8] =	dma.local @!p0 [hbm:s6], $0xF7A  }
0x23: {  	s9 =	sor.u32 $0xD0000000, s2;
	s6 =	simm.s32 $0x108;
	_ =	swait.ge @!p0 [sflag:s8], $0x0  }
0x24: {  	s3 =	sadd.s32 $0x88, s3;
	s6 =	simm.s32 @!p1 $0x1082;
	[sflag:s4] =	ssyncset.s32 $0xFFFFF086  }
0x25: {  	[simem:s6], [sflag:s4] =	dma.local [hbm:s3], $0xF7A  }
0x26: {  	[smem:$0x3F97] =	sst s1;
	(tag) =	ssettag s2;
	_ =	strace s9  }
0x27: {  	s1 =	sld [smem:$0x3FA7]  }
0x28: {  	s2 =	sld [smem:$0x3FA8]  }
0x29: {  	s4 =	sld [smem:$0x3FAA]  }
0x2a: {  	p0 =	seq.s32 s5, $0x0;
	s5 =	sld [smem:$0x3FAB]  }
0x2b: {  	s6 =	sld [smem:$0x3FAC]  }
0x2c: {  	s7 =	sld [smem:$0x3FAD]  }
0x2d: {  	s3 =	simm.s32 $0x108;
	s8 =	sld [smem:$0x3FAE]  }
0x2e: {  	s3 =	simm.s32 @!p0 $0x1082;
	s9 =	sld [smem:$0x3FAF]  }
0x2f: {  	lr =	sadd.s32 s0, s3;
	s0 =	sld [smem:$0x3FA6]  }
0x30: {  	s3 =	sld [smem:$0x3FA9]  }
0x31: {  	[smem:$0x3FB2] =	sst s10  }
0x32: {  	s10 =	sld [smem:$0x3FB0];
	_ =	sdelay $0x3  }
0x33: {  	p0 =	seq.s32 s10, $0x1;
	s10 =	sld [smem:$0x3FB2];
	_ =	sdelay $0x3  }
0x34: {  	[smem:$0x3FB2] =	sst s10  }
0x35: {  	s10 =	sld [smem:$0x3FB1];
	_ =	sdelay $0x3  }
0x36: {  	p1 =	seq.s32 s10, $0x1;
	s10 =	sld [smem:$0x3FB2];
	_ =	sdelay $0x3  }
0x37: {  	[smem:$0x3FB2] =	sst s10  }
0x38: {  	s10 =	sld [smem:$0x3FB3]  }
0x39: {  	_ = 	snop;
	(pc) =	sbr.ind lr, $3  }
0x3a: {  	_ = 	snop  }
0x3b: {  	_ = 	snop  }
0x3c: {  	p2 =	seq.s32 s10, $0x1;
	s10 =	sld [smem:$0x3FB2]  }
0x3d: {  	_ =	shalt  }
0x3e: {  	_ =	shalt  }
0x3f: {  	_ =	shalt  }
0x40: {  	_ =	shalt  }
0x41: {  	_ =	shalt  }
0x42: {  	_ =	shalt  }
0x43: {  	_ =	shalt  }
0x44: {  	_ =	shalt  }
0x45: {  	_ =	shalt  }
0x46: {  	_ =	shalt  }
0x47: {  	_ =	shalt  }
0x48: {  	_ =	shalt  }
0x49: {  	_ =	shalt  }
0x4a: {  	_ =	shalt  }
0x4b: {  	_ =	shalt  }
0x4c: {  	_ =	shalt  }
0x4d: {  	_ =	shalt  }
0x4e: {  	_ =	shalt  }
0x4f: {  	_ =	shalt  }
0x50: {  	_ =	shalt  }
0x51: {  	_ =	shalt  }
0x52: {  	_ =	shalt  }
0x53: {  	_ =	shalt  }
0x54: {  	_ =	shalt  }
0x55: {  	_ =	shalt  }
0x56: {  	_ =	shalt  }
0x57: {  	_ =	shalt  }
0x58: {  	_ =	shalt  }
0x59: {  	_ =	shalt  }
0x5a: {  	_ =	shalt  }
0x5b: {  	_ =	shalt  }
0x5c: {  	_ =	shalt  }
0x5d: {  	_ =	shalt  }
0x5e: {  	_ =	shalt  }
0x5f: {  	_ =	shalt  }
0x60: {  	_ =	shalt  }
0x61: {  	_ =	shalt  }
0x62: {  	_ =	shalt  }
0x63: {  	_ =	shalt  }
0x64: {  	_ =	shalt  }
0x65: {  	_ =	shalt  }
0x66: {  	_ =	shalt  }
0x67: {  	_ =	shalt  }
0x68: {  	_ =	shalt  }
0x69: {  	_ =	shalt  }
0x6a: {  	_ =	shalt  }
0x6b: {  	_ =	shalt  }
0x6c: {  	_ =	shalt  }
0x6d: {  	_ =	shalt  }
0x6e: {  	_ =	shalt  }
0x6f: {  	_ =	shalt  }
0x70: {  	_ =	shalt  }
0x71: {  	_ =	shalt  }
0x72: {  	_ =	shalt  }
0x73: {  	_ =	shalt  }
0x74: {  	_ =	shalt  }
0x75: {  	_ =	shalt  }
0x76: {  	_ =	shalt  }
0x77: {  	_ =	shalt  }
0x78: {  	_ =	shalt  }
0x79: {  	_ =	shalt  }
0x7a: {  	_ =	shalt  }
0x7b: {  	_ =	shalt  }
0x7c: {  	_ =	shalt  }
0x7d: {  	_ =	shalt  }
0x7e: {  	_ =	shalt  }
0x7f: {  	_ =	shalt  }
0x80: {  	_ =	shalt  }
0x81: {  	_ =	shalt  }
0x82: {  	_ =	shalt  }
0x83: {  	_ =	shalt  }
0x84: {  	_ =	shalt  }
0x85: {  	_ =	shalt  }
0x86: {  	_ =	shalt  }
0x87: {  	_ =	shalt  }
.Lfunc_end0:
.L_simem_size_0:
called_computation.2_lowered:
.L_overlay_start_0:
0x88: {  	s2 =	sld [smem:$0x3FD9]  }
0x89: {  	s3 =	sld [smem:$0x3FFE];
	_ =	sdelay $0x1  }
0x8a: {  	s1 =	srdreg.scid  }
0x8b: {  	s0 =	sand.u32 $0x1, s1  }
0x8c: {  	s16 =	sshll.u32 s0, $0xA;
	s2 =	sadd.s32 s3, s2  }
0x8d: {  	s2 =	sadd.s32 s2, s16  }
0x8e: {  	[smem:$0x3FBE] =	sst s2  }
0x8f: {  	_ = 	snop  }
0x90: {  	(tm) =	ssettm $0x1  }
0x91: {  	s17 =	sld [smem:$0x3FFB];
	_ =	sdelay $0x3  }
0x92: {  	_ =	strace s17  }
0x93: {  	s2 =	sld [smem:$0x3FFC];
	_ =	sdelay $0x3  }
0x94: {  	_ =	strace s2  }
0x95: {  	s2 =	sld [smem:$0x3FFD];
	_ =	sdelay $0x3  }
0x96: {  	_ =	strace s2  }
0x97: {  	_ =	strace $0x8FFFFFFF  }
0x98: {  	s18 =	sld [smem:$0x3FDB];
	_ =	sdelay $0x1  }
0x99: {  	s19 =	simm.s32 $_scs_section_size  }
0x9a: {  	s4 =	simm.s32 $_size__tile_overlayer_lowered;
	s5 =	simm.s32 $_tile_overlayer_lowered  }
0x9b: {  	s22 =	simm.s32 $0x1BFF;
	s21 =	sshll.u32 s5, $0x1;
	s2 =	sadd.s32 s19, s18  }
0x9c: {  	s6 =	simm.s32 $0x0;
	s20 =	sshll.u32 s4, $0x1;
	s4 =	sadd.s32 s21, s2  }
0x9d: {  	[timem:s6], [sflag:s22] =	dma.local [hbm:s4], s20  }
0x9e: {  	_ =	swait.ge [sflag:s22], s20  }
0x9f: {  	s3 =	ssub.s32 $0x0, s20;
	[sflag:s22] =	ssyncset.done $0x0  }
0xa0: {  	[sflag:s22] =	ssyncadd.s32 s3;
	_ =	sdelay $0x1  }
0xa1: {  	s23 =	simm.s32 $0x1B8B  }
0xa2: {  	_ =	swait.ge [sflag:s23], $0x1  }
0xa3: {  	[sflag:s23] =	ssyncset.done $0x0  }
0xa4: {  	s25 =	simm.s32 $0x1B8E;
	s24 =	sld [smem:$0x3FFE];
	[sflag:s23] =	ssyncadd.s32 $0xFFFFFFFF  }
0xa5: {  	s26 =	simm.s32 $execute0_lowered;
	[smem:$0x3FD2] =	sst s25  }
0xa6: {  	s4 =	sshll.u32 s26, $0x1;
	_ =	strace $0x8000004C;
	[dreg:$0x1] =	wrdreg $0xFFFFFFFF  }
0xa7: {  	s28 =	simm.s32 $_size_execute0_lowered;
	s2 =	sadd.s32 s2, s4;
	[dreg:$0x0] =	wrdreg $0x0  }
0xa8: {  	s4 =	sshll.u32 s28, $0x1;
	[dreg:$0x2] =	wrdreg s2  }
0xa9: {  	[dreg:$0x3] =	wrdreg s4  }
0xaa: {  	[dreg:$0x4] =	wrdreg $0xC0  }
0xab: {  	_ =	task [dreg:s6], $0x5FFFF  }
0xac: {  	[dreg:$0x1] =	wrdreg $0xFFFFFFFF  }
0xad: {  	[dreg:$0x0] =	wrdreg $0x60  }
0xae: {  	[dreg:$0x2] =	wrdreg s24  }
0xaf: {  	[dreg:$0x3] =	wrdreg $0x148200  }
0xb0: {  	[dreg:$0x4] =	wrdreg $0x9  }
0xb1: {  	_ =	task.clear_ibuf [dreg:s6], $0x5FFFF;
	_ =	strace $0x9000004C  }
0xb2: {  	s29 =	simm.s32 $0x9;
	_ =	strace $0x8000004E  }
0xb3: {  	_ =	swait.ge [sflag:s29], $0x1  }
0xb4: {  	[sflag:s29] =	ssyncadd.s32 $0xFFFFFFFF  }
0xb5: {  	_ =	strace $0x9000004E  }
0xb6: {  	_ =	sfence  }
0xb7: {  	s30 =	sld [smem:$0x0];
	_ =	sdelay $0x2  }
0xb8: {  	s31 =	sshll.u32 s1, $0xD;
	s1 =	sshrl.u32 s1, $0x2  }
0xb9: {  	s3 =	sand.u32 $0x4000, s31;
	s1 =	sadd.s32 s1, s30  }
0xba: {  	s0 =	sor.u32 s3, s0;
	s1 =	sshll.u32 s1, $0x11  }
0xbb: {  	s0 =	sor.u32 s1, s0  }
0xbc: {  	s0 =	sadd.s32 $0x8F2B, s0  }
0xbd: {  	[sflag:s0] =	ssyncadd.remote.s32 $0x1  }
0xbe: {  	_ =	sfence.sel $0xFFFF  }
0xbf: {  	[dreg:$0x0] =	wrdreg $0xFFFFFFFF;
	(pc) =	sbr.abs _section_cstart, $3  }
0xc0: {  	[dreg:$0x1] =	wrdreg $0xFFFFFFFF  }
0xc1: {  	_ =	task.clear_ibuf [dreg:s6], $0x2FFFF;
	_ =	strace $0x9FFFFFFF  }
0xc2: {  	(tm) =	ssettm $0x7FFFFFFF  }
0xc3: {  	_ =	shalt  }
tec
execute0_lowered:
.L_overlay_start_1:
0x0: {  	(tag) =	ssettag $0x1  }
0x1: {  	s0 =	srdreg.scid;
	s1 =	rddreg [dreg:$0x0]  }
0x2: {  	s2 =	rddreg [dreg:$0x1];
	s15 =	stileid.u32;
	s3 =	simm.s32 $0x0  }
0x3: {  	s16 =	simm.s32 $0xB;
	s18 =	simm.s32 $0xC8;
	s19 =	simm.s32 $0x8020  }
0x4: {  	s28 =	simm.s32 $0x5;
	s29 =	simm.s32 $0x6;
	s30 =	simm.s32 $0x7  }
0x5: {  	s31 =	simm.s32 $0x8;
	s17 =	simm.s32 $0xA;
	s7 =	smul.u32 $0x27000, s15  }
0x6: {  	s0 =	sand.u32 $0x1, s0;
	[smem:$0x7FF] =	sst s3;
	s10 =	smul.u32 $0x13800, s15  }
0x7: {  	p0 =	sne.s32 s15, $0xF;
	s4 =	sshll.u32 s0, $0x4;
	_ =	strace $0x8000004D  }
0x8: {  	s6 =	ssub.s32 $0x2, s0;
	s0 =	smul.u32 $0x138800, s0;
	s4 =	sor.u32 s15, s4  }
0x9: {  	s20 =	sshrl.u32 s6, $0x1;
	s21 =	sshrl.u32 s7, $0x2;
	s22 =	sshrl.u32 s10, $0x1  }
0xa: {  	s15 =	simm.s32 $0x4E20;
	s5 =	smul.u32 $0x2710, s4;
	s4 =	sadd.s32 $0x15C00, s1  }
0xb: {  	s6 =	ssub.s32 s6, s20;
	s9 =	sadd.s32 s21, s2;
	s26 =	sadd.s32 s10, s0  }
0xc: {  	s0 =	sshrl.u32 s0, $0x4;
	s20 =	simm.s32 $0xB220;
	s21 =	simm.s32 $0xE420  }
0xd: {  	s23 =	sadd.s32 $0x3200, s9;
	s24 =	sadd.s32 $0x6400, s9;
	s25 =	sadd.s32 $0x9600, s9  }
0xe: {  	s9 =	sadd.s32 $0x9C000, s2;
	s7 =	sshrl.u32 s26, $0x4;
	[dreg:$0x3] =	wrdreg s23  }
0xf: {  	s14 =	smax.u32 s6, $0x1;
	s26 =	simm.s32 $0x4;
	[dreg:$0x4] =	wrdreg s24  }
0x10: {  	s5 =	sshrl.u32 s5, $0x3;
	[dreg:$0x5] =	wrdreg s25;
	s23 =	simm.s32 $0x1  }
0x11: {  	s24 =	simm.s32 $0x2;
	s25 =	simm.s32 $0x3;
	s8 =	sadd.s32 s5, s1  }
0x12: {  	s1 =	sadd.s32 $0x29600, s1;
	s5 =	sadd.s32 s22, s2;
	s22 =	simm.s32 $0x11620  }
0x13: {  	s10 =	sadd.s32 $0x2200, s8;
	s11 =	sadd.s32 $0xBE40, s8;
	s0 =	sadd.s32 s1, s0  }
0x14: {  	v0 =	vimm.s32 $0x0;
	s12 =	sadd.s32 s1, s7;
	s13 =	sadd.s32 $0x13800, s0;
	s0 =	simm.s32 $0x9  }
.LBB2_1:
0x15: {  	s6 =	simm.s32 $0x100;
	s1 =	simm.s32 $0x0  }
.LBB2_2:
0x16: {  	p1 =	sne.s32 s6, $0xC700;
	[tilespmem:s1+$0x4E50] =	vst v0;
	s7 =	smov.u32 s6;
	s6 =	sadd.s32 $0x100, s6  }
.Ltmp0:
0x17: {  	[tilespmem:s1+$0x4E40] =	vst v0;
	(pc) =	sbr.rel @p1 .LBB2_2-.Ltmp0, $3  }
0x18: {  	[tilespmem:s1+$0x4E20] =	vst v0  }
0x19: {  	[tilespmem:s1+$0x4E30] =	vst v0;
	_ =	sdelay $0x1  }
0x1a: {  	s1 =	sshra.s32 s7, $0x2  }
0x1b: {  	[tilespmem:s1+$0x4E50] =	vst v0  }
0x1c: {  	[tilespmem:s1+$0x4E40] =	vst v0  }
0x1d: {  	[tilespmem:s1+$0x4E20] =	vst v0  }
0x1e: {  	[tilespmem:s1+$0x4E30] =	vst v0  }
0x1f: {  	[spmem:s5] =	stream.linear.scatter [tilespmem:s15], [sflag:$0xB], $0x3200, $0x38;
	[tilespmem:$0x1E460] =	vst v63  }
0x20: {  	_ =	swait.ge [sflag:s16], $0x3200  }
0x21: {  	[sflag:s16] =	ssyncset.done $0x0  }
0x22: {  	s7 =	rddreg [dreg:$0x3];
	[sflag:s16] =	ssyncadd.s32 $0xFFFFCE00  }
0x23: {  	[spmem:s7] =	stream.linear.scatter [tilespmem:s15], [sflag:$0xB], $0x3200, $0x38;
	[tilespmem:$0x1E460] =	vst v63  }
0x24: {  	_ =	swait.ge [sflag:s16], $0x3200  }
0x25: {  	[sflag:s16] =	ssyncset.done $0x0  }
0x26: {  	s8 =	rddreg [dreg:$0x4];
	[sflag:s16] =	ssyncadd.s32 $0xFFFFCE00  }
0x27: {  	[spmem:s8] =	stream.linear.scatter [tilespmem:s15], [sflag:$0xB], $0x3200, $0x38;
	[tilespmem:$0x1E460] =	vst v63  }
0x28: {  	_ =	swait.ge [sflag:s16], $0x3200  }
0x29: {  	[sflag:s16] =	ssyncset.done $0x0  }
0x2a: {  	s6 =	rddreg [dreg:$0x5];
	[sflag:s16] =	ssyncadd.s32 $0xFFFFCE00  }
0x2b: {  	[spmem:s6] =	stream.linear.scatter [tilespmem:s15], [sflag:$0xB], $0x600, $0x38;
	[tilespmem:$0x1E460] =	vst v63  }
0x2c: {  	_ =	swait.ge [sflag:s16], $0x600  }
0x2d: {  	[sflag:s16] =	ssyncset.done $0x0  }
0x2e: {  	s1 =	simm.s32 @!p0 $0x4E20;
	[sflag:s16] =	ssyncadd.s32 $0xFFFFFA00  }
0x2f: {  	[spmem:s9] =	stream.linear.scatter @!p0 [tilespmem:s1], [sflag:$0xB], $0x400, $0x38;
	[tilespmem:$0x1E460] =	vst v63  }
0x30: {  	s1 =	simm.s32 @!p0 $0xB  }
0x31: {  	_ =	swait.ge @!p0 [sflag:s1], $0x400  }
0x32: {  	[sflag:s1] =	ssyncset.done @!p0 $0x0  }
0x33: {  	s7 =	simm.s32 $0x0;
	[sflag:s1] =	ssyncadd.s32 @!p0 $0xFFFFFC00  }
0x34: {  	[tilespmem:s7], [sflag:$0xB] =	stream.linear.gather [hbm4b:s10+s7], $0x2710, $0x38;
	[tilespmem:$0x1E460] =	vst v63  }
0x35: {  	_ =	swait.ge [sflag:s16], $0x2710  }
0x36: {  	[sflag:s16] =	ssyncset.done $0x0  }
0x37: {  	s6 =	simm.s32 $0x2710;
	[sflag:s16] =	ssyncadd.s32 $0xFFFFD8F0  }
0x38: {  	[tilespmem:s6], [sflag:$0xB] =	stream.linear.gather [hbm4b:s11+s7], $0x2710, $0x38;
	[tilespmem:$0x1E460] =	vst v63  }
0x39: {  	_ =	swait.ge [sflag:s16], $0x2710  }
0x3a: {  	[sflag:s16] =	ssyncset.done $0x0  }
0x3b: {  	[sflag:s16] =	ssyncadd.s32 $0xFFFFD8F0  }
0x3c: {  	s8 =	simm.s32 $0x0;
	[bflag:$0x0] =	sbarrier.arrive $0xFFFF  }
0x3d: {  	[tilespmem:s15], [sflag:$0x1] =	stream.indirect.gather [hbm4b:s4+s18], $0x40, s8, s18, $0xb8;
	[tilespmem:$0x1E460] =	vst v63  }
0x3e: {  	s6 =	simm.s32 $0xC8  }
0x3f: {  	[tilespmem:s19], [sflag:$0x2] =	stream.indirect.gather [hbm4b:s4+s18], $0x40, s6, s18, $0xb8;
	[tilespmem:$0x1E460] =	vst v63  }
0x40: {  	s7 =	simm.s32 $0x190  }
0x41: {  	[tilespmem:s20], [sflag:$0x3] =	stream.indirect.gather [hbm4b:s4+s18], $0x40, s7, s18, $0xb8;
	[tilespmem:$0x1E460] =	vst v63  }
0x42: {  	s8 =	simm.s32 $0x258  }
0x43: {  	[tilespmem:s21], [sflag:$0x4] =	stream.indirect.gather [hbm4b:s4+s18], $0x40, s8, s18, $0xb8;
	[tilespmem:$0x1E460] =	vst v63  }
0x44: {  	s6 =	simm.s32 $0x320  }
0x45: {  	[tilespmem:s22], [sflag:$0x5] =	stream.indirect.gather [hbm4b:s4+s18], $0x40, s6, s18, $0xb8;
	[tilespmem:$0x1E460] =	vst v63  }
0x46: {  	_ =	swait.ge [sflag:s23], $0x3200  }
0x47: {  	[sflag:s23] =	ssyncset.done $0x0  }
0x48: {  	s7 =	simm.s32 $0x2710;
	[sflag:s23] =	ssyncadd.s32 $0xFFFFCE00  }
0x49: {  	[spmem:s2] =	stream.indirect.scatter.add.s16 [tilespmem:s15], [sflag:$0x6], $0x40, s7, s18, $0xb8;
	[tilespmem:$0x1E460] =	vst v63  }
0x4a: {  	_ =	swait.ge [sflag:s24], $0x3200  }
0x4b: {  	[sflag:s24] =	ssyncset.done $0x0  }
0x4c: {  	s8 =	simm.s32 $0x27D8;
	[sflag:s24] =	ssyncadd.s32 $0xFFFFCE00  }
0x4d: {  	[spmem:s2] =	stream.indirect.scatter.add.s16 [tilespmem:s19], [sflag:$0x7], $0x40, s8, s18, $0xb8;
	[tilespmem:$0x1E460] =	vst v63  }
0x4e: {  	_ =	swait.ge [sflag:s25], $0x3200  }
0x4f: {  	[sflag:s25] =	ssyncset.done $0x0  }
0x50: {  	s6 =	simm.s32 $0x28A0;
	[sflag:s25] =	ssyncadd.s32 $0xFFFFCE00  }
0x51: {  	[spmem:s2] =	stream.indirect.scatter.add.s16 [tilespmem:s20], [sflag:$0x8], $0x40, s6, s18, $0xb8;
	[tilespmem:$0x1E460] =	vst v63  }
0x52: {  	_ =	swait.ge [sflag:s26], $0x3200  }
0x53: {  	[sflag:s26] =	ssyncset.done $0x0  }
0x54: {  	s7 =	simm.s32 $0x2968;
	[sflag:s26] =	ssyncadd.s32 $0xFFFFCE00  }
0x55: {  	[spmem:s2] =	stream.indirect.scatter.add.s16 [tilespmem:s21], [sflag:$0x9], $0x40, s7, s18, $0xb8;
	[tilespmem:$0x1E460] =	vst v63  }
0x56: {  	_ =	swait.ge [sflag:s28], $0x3200  }
0x57: {  	[sflag:s28] =	ssyncset.done $0x0  }
0x58: {  	s8 =	simm.s32 $0x2A30;
	[sflag:s28] =	ssyncadd.s32 $0xFFFFCE00  }
0x59: {  	[spmem:s2] =	stream.indirect.scatter.add.s16 [tilespmem:s22], [sflag:$0xA], $0x40, s8, s18, $0xb8;
	[tilespmem:$0x1E460] =	vst v63  }
0x5a: {  	_ =	swait.ge [sflag:s29], $0x3200  }
0x5b: {  	[sflag:s29] =	ssyncset.done $0x0  }
0x5c: {  	[sflag:s29] =	ssyncadd.s32 $0xFFFFCE00  }
0x5d: {  	_ =	swait.ge [sflag:s30], $0x3200  }
0x5e: {  	[sflag:s30] =	ssyncset.done $0x0  }
0x5f: {  	[sflag:s30] =	ssyncadd.s32 $0xFFFFCE00  }
0x60: {  	_ =	swait.ge [sflag:s31], $0x3200  }
0x61: {  	[sflag:s31] =	ssyncset.done $0x0  }
0x62: {  	[sflag:s31] =	ssyncadd.s32 $0xFFFFCE00  }
0x63: {  	_ =	swait.ge [sflag:s0], $0x3200  }
0x64: {  	[sflag:s0] =	ssyncset.done $0x0  }
0x65: {  	[sflag:s0] =	ssyncadd.s32 $0xFFFFCE00  }
0x66: {  	_ =	swait.ge [sflag:s17], $0x3200  }
0x67: {  	s1 =	simm.s32 $0xFA0;
	s6 =	simm.s32 $0x1F40;
	[sflag:s17] =	ssyncset.done $0x0  }
.LBB2_4:
0x68: {  	s7 =	sshra.s32 s1, $0x2  }
0x69: {  	[sflag:s17] =	ssyncadd.s32 $0xFFFFCE00;
	s1 =	smov.u32 s6;
	s8 =	sadd.s32 $0xFA0, s6  }
0x6a: {  	[tilespmem:s15], [sflag:$0x1] =	stream.indirect.gather [hbm4b:s4+s18], $0x40, s7, s18, $0xb8;
	[tilespmem:$0x1E460] =	vst v63  }
0x6b: {  	p1 =	sne.s32 s6, $0x8CA0;
	s6 =	sadd.s32 $0xC8, s7  }
0x6c: {  	[tilespmem:s19], [sflag:$0x2] =	stream.indirect.gather [hbm4b:s4+s18], $0x40, s6, s18, $0xb8;
	[tilespmem:$0x1E460] =	vst v63  }
0x6d: {  	s6 =	sadd.s32 $0x190, s7  }
0x6e: {  	[tilespmem:s20], [sflag:$0x3] =	stream.indirect.gather [hbm4b:s4+s18], $0x40, s6, s18, $0xb8;
	[tilespmem:$0x1E460] =	vst v63  }
0x6f: {  	s6 =	sadd.s32 $0x258, s7  }
0x70: {  	[tilespmem:s21], [sflag:$0x4] =	stream.indirect.gather [hbm4b:s4+s18], $0x40, s6, s18, $0xb8;
	[tilespmem:$0x1E460] =	vst v63  }
0x71: {  	s6 =	sadd.s32 $0x320, s7  }
0x72: {  	[tilespmem:s22], [sflag:$0x5] =	stream.indirect.gather [hbm4b:s4+s18], $0x40, s6, s18, $0xb8;
	[tilespmem:$0x1E460] =	vst v63  }
0x73: {  	_ =	swait.ge [sflag:s23], $0x3200  }
0x74: {  	[sflag:s23] =	ssyncset.done $0x0  }
0x75: {  	s6 =	sadd.s32 $0x2710, s7;
	[sflag:s23] =	ssyncadd.s32 $0xFFFFCE00  }
0x76: {  	[spmem:s2] =	stream.indirect.scatter.add.s16 [tilespmem:s15], [sflag:$0x6], $0x40, s6, s18, $0xb8;
	[tilespmem:$0x1E460] =	vst v63  }
0x77: {  	_ =	swait.ge [sflag:s24], $0x3200  }
0x78: {  	[sflag:s24] =	ssyncset.done $0x0  }
0x79: {  	s6 =	sadd.s32 $0x27D8, s7;
	[sflag:s24] =	ssyncadd.s32 $0xFFFFCE00  }
0x7a: {  	[spmem:s2] =	stream.indirect.scatter.add.s16 [tilespmem:s19], [sflag:$0x7], $0x40, s6, s18, $0xb8;
	[tilespmem:$0x1E460] =	vst v63  }
0x7b: {  	_ =	swait.ge [sflag:s25], $0x3200  }
0x7c: {  	[sflag:s25] =	ssyncset.done $0x0  }
0x7d: {  	s6 =	sadd.s32 $0x28A0, s7;
	[sflag:s25] =	ssyncadd.s32 $0xFFFFCE00  }
0x7e: {  	[spmem:s2] =	stream.indirect.scatter.add.s16 [tilespmem:s20], [sflag:$0x8], $0x40, s6, s18, $0xb8;
	[tilespmem:$0x1E460] =	vst v63  }
0x7f: {  	_ =	swait.ge [sflag:s26], $0x3200  }
0x80: {  	[sflag:s26] =	ssyncset.done $0x0  }
0x81: {  	s6 =	sadd.s32 $0x2968, s7;
	[sflag:s26] =	ssyncadd.s32 $0xFFFFCE00  }
0x82: {  	[spmem:s2] =	stream.indirect.scatter.add.s16 [tilespmem:s21], [sflag:$0x9], $0x40, s6, s18, $0xb8;
	[tilespmem:$0x1E460] =	vst v63  }
0x83: {  	_ =	swait.ge [sflag:s28], $0x3200  }
0x84: {  	[sflag:s28] =	ssyncset.done $0x0  }
0x85: {  	s6 =	sadd.s32 $0x2A30, s7;
	[sflag:s28] =	ssyncadd.s32 $0xFFFFCE00  }
0x86: {  	[spmem:s2] =	stream.indirect.scatter.add.s16 [tilespmem:s22], [sflag:$0xA], $0x40, s6, s18, $0xb8;
	[tilespmem:$0x1E460] =	vst v63  }
0x87: {  	_ =	swait.ge [sflag:s29], $0x3200  }
0x88: {  	[sflag:s29] =	ssyncset.done $0x0  }
0x89: {  	[sflag:s29] =	ssyncadd.s32 $0xFFFFCE00  }
0x8a: {  	_ =	swait.ge [sflag:s30], $0x3200  }
0x8b: {  	[sflag:s30] =	ssyncset.done $0x0  }
0x8c: {  	[sflag:s30] =	ssyncadd.s32 $0xFFFFCE00  }
0x8d: {  	_ =	swait.ge [sflag:s31], $0x3200  }
0x8e: {  	[sflag:s31] =	ssyncset.done $0x0  }
0x8f: {  	[sflag:s31] =	ssyncadd.s32 $0xFFFFCE00  }
.Ltmp1:
0x90: {  	_ =	swait.ge [sflag:s0], $0x3200;
	(pc) =	sbr.rel @p1 .LBB2_4-.Ltmp1, $4  }
0x91: {  	[sflag:s0] =	ssyncset.done $0x0  }
0x92: {  	[sflag:s0] =	ssyncadd.s32 $0xFFFFCE00  }
0x93: {  	_ =	swait.ge [sflag:s17], $0x3200  }
0x94: {  	s6 =	smov.u32 s8;
	[sflag:s17] =	ssyncset.done $0x0  }
0x95: {  	s1 =	sshra.s32 s1, $0x2;
	[sflag:s17] =	ssyncadd.s32 $0xFFFFCE00  }
0x96: {  	[tilespmem:s15], [sflag:$0x1] =	stream.indirect.gather [hbm4b:s4+s18], $0x40, s1, s18, $0xb8;
	[tilespmem:$0x1E460] =	vst v63  }
0x97: {  	s6 =	sadd.s32 $0xC8, s1  }
0x98: {  	[tilespmem:s19], [sflag:$0x2] =	stream.indirect.gather [hbm4b:s4+s18], $0x40, s6, s18, $0xb8;
	[tilespmem:$0x1E460] =	vst v63  }
0x99: {  	s8 =	sadd.s32 $0x190, s1  }
0x9a: {  	[tilespmem:s20], [sflag:$0x3] =	stream.indirect.gather [hbm4b:s4+s18], $0x40, s8, s18, $0xb8;
	[tilespmem:$0x1E460] =	vst v63  }
0x9b: {  	s7 =	sadd.s32 $0x258, s1  }
0x9c: {  	[tilespmem:s21], [sflag:$0x4] =	stream.indirect.gather [hbm4b:s4+s18], $0x40, s7, s18, $0xb8;
	[tilespmem:$0x1E460] =	vst v63  }
0x9d: {  	s8 =	sadd.s32 $0x320, s1  }
0x9e: {  	[tilespmem:s22], [sflag:$0x5] =	stream.indirect.gather [hbm4b:s4+s18], $0x40, s8, s18, $0xb8;
	[tilespmem:$0x1E460] =	vst v63  }
0x9f: {  	_ =	swait.ge [sflag:s23], $0x3200  }
0xa0: {  	[sflag:s23] =	ssyncset.done $0x0  }
0xa1: {  	s7 =	sadd.s32 $0x2710, s1;
	[sflag:s23] =	ssyncadd.s32 $0xFFFFCE00  }
0xa2: {  	[spmem:s2] =	stream.indirect.scatter.add.s16 [tilespmem:s15], [sflag:$0x6], $0x40, s7, s18, $0xb8;
	[tilespmem:$0x1E460] =	vst v63  }
0xa3: {  	_ =	swait.ge [sflag:s24], $0x3200  }
0xa4: {  	[sflag:s24] =	ssyncset.done $0x0  }
0xa5: {  	s8 =	sadd.s32 $0x27D8, s1;
	[sflag:s24] =	ssyncadd.s32 $0xFFFFCE00  }
0xa6: {  	[spmem:s2] =	stream.indirect.scatter.add.s16 [tilespmem:s19], [sflag:$0x7], $0x40, s8, s18, $0xb8;
	[tilespmem:$0x1E460] =	vst v63  }
0xa7: {  	_ =	swait.ge [sflag:s25], $0x3200  }
0xa8: {  	[sflag:s25] =	ssyncset.done $0x0  }
0xa9: {  	s7 =	sadd.s32 $0x28A0, s1;
	[sflag:s25] =	ssyncadd.s32 $0xFFFFCE00  }
0xaa: {  	[spmem:s2] =	stream.indirect.scatter.add.s16 [tilespmem:s20], [sflag:$0x8], $0x40, s7, s18, $0xb8;
	[tilespmem:$0x1E460] =	vst v63  }
0xab: {  	_ =	swait.ge [sflag:s26], $0x3200  }
0xac: {  	[sflag:s26] =	ssyncset.done $0x0  }
0xad: {  	s8 =	sadd.s32 $0x2968, s1;
	[sflag:s26] =	ssyncadd.s32 $0xFFFFCE00  }
0xae: {  	[spmem:s2] =	stream.indirect.scatter.add.s16 [tilespmem:s21], [sflag:$0x9], $0x40, s8, s18, $0xb8;
	[tilespmem:$0x1E460] =	vst v63  }
0xaf: {  	_ =	swait.ge [sflag:s28], $0x3200  }
0xb0: {  	[sflag:s28] =	ssyncset.done $0x0  }
0xb1: {  	s1 =	sadd.s32 $0x2A30, s1;
	[sflag:s28] =	ssyncadd.s32 $0xFFFFCE00  }
0xb2: {  	[spmem:s2] =	stream.indirect.scatter.add.s16 [tilespmem:s22], [sflag:$0xA], $0x40, s1, s18, $0xb8;
	[tilespmem:$0x1E460] =	vst v63  }
0xb3: {  	_ =	swait.ge [sflag:s29], $0x3200  }
0xb4: {  	[sflag:s29] =	ssyncset.done $0x0  }
0xb5: {  	[sflag:s29] =	ssyncadd.s32 $0xFFFFCE00  }
0xb6: {  	_ =	swait.ge [sflag:s30], $0x3200  }
0xb7: {  	[sflag:s30] =	ssyncset.done $0x0  }
0xb8: {  	[sflag:s30] =	ssyncadd.s32 $0xFFFFCE00  }
0xb9: {  	_ =	swait.ge [sflag:s31], $0x3200  }
0xba: {  	[sflag:s31] =	ssyncset.done $0x0  }
0xbb: {  	[sflag:s31] =	ssyncadd.s32 $0xFFFFCE00  }
0xbc: {  	_ =	swait.ge [sflag:s0], $0x3200  }
0xbd: {  	[sflag:s0] =	ssyncset.done $0x0  }
0xbe: {  	[sflag:s0] =	ssyncadd.s32 $0xFFFFCE00  }
0xbf: {  	_ =	swait.ge [sflag:s17], $0x3200  }
0xc0: {  	s7 =	stileid.u32;
	[sflag:s17] =	ssyncset.done $0x0  }
0xc1: {  	s1 =	sshll.u32 s7, $0x6;
	[sflag:s17] =	ssyncadd.s32 $0xFFFFCE00  }
0xc2: {  	s8 =	sshrl.u32 s5, $0x3;
	s1 =	sor.u32 $0x1C0B, s1;
	[bflag:$0x0] =	sbarrier.arrive $0xFFFF  }
0xc3: {  	[hbm:s12], [sflag:s1] =	dma.local [spmem:s8], $0x1380  }
0xc4: {  	_ =	swait.ge [sflag:s16], $0x1380  }
0xc5: {  	s3 =	sadd.s32 $0x1, s3;
	[sflag:s16] =	ssyncset.done $0x0  }
0xc6: {  	p1 =	sne.s32 s3, s14;
	s6 =	sshrl.u32 @!p0 s9, $0x3;
	[sflag:s16] =	ssyncadd.s32 $0xFFFFEC80  }
0xc7: {  	[hbm:s13], [sflag:s1] =	dma.local @!p0 [spmem:s6], $0x80  }
.Ltmp2:
0xc8: {  	_ = 	snop;
	(pc) =	sbr.rel @p1 .LBB2_1-.Ltmp2, $4  }
0xc9: {  	s1 =	simm.s32 @!p0 $0xB  }
0xca: {  	_ =	swait.ge @!p0 [sflag:s1], $0x80  }
0xcb: {  	[sflag:s1] =	ssyncset.done @!p0 $0x0  }
0xcc: {  	[sflag:s1] =	ssyncadd.s32 @!p0 $0xFFFFFF80  }
0xcd: {  	_ =	sfence.sel $0x180000  }
0xce: {  	[bflag:$0x0] =	sbarrier.arrive $0xFFFF  }
0xcf: {  	_ =	strace $0x9000004D  }
0xd0: {  	s0 =	stileid.u32;
	[bflag:$0x2] =	sbarrier.arrive $0xFFFF  }
0xd1: {  	p0 =	sne.s32 s0, $0x0;
	s0 =	rddreg [dreg:$0x2]  }
0xd2: {  	s0 =	sadd.s32 @!p0 $0x100000, s0  }
0xd3: {  	[sflag:s0] =	ssyncadd.tile.s32 @!p0 $0x1;
	_ =	shalt  }
.Lfunc_end2:
_tile_overlayer_lowered:
.L_overlay_start_2:
0xd4: {  	(tag) =	ssettag $0x2  }
0xd5: {  	s0 =	rddreg [dreg:$0x0];
	s2 =	stileid.u32  }
0xd6: {  	s1 =	rddreg [dreg:$0x1];
	p0 =	sne.s32 s2, $0x0  }
0xd7: {  	s3 =	rddreg [dreg:$0x2];
	[bflag:$0x3] =	sbarrier.arrive $0xFFFF;
	s2 =	simm.s32 @!p0 $0x1C0B  }
0xd8: {  	[timem:s3], [sflag:s2] =	dma.local @!p0 [hbm:s0], s1  }
0xd9: {  	s0 =	simm.s32 @!p0 $0xB  }
0xda: {  	_ =	swait.ge @!p0 [sflag:s0], s1  }
0xdb: {  	s1 =	ssub.s32 @!p0 $0x0, s1;
	[sflag:s0] =	ssyncset.done @!p0 $0x0  }
0xdc: {  	[sflag:s0] =	ssyncadd.s32 @!p0 s1  }
0xdd: {  	[bflag:$0x3] =	sbarrier.arrive $0xFFFF  }
0xde: {  	_ =	shalt  }

// kernel: kernel.9.cloned.1.call-start
scs
__scs_entry_jumppad:
0x0: {  	(pc) =	sbr.rel $0x88, $3  }
0x1: {  	(tag) =	ssettag $0x0;
	lr =	simm.s32 $0x1  }
0x2: {  	[smem:$0x3F97] =	sst lr;
	_ =	strace $0xD0000000  }
0x3: {  	_ = 	snop  }
0x4: {  	_ = 	snop  }
0x5: {  	_ = 	snop  }
0x6: {  	_ = 	snop  }
0x7: {  	_ = 	snop  }
__scs_overlays_trampoline_lowered:
0x8: {  	[smem:$0x3FA6] =	sst s0  }
0x9: {  	[smem:$0x3FA7] =	sst s1  }
0xa: {  	[smem:$0x3FA8] =	sst s2  }
0xb: {  	[smem:$0x3FA9] =	sst s3  }
0xc: {  	[smem:$0x3FAA] =	sst s4  }
0xd: {  	[smem:$0x3FAB] =	sst s5  }
0xe: {  	[smem:$0x3FAC] =	sst s6  }
0xf: {  	[smem:$0x3FAD] =	sst s7  }
0x10: {  	[smem:$0x3FAE] =	sst s8  }
0x11: {  	[smem:$0x3FAF] =	sst s9;
	s0 =	simm.s32 @!p0 $0x0  }
0x12: {  	s1 =	sld [smem:$0x3F95];
	s0 =	simm.s32 @p0 $0x1  }
0x13: {  	[smem:$0x3FB0] =	sst s0;
	s0 =	simm.s32 @!p1 $0x0  }
0x14: {  	s2 =	sld [smem:$0x3F94];
	s0 =	simm.s32 @p1 $0x1  }
0x15: {  	[smem:$0x3FB1] =	sst s0;
	s0 =	simm.s32 @!p2 $0x0  }
0x16: {  	s3 =	sld [smem:$0x3FDB];
	s0 =	simm.s32 @p2 $0x1  }
0x17: {  	s4 =	simm.s32 $0x1BF5;
	[smem:$0x3FB3] =	sst s0  }
0x18: {  	s0 =	sld [smem:$0x3F96];
	_ =	swait.ge [sflag:s4], $0x0  }
0x19: {  	s7 =	sld [smem:$0x3F97]  }
0x1a: {  	s8 =	sadd.s32 $0xFFFFE003, lr  }
0x1b: {  	s9 =	sadd.s32 $0xFFFFFEF7, lr;
	s5 =	simm.s32 $0xFFFFFFFF;
	p2 =	slt.u32 s8, $0xFFFFF086  }
0x1c: {  	p1 =	slt.u32 s9, $0xF7A;
	s5 =	simm.s32 @!p2 $0x0  }
0x1d: {  	s5 =	simm.s32 @p1 $0x1;
	p0 =	seq.s32 s7, s2  }
0x1e: {  	s7 =	smul.u32 @!p0 $0xF7A, s2;
	p2 =	seq.s32 @!p0 s5, $0x0  }
0x1f: {  	s9 =	smul.u32 $0xF7A, s1;
	s8 =	simm.s32 @!p0 $0x1BF5;
	p2 =	por !p2, p0  }
0x20: {  	[sflag:s8] =	ssyncset.s32 @!p0 $0xFFFFF086;
	s6 =	sadd.s32 @!p0 s3, s7;
	s7 =	simm.s32 @!p0 $0x108  }
0x21: {  	s3 =	sadd.s32 s3, s9;
	s6 =	sadd.s32 @!p0 $0x88, s6;
	s7 =	simm.s32 @p2 $0x1082  }
0x22: {  	[simem:s7], [sflag:s8] =	dma.local @!p0 [hbm:s6], $0xF7A  }
0x23: {  	s9 =	sor.u32 $0xD0000000, s2;
	s6 =	simm.s32 $0x108;
	_ =	swait.ge @!p0 [sflag:s8], $0x0  }
0x24: {  	s3 =	sadd.s32 $0x88, s3;
	s6 =	simm.s32 @!p1 $0x1082;
	[sflag:s4] =	ssyncset.s32 $0xFFFFF086  }
0x25: {  	[simem:s6], [sflag:s4] =	dma.local [hbm:s3], $0xF7A  }
0x26: {  	[smem:$0x3F97] =	sst s1;
	(tag) =	ssettag s2;
	_ =	strace s9  }
0x27: {  	s1 =	sld [smem:$0x3FA7]  }
0x28: {  	s2 =	sld [smem:$0x3FA8]  }
0x29: {  	s4 =	sld [smem:$0x3FAA]  }
0x2a: {  	p0 =	seq.s32 s5, $0x0;
	s5 =	sld [smem:$0x3FAB]  }
0x2b: {  	s6 =	sld [smem:$0x3FAC]  }
0x2c: {  	s7 =	sld [smem:$0x3FAD]  }
0x2d: {  	s3 =	simm.s32 $0x108;
	s8 =	sld [smem:$0x3FAE]  }
0x2e: {  	s3 =	simm.s32 @!p0 $0x1082;
	s9 =	sld [smem:$0x3FAF]  }
0x2f: {  	lr =	sadd.s32 s0, s3;
	s0 =	sld [smem:$0x3FA6]  }
0x30: {  	s3 =	sld [smem:$0x3FA9]  }
0x31: {  	[smem:$0x3FB2] =	sst s10  }
0x32: {  	s10 =	sld [smem:$0x3FB0];
	_ =	sdelay $0x3  }
0x33: {  	p0 =	seq.s32 s10, $0x1;
	s10 =	sld [smem:$0x3FB2];
	_ =	sdelay $0x3  }
0x34: {  	[smem:$0x3FB2] =	sst s10  }
0x35: {  	s10 =	sld [smem:$0x3FB1];
	_ =	sdelay $0x3  }
0x36: {  	p1 =	seq.s32 s10, $0x1;
	s10 =	sld [smem:$0x3FB2];
	_ =	sdelay $0x3  }
0x37: {  	[smem:$0x3FB2] =	sst s10  }
0x38: {  	s10 =	sld [smem:$0x3FB3]  }
0x39: {  	_ = 	snop;
	(pc) =	sbr.ind lr, $3  }
0x3a: {  	_ = 	snop  }
0x3b: {  	_ = 	snop  }
0x3c: {  	p2 =	seq.s32 s10, $0x1;
	s10 =	sld [smem:$0x3FB2]  }
0x3d: {  	_ =	shalt  }
0x3e: {  	_ =	shalt  }
0x3f: {  	_ =	shalt  }
0x40: {  	_ =	shalt  }
0x41: {  	_ =	shalt  }
0x42: {  	_ =	shalt  }
0x43: {  	_ =	shalt  }
0x44: {  	_ =	shalt  }
0x45: {  	_ =	shalt  }
0x46: {  	_ =	shalt  }
0x47: {  	_ =	shalt  }
0x48: {  	_ =	shalt  }
0x49: {  	_ =	shalt  }
0x4a: {  	_ =	shalt  }
0x4b: {  	_ =	shalt  }
0x4c: {  	_ =	shalt  }
0x4d: {  	_ =	shalt  }
0x4e: {  	_ =	shalt  }
0x4f: {  	_ =	shalt  }
0x50: {  	_ =	shalt  }
0x51: {  	_ =	shalt  }
0x52: {  	_ =	shalt  }
0x53: {  	_ =	shalt  }
0x54: {  	_ =	shalt  }
0x55: {  	_ =	shalt  }
0x56: {  	_ =	shalt  }
0x57: {  	_ =	shalt  }
0x58: {  	_ =	shalt  }
0x59: {  	_ =	shalt  }
0x5a: {  	_ =	shalt  }
0x5b: {  	_ =	shalt  }
0x5c: {  	_ =	shalt  }
0x5d: {  	_ =	shalt  }
0x5e: {  	_ =	shalt  }
0x5f: {  	_ =	shalt  }
0x60: {  	_ =	shalt  }
0x61: {  	_ =	shalt  }
0x62: {  	_ =	shalt  }
0x63: {  	_ =	shalt  }
0x64: {  	_ =	shalt  }
0x65: {  	_ =	shalt  }
0x66: {  	_ =	shalt  }
0x67: {  	_ =	shalt  }
0x68: {  	_ =	shalt  }
0x69: {  	_ =	shalt  }
0x6a: {  	_ =	shalt  }
0x6b: {  	_ =	shalt  }
0x6c: {  	_ =	shalt  }
0x6d: {  	_ =	shalt  }
0x6e: {  	_ =	shalt  }
0x6f: {  	_ =	shalt  }
0x70: {  	_ =	shalt  }
0x71: {  	_ =	shalt  }
0x72: {  	_ =	shalt  }
0x73: {  	_ =	shalt  }
0x74: {  	_ =	shalt  }
0x75: {  	_ =	shalt  }
0x76: {  	_ =	shalt  }
0x77: {  	_ =	shalt  }
0x78: {  	_ =	shalt  }
0x79: {  	_ =	shalt  }
0x7a: {  	_ =	shalt  }
0x7b: {  	_ =	shalt  }
0x7c: {  	_ =	shalt  }
0x7d: {  	_ =	shalt  }
0x7e: {  	_ =	shalt  }
0x7f: {  	_ =	shalt  }
0x80: {  	_ =	shalt  }
0x81: {  	_ =	shalt  }
0x82: {  	_ =	shalt  }
0x83: {  	_ =	shalt  }
0x84: {  	_ =	shalt  }
0x85: {  	_ =	shalt  }
0x86: {  	_ =	shalt  }
0x87: {  	_ =	shalt  }
.Lfunc_end0:
.L_simem_size_0:
called_computation_lowered:
.L_overlay_start_0:
0x88: {  	s2 =	sld [smem:$0x3FD9]  }
0x89: {  	s3 =	sld [smem:$0x3FFE];
	_ =	sdelay $0x1  }
0x8a: {  	s1 =	srdreg.scid  }
0x8b: {  	s0 =	sand.u32 $0x1, s1  }
0x8c: {  	s16 =	sshll.u32 s0, $0xA;
	s2 =	sadd.s32 s3, s2  }
0x8d: {  	s2 =	sadd.s32 s2, s16  }
0x8e: {  	[smem:$0x3FBE] =	sst s2  }
0x8f: {  	_ = 	snop  }
0x90: {  	(tm) =	ssettm $0x1  }
0x91: {  	s17 =	sld [smem:$0x3FFB];
	_ =	sdelay $0x3  }
0x92: {  	_ =	strace s17  }
0x93: {  	s2 =	sld [smem:$0x3FFC];
	_ =	sdelay $0x3  }
0x94: {  	_ =	strace s2  }
0x95: {  	s2 =	sld [smem:$0x3FFD];
	_ =	sdelay $0x3  }
0x96: {  	_ =	strace s2  }
0x97: {  	_ =	strace $0x8FFFFFFF  }
0x98: {  	s18 =	sld [smem:$0x3FDB];
	_ =	sdelay $0x1  }
0x99: {  	s19 =	simm.s32 $_scs_section_size  }
0x9a: {  	s4 =	simm.s32 $_size__tile_overlayer_lowered;
	s5 =	simm.s32 $_tile_overlayer_lowered  }
0x9b: {  	s22 =	simm.s32 $0x1BFF;
	s21 =	sshll.u32 s5, $0x1;
	s2 =	sadd.s32 s19, s18  }
0x9c: {  	s6 =	simm.s32 $0x0;
	s20 =	sshll.u32 s4, $0x1;
	s4 =	sadd.s32 s21, s2  }
0x9d: {  	[timem:s6], [sflag:s22] =	dma.local [hbm:s4], s20  }
0x9e: {  	_ =	swait.ge [sflag:s22], s20  }
0x9f: {  	s3 =	ssub.s32 $0x0, s20;
	[sflag:s22] =	ssyncset.done $0x0  }
0xa0: {  	[sflag:s22] =	ssyncadd.s32 s3;
	_ =	sdelay $0x1  }
0xa1: {  	s23 =	simm.s32 $0x1B8B  }
0xa2: {  	_ =	swait.ge [sflag:s23], $0x1  }
0xa3: {  	[sflag:s23] =	ssyncset.done $0x0  }
0xa4: {  	s25 =	simm.s32 $0x1B8E;
	s24 =	sld [smem:$0x3FFE];
	[sflag:s23] =	ssyncadd.s32 $0xFFFFFFFF  }
0xa5: {  	s26 =	simm.s32 $execute0_lowered;
	[smem:$0x3FD2] =	sst s25  }
0xa6: {  	s4 =	sshll.u32 s26, $0x1;
	_ =	strace $0x80000046;
	[dreg:$0x1] =	wrdreg $0xFFFFFFFF  }
0xa7: {  	s28 =	simm.s32 $_size_execute0_lowered;
	s2 =	sadd.s32 s2, s4;
	[dreg:$0x0] =	wrdreg $0x0  }
0xa8: {  	s4 =	sshll.u32 s28, $0x1;
	[dreg:$0x2] =	wrdreg s2  }
0xa9: {  	[dreg:$0x3] =	wrdreg s4  }
0xaa: {  	[dreg:$0x4] =	wrdreg $0xC0  }
0xab: {  	_ =	task [dreg:s6], $0x5FFFF  }
0xac: {  	[dreg:$0x1] =	wrdreg $0xFFFFFFFF  }
0xad: {  	[dreg:$0x0] =	wrdreg $0x60  }
0xae: {  	[dreg:$0x2] =	wrdreg s24  }
0xaf: {  	[dreg:$0x3] =	wrdreg $0x148200  }
0xb0: {  	[dreg:$0x4] =	wrdreg $0x9  }
0xb1: {  	_ =	task.clear_ibuf [dreg:s6], $0x5FFFF;
	_ =	strace $0x90000046  }
0xb2: {  	s29 =	simm.s32 $0x9;
	_ =	strace $0x80000048  }
0xb3: {  	_ =	swait.ge [sflag:s29], $0x1  }
0xb4: {  	[sflag:s29] =	ssyncadd.s32 $0xFFFFFFFF  }
0xb5: {  	_ =	strace $0x90000048  }
0xb6: {  	_ =	sfence  }
0xb7: {  	s30 =	sld [smem:$0x0];
	_ =	sdelay $0x2  }
0xb8: {  	s31 =	sshll.u32 s1, $0xD;
	s1 =	sshrl.u32 s1, $0x2  }
0xb9: {  	s3 =	sand.u32 $0x4000, s31;
	s1 =	sadd.s32 s1, s30  }
0xba: {  	s0 =	sor.u32 s3, s0;
	s1 =	sshll.u32 s1, $0x11  }
0xbb: {  	s0 =	sor.u32 s1, s0  }
0xbc: {  	s0 =	sadd.s32 $0x8F2B, s0  }
0xbd: {  	[sflag:s0] =	ssyncadd.remote.s32 $0x1  }
0xbe: {  	_ =	sfence.sel $0xFFFF  }
0xbf: {  	[dreg:$0x0] =	wrdreg $0xFFFFFFFF;
	(pc) =	sbr.abs _section_cstart, $3  }
0xc0: {  	[dreg:$0x1] =	wrdreg $0xFFFFFFFF  }
0xc1: {  	_ =	task.clear_ibuf [dreg:s6], $0x2FFFF;
	_ =	strace $0x9FFFFFFF  }
0xc2: {  	(tm) =	ssettm $0x7FFFFFFF  }
0xc3: {  	_ =	shalt  }
tec
execute0_lowered:
.L_overlay_start_1:
0x0: {  	(tag) =	ssettag $0x1  }
0x1: {  	s0 =	srdreg.scid;
	s1 =	rddreg [dreg:$0x0]  }
0x2: {  	s2 =	rddreg [dreg:$0x1];
	s15 =	stileid.u32;
	s3 =	simm.s32 $0x0  }
0x3: {  	s16 =	simm.s32 $0xB;
	s18 =	simm.s32 $0xC8;
	s19 =	simm.s32 $0x8020  }
0x4: {  	s28 =	simm.s32 $0x5;
	s29 =	simm.s32 $0x6;
	s30 =	simm.s32 $0x7  }
0x5: {  	s31 =	simm.s32 $0x8;
	s17 =	simm.s32 $0xA;
	s7 =	smul.u32 $0x27000, s15  }
0x6: {  	s0 =	sand.u32 $0x1, s0;
	[smem:$0x7FF] =	sst s3;
	s10 =	smul.u32 $0x13800, s15  }
0x7: {  	p0 =	sne.s32 s15, $0xF;
	s4 =	sshll.u32 s0, $0x4;
	_ =	strace $0x80000047  }
0x8: {  	s6 =	ssub.s32 $0x2, s0;
	s0 =	smul.u32 $0x138800, s0;
	s4 =	sor.u32 s15, s4  }
0x9: {  	s20 =	sshrl.u32 s6, $0x1;
	s21 =	sshrl.u32 s7, $0x2;
	s22 =	sshrl.u32 s10, $0x1  }
0xa: {  	s15 =	simm.s32 $0x4E20;
	s5 =	smul.u32 $0x2710, s4;
	s4 =	sadd.s32 $0x15C00, s1  }
0xb: {  	s6 =	ssub.s32 s6, s20;
	s9 =	sadd.s32 s21, s2;
	s26 =	sadd.s32 s10, s0  }
0xc: {  	s0 =	sshrl.u32 s0, $0x4;
	s20 =	simm.s32 $0xB220;
	s21 =	simm.s32 $0xE420  }
0xd: {  	s23 =	sadd.s32 $0x3200, s9;
	s24 =	sadd.s32 $0x6400, s9;
	s25 =	sadd.s32 $0x9600, s9  }
0xe: {  	s9 =	sadd.s32 $0x9C000, s2;
	s7 =	sshrl.u32 s26, $0x4;
	[dreg:$0x3] =	wrdreg s23  }
0xf: {  	s14 =	smax.u32 s6, $0x1;
	s26 =	simm.s32 $0x4;
	[dreg:$0x4] =	wrdreg s24  }
0x10: {  	s5 =	sshrl.u32 s5, $0x3;
	[dreg:$0x5] =	wrdreg s25;
	s23 =	simm.s32 $0x1  }
0x11: {  	s24 =	simm.s32 $0x2;
	s25 =	simm.s32 $0x3;
	s8 =	sadd.s32 s5, s1  }
0x12: {  	s1 =	sadd.s32 $0x29600, s1;
	s5 =	sadd.s32 s22, s2;
	s22 =	simm.s32 $0x11620  }
0x13: {  	s10 =	sadd.s32 $0x2200, s8;
	s11 =	sadd.s32 $0xBE40, s8;
	s0 =	sadd.s32 s1, s0  }
0x14: {  	v0 =	vimm.s32 $0x0;
	s12 =	sadd.s32 s1, s7;
	s13 =	sadd.s32 $0x13800, s0;
	s0 =	simm.s32 $0x9  }
.LBB2_1:
0x15: {  	s6 =	simm.s32 $0x100;
	s1 =	simm.s32 $0x0  }
.LBB2_2:
0x16: {  	p1 =	sne.s32 s6, $0xC700;
	[tilespmem:s1+$0x4E50] =	vst v0;
	s7 =	smov.u32 s6;
	s6 =	sadd.s32 $0x100, s6  }
.Ltmp0:
0x17: {  	[tilespmem:s1+$0x4E40] =	vst v0;
	(pc) =	sbr.rel @p1 .LBB2_2-.Ltmp0, $3  }
0x18: {  	[tilespmem:s1+$0x4E20] =	vst v0  }
0x19: {  	[tilespmem:s1+$0x4E30] =	vst v0;
	_ =	sdelay $0x1  }
0x1a: {  	s1 =	sshra.s32 s7, $0x2  }
0x1b: {  	[tilespmem:s1+$0x4E50] =	vst v0  }
0x1c: {  	[tilespmem:s1+$0x4E40] =	vst v0  }
0x1d: {  	[tilespmem:s1+$0x4E20] =	vst v0  }
0x1e: {  	[tilespmem:s1+$0x4E30] =	vst v0  }
0x1f: {  	[spmem:s5] =	stream.linear.scatter [tilespmem:s15], [sflag:$0xB], $0x3200, $0x38;
	[tilespmem:$0x1E460] =	vst v63  }
0x20: {  	_ =	swait.ge [sflag:s16], $0x3200  }
0x21: {  	[sflag:s16] =	ssyncset.done $0x0  }
0x22: {  	s7 =	rddreg [dreg:$0x3];
	[sflag:s16] =	ssyncadd.s32 $0xFFFFCE00  }
0x23: {  	[spmem:s7] =	stream.linear.scatter [tilespmem:s15], [sflag:$0xB], $0x3200, $0x38;
	[tilespmem:$0x1E460] =	vst v63  }
0x24: {  	_ =	swait.ge [sflag:s16], $0x3200  }
0x25: {  	[sflag:s16] =	ssyncset.done $0x0  }
0x26: {  	s8 =	rddreg [dreg:$0x4];
	[sflag:s16] =	ssyncadd.s32 $0xFFFFCE00  }
0x27: {  	[spmem:s8] =	stream.linear.scatter [tilespmem:s15], [sflag:$0xB], $0x3200, $0x38;
	[tilespmem:$0x1E460] =	vst v63  }
0x28: {  	_ =	swait.ge [sflag:s16], $0x3200  }
0x29: {  	[sflag:s16] =	ssyncset.done $0x0  }
0x2a: {  	s6 =	rddreg [dreg:$0x5];
	[sflag:s16] =	ssyncadd.s32 $0xFFFFCE00  }
0x2b: {  	[spmem:s6] =	stream.linear.scatter [tilespmem:s15], [sflag:$0xB], $0x600, $0x38;
	[tilespmem:$0x1E460] =	vst v63  }
0x2c: {  	_ =	swait.ge [sflag:s16], $0x600  }
0x2d: {  	[sflag:s16] =	ssyncset.done $0x0  }
0x2e: {  	s1 =	simm.s32 @!p0 $0x4E20;
	[sflag:s16] =	ssyncadd.s32 $0xFFFFFA00  }
0x2f: {  	[spmem:s9] =	stream.linear.scatter @!p0 [tilespmem:s1], [sflag:$0xB], $0x400, $0x38;
	[tilespmem:$0x1E460] =	vst v63  }
0x30: {  	s1 =	simm.s32 @!p0 $0xB  }
0x31: {  	_ =	swait.ge @!p0 [sflag:s1], $0x400  }
0x32: {  	[sflag:s1] =	ssyncset.done @!p0 $0x0  }
0x33: {  	s7 =	simm.s32 $0x0;
	[sflag:s1] =	ssyncadd.s32 @!p0 $0xFFFFFC00  }
0x34: {  	[tilespmem:s7], [sflag:$0xB] =	stream.linear.gather [hbm4b:s10+s7], $0x2710, $0x38;
	[tilespmem:$0x1E460] =	vst v63  }
0x35: {  	_ =	swait.ge [sflag:s16], $0x2710  }
0x36: {  	[sflag:s16] =	ssyncset.done $0x0  }
0x37: {  	s6 =	simm.s32 $0x2710;
	[sflag:s16] =	ssyncadd.s32 $0xFFFFD8F0  }
0x38: {  	[tilespmem:s6], [sflag:$0xB] =	stream.linear.gather [hbm4b:s11+s7], $0x2710, $0x38;
	[tilespmem:$0x1E460] =	vst v63  }
0x39: {  	_ =	swait.ge [sflag:s16], $0x2710  }
0x3a: {  	[sflag:s16] =	ssyncset.done $0x0  }
0x3b: {  	[sflag:s16] =	ssyncadd.s32 $0xFFFFD8F0  }
0x3c: {  	s8 =	simm.s32 $0x0;
	[bflag:$0x0] =	sbarrier.arrive $0xFFFF  }
0x3d: {  	[tilespmem:s15], [sflag:$0x1] =	stream.indirect.gather [hbm4b:s4+s18], $0x40, s8, s18, $0xb8;
	[tilespmem:$0x1E460] =	vst v63  }
0x3e: {  	s6 =	simm.s32 $0xC8  }
0x3f: {  	[tilespmem:s19], [sflag:$0x2] =	stream.indirect.gather [hbm4b:s4+s18], $0x40, s6, s18, $0xb8;
	[tilespmem:$0x1E460] =	vst v63  }
0x40: {  	s7 =	simm.s32 $0x190  }
0x41: {  	[tilespmem:s20], [sflag:$0x3] =	stream.indirect.gather [hbm4b:s4+s18], $0x40, s7, s18, $0xb8;
	[tilespmem:$0x1E460] =	vst v63  }
0x42: {  	s8 =	simm.s32 $0x258  }
0x43: {  	[tilespmem:s21], [sflag:$0x4] =	stream.indirect.gather [hbm4b:s4+s18], $0x40, s8, s18, $0xb8;
	[tilespmem:$0x1E460] =	vst v63  }
0x44: {  	s6 =	simm.s32 $0x320  }
0x45: {  	[tilespmem:s22], [sflag:$0x5] =	stream.indirect.gather [hbm4b:s4+s18], $0x40, s6, s18, $0xb8;
	[tilespmem:$0x1E460] =	vst v63  }
0x46: {  	_ =	swait.ge [sflag:s23], $0x3200  }
0x47: {  	[sflag:s23] =	ssyncset.done $0x0  }
0x48: {  	s7 =	simm.s32 $0x2710;
	[sflag:s23] =	ssyncadd.s32 $0xFFFFCE00  }
0x49: {  	[spmem:s2] =	stream.indirect.scatter.add.s16 [tilespmem:s15], [sflag:$0x6], $0x40, s7, s18, $0xb8;
	[tilespmem:$0x1E460] =	vst v63  }
0x4a: {  	_ =	swait.ge [sflag:s24], $0x3200  }
0x4b: {  	[sflag:s24] =	ssyncset.done $0x0  }
0x4c: {  	s8 =	simm.s32 $0x27D8;
	[sflag:s24] =	ssyncadd.s32 $0xFFFFCE00  }
0x4d: {  	[spmem:s2] =	stream.indirect.scatter.add.s16 [tilespmem:s19], [sflag:$0x7], $0x40, s8, s18, $0xb8;
	[tilespmem:$0x1E460] =	vst v63  }
0x4e: {  	_ =	swait.ge [sflag:s25], $0x3200  }
0x4f: {  	[sflag:s25] =	ssyncset.done $0x0  }
0x50: {  	s6 =	simm.s32 $0x28A0;
	[sflag:s25] =	ssyncadd.s32 $0xFFFFCE00  }
0x51: {  	[spmem:s2] =	stream.indirect.scatter.add.s16 [tilespmem:s20], [sflag:$0x8], $0x40, s6, s18, $0xb8;
	[tilespmem:$0x1E460] =	vst v63  }
0x52: {  	_ =	swait.ge [sflag:s26], $0x3200  }
0x53: {  	[sflag:s26] =	ssyncset.done $0x0  }
0x54: {  	s7 =	simm.s32 $0x2968;
	[sflag:s26] =	ssyncadd.s32 $0xFFFFCE00  }
0x55: {  	[spmem:s2] =	stream.indirect.scatter.add.s16 [tilespmem:s21], [sflag:$0x9], $0x40, s7, s18, $0xb8;
	[tilespmem:$0x1E460] =	vst v63  }
0x56: {  	_ =	swait.ge [sflag:s28], $0x3200  }
0x57: {  	[sflag:s28] =	ssyncset.done $0x0  }
0x58: {  	s8 =	simm.s32 $0x2A30;
	[sflag:s28] =	ssyncadd.s32 $0xFFFFCE00  }
0x59: {  	[spmem:s2] =	stream.indirect.scatter.add.s16 [tilespmem:s22], [sflag:$0xA], $0x40, s8, s18, $0xb8;
	[tilespmem:$0x1E460] =	vst v63  }
0x5a: {  	_ =	swait.ge [sflag:s29], $0x3200  }
0x5b: {  	[sflag:s29] =	ssyncset.done $0x0  }
0x5c: {  	[sflag:s29] =	ssyncadd.s32 $0xFFFFCE00  }
0x5d: {  	_ =	swait.ge [sflag:s30], $0x3200  }
0x5e: {  	[sflag:s30] =	ssyncset.done $0x0  }
0x5f: {  	[sflag:s30] =	ssyncadd.s32 $0xFFFFCE00  }
0x60: {  	_ =	swait.ge [sflag:s31], $0x3200  }
0x61: {  	[sflag:s31] =	ssyncset.done $0x0  }
0x62: {  	[sflag:s31] =	ssyncadd.s32 $0xFFFFCE00  }
0x63: {  	_ =	swait.ge [sflag:s0], $0x3200  }
0x64: {  	[sflag:s0] =	ssyncset.done $0x0  }
0x65: {  	[sflag:s0] =	ssyncadd.s32 $0xFFFFCE00  }
0x66: {  	_ =	swait.ge [sflag:s17], $0x3200  }
0x67: {  	s1 =	simm.s32 $0xFA0;
	s6 =	simm.s32 $0x1F40;
	[sflag:s17] =	ssyncset.done $0x0  }
.LBB2_4:
0x68: {  	s7 =	sshra.s32 s1, $0x2  }
0x69: {  	[sflag:s17] =	ssyncadd.s32 $0xFFFFCE00;
	s1 =	smov.u32 s6;
	s8 =	sadd.s32 $0xFA0, s6  }
0x6a: {  	[tilespmem:s15], [sflag:$0x1] =	stream.indirect.gather [hbm4b:s4+s18], $0x40, s7, s18, $0xb8;
	[tilespmem:$0x1E460] =	vst v63  }
0x6b: {  	p1 =	sne.s32 s6, $0x8CA0;
	s6 =	sadd.s32 $0xC8, s7  }
0x6c: {  	[tilespmem:s19], [sflag:$0x2] =	stream.indirect.gather [hbm4b:s4+s18], $0x40, s6, s18, $0xb8;
	[tilespmem:$0x1E460] =	vst v63  }
0x6d: {  	s6 =	sadd.s32 $0x190, s7  }
0x6e: {  	[tilespmem:s20], [sflag:$0x3] =	stream.indirect.gather [hbm4b:s4+s18], $0x40, s6, s18, $0xb8;
	[tilespmem:$0x1E460] =	vst v63  }
0x6f: {  	s6 =	sadd.s32 $0x258, s7  }
0x70: {  	[tilespmem:s21], [sflag:$0x4] =	stream.indirect.gather [hbm4b:s4+s18], $0x40, s6, s18, $0xb8;
	[tilespmem:$0x1E460] =	vst v63  }
0x71: {  	s6 =	sadd.s32 $0x320, s7  }
0x72: {  	[tilespmem:s22], [sflag:$0x5] =	stream.indirect.gather [hbm4b:s4+s18], $0x40, s6, s18, $0xb8;
	[tilespmem:$0x1E460] =	vst v63  }
0x73: {  	_ =	swait.ge [sflag:s23], $0x3200  }
0x74: {  	[sflag:s23] =	ssyncset.done $0x0  }
0x75: {  	s6 =	sadd.s32 $0x2710, s7;
	[sflag:s23] =	ssyncadd.s32 $0xFFFFCE00  }
0x76: {  	[spmem:s2] =	stream.indirect.scatter.add.s16 [tilespmem:s15], [sflag:$0x6], $0x40, s6, s18, $0xb8;
	[tilespmem:$0x1E460] =	vst v63  }
0x77: {  	_ =	swait.ge [sflag:s24], $0x3200  }
0x78: {  	[sflag:s24] =	ssyncset.done $0x0  }
0x79: {  	s6 =	sadd.s32 $0x27D8, s7;
	[sflag:s24] =	ssyncadd.s32 $0xFFFFCE00  }
0x7a: {  	[spmem:s2] =	stream.indirect.scatter.add.s16 [tilespmem:s19], [sflag:$0x7], $0x40, s6, s18, $0xb8;
	[tilespmem:$0x1E460] =	vst v63  }
0x7b: {  	_ =	swait.ge [sflag:s25], $0x3200  }
0x7c: {  	[sflag:s25] =	ssyncset.done $0x0  }
0x7d: {  	s6 =	sadd.s32 $0x28A0, s7;
	[sflag:s25] =	ssyncadd.s32 $0xFFFFCE00  }
0x7e: {  	[spmem:s2] =	stream.indirect.scatter.add.s16 [tilespmem:s20], [sflag:$0x8], $0x40, s6, s18, $0xb8;
	[tilespmem:$0x1E460] =	vst v63  }
0x7f: {  	_ =	swait.ge [sflag:s26], $0x3200  }
0x80: {  	[sflag:s26] =	ssyncset.done $0x0  }
0x81: {  	s6 =	sadd.s32 $0x2968, s7;
	[sflag:s26] =	ssyncadd.s32 $0xFFFFCE00  }
0x82: {  	[spmem:s2] =	stream.indirect.scatter.add.s16 [tilespmem:s21], [sflag:$0x9], $0x40, s6, s18, $0xb8;
	[tilespmem:$0x1E460] =	vst v63  }
0x83: {  	_ =	swait.ge [sflag:s28], $0x3200  }
0x84: {  	[sflag:s28] =	ssyncset.done $0x0  }
0x85: {  	s6 =	sadd.s32 $0x2A30, s7;
	[sflag:s28] =	ssyncadd.s32 $0xFFFFCE00  }
0x86: {  	[spmem:s2] =	stream.indirect.scatter.add.s16 [tilespmem:s22], [sflag:$0xA], $0x40, s6, s18, $0xb8;
	[tilespmem:$0x1E460] =	vst v63  }
0x87: {  	_ =	swait.ge [sflag:s29], $0x3200  }
0x88: {  	[sflag:s29] =	ssyncset.done $0x0  }
0x89: {  	[sflag:s29] =	ssyncadd.s32 $0xFFFFCE00  }
0x8a: {  	_ =	swait.ge [sflag:s30], $0x3200  }
0x8b: {  	[sflag:s30] =	ssyncset.done $0x0  }
0x8c: {  	[sflag:s30] =	ssyncadd.s32 $0xFFFFCE00  }
0x8d: {  	_ =	swait.ge [sflag:s31], $0x3200  }
0x8e: {  	[sflag:s31] =	ssyncset.done $0x0  }
0x8f: {  	[sflag:s31] =	ssyncadd.s32 $0xFFFFCE00  }
.Ltmp1:
0x90: {  	_ =	swait.ge [sflag:s0], $0x3200;
	(pc) =	sbr.rel @p1 .LBB2_4-.Ltmp1, $4  }
0x91: {  	[sflag:s0] =	ssyncset.done $0x0  }
0x92: {  	[sflag:s0] =	ssyncadd.s32 $0xFFFFCE00  }
0x93: {  	_ =	swait.ge [sflag:s17], $0x3200  }
0x94: {  	s6 =	smov.u32 s8;
	[sflag:s17] =	ssyncset.done $0x0  }
0x95: {  	s1 =	sshra.s32 s1, $0x2;
	[sflag:s17] =	ssyncadd.s32 $0xFFFFCE00  }
0x96: {  	[tilespmem:s15], [sflag:$0x1] =	stream.indirect.gather [hbm4b:s4+s18], $0x40, s1, s18, $0xb8;
	[tilespmem:$0x1E460] =	vst v63  }
0x97: {  	s6 =	sadd.s32 $0xC8, s1  }
0x98: {  	[tilespmem:s19], [sflag:$0x2] =	stream.indirect.gather [hbm4b:s4+s18], $0x40, s6, s18, $0xb8;
	[tilespmem:$0x1E460] =	vst v63  }
0x99: {  	s8 =	sadd.s32 $0x190, s1  }
0x9a: {  	[tilespmem:s20], [sflag:$0x3] =	stream.indirect.gather [hbm4b:s4+s18], $0x40, s8, s18, $0xb8;
	[tilespmem:$0x1E460] =	vst v63  }
0x9b: {  	s7 =	sadd.s32 $0x258, s1  }
0x9c: {  	[tilespmem:s21], [sflag:$0x4] =	stream.indirect.gather [hbm4b:s4+s18], $0x40, s7, s18, $0xb8;
	[tilespmem:$0x1E460] =	vst v63  }
0x9d: {  	s8 =	sadd.s32 $0x320, s1  }
0x9e: {  	[tilespmem:s22], [sflag:$0x5] =	stream.indirect.gather [hbm4b:s4+s18], $0x40, s8, s18, $0xb8;
	[tilespmem:$0x1E460] =	vst v63  }
0x9f: {  	_ =	swait.ge [sflag:s23], $0x3200  }
0xa0: {  	[sflag:s23] =	ssyncset.done $0x0  }
0xa1: {  	s7 =	sadd.s32 $0x2710, s1;
	[sflag:s23] =	ssyncadd.s32 $0xFFFFCE00  }
0xa2: {  	[spmem:s2] =	stream.indirect.scatter.add.s16 [tilespmem:s15], [sflag:$0x6], $0x40, s7, s18, $0xb8;
	[tilespmem:$0x1E460] =	vst v63  }
0xa3: {  	_ =	swait.ge [sflag:s24], $0x3200  }
0xa4: {  	[sflag:s24] =	ssyncset.done $0x0  }
0xa5: {  	s8 =	sadd.s32 $0x27D8, s1;
	[sflag:s24] =	ssyncadd.s32 $0xFFFFCE00  }
0xa6: {  	[spmem:s2] =	stream.indirect.scatter.add.s16 [tilespmem:s19], [sflag:$0x7], $0x40, s8, s18, $0xb8;
	[tilespmem:$0x1E460] =	vst v63  }
0xa7: {  	_ =	swait.ge [sflag:s25], $0x3200  }
0xa8: {  	[sflag:s25] =	ssyncset.done $0x0  }
0xa9: {  	s7 =	sadd.s32 $0x28A0, s1;
	[sflag:s25] =	ssyncadd.s32 $0xFFFFCE00  }
0xaa: {  	[spmem:s2] =	stream.indirect.scatter.add.s16 [tilespmem:s20], [sflag:$0x8], $0x40, s7, s18, $0xb8;
	[tilespmem:$0x1E460] =	vst v63  }
0xab: {  	_ =	swait.ge [sflag:s26], $0x3200  }
0xac: {  	[sflag:s26] =	ssyncset.done $0x0  }
0xad: {  	s8 =	sadd.s32 $0x2968, s1;
	[sflag:s26] =	ssyncadd.s32 $0xFFFFCE00  }
0xae: {  	[spmem:s2] =	stream.indirect.scatter.add.s16 [tilespmem:s21], [sflag:$0x9], $0x40, s8, s18, $0xb8;
	[tilespmem:$0x1E460] =	vst v63  }
0xaf: {  	_ =	swait.ge [sflag:s28], $0x3200  }
0xb0: {  	[sflag:s28] =	ssyncset.done $0x0  }
0xb1: {  	s1 =	sadd.s32 $0x2A30, s1;
	[sflag:s28] =	ssyncadd.s32 $0xFFFFCE00  }
0xb2: {  	[spmem:s2] =	stream.indirect.scatter.add.s16 [tilespmem:s22], [sflag:$0xA], $0x40, s1, s18, $0xb8;
	[tilespmem:$0x1E460] =	vst v63  }
0xb3: {  	_ =	swait.ge [sflag:s29], $0x3200  }
0xb4: {  	[sflag:s29] =	ssyncset.done $0x0  }
0xb5: {  	[sflag:s29] =	ssyncadd.s32 $0xFFFFCE00  }
0xb6: {  	_ =	swait.ge [sflag:s30], $0x3200  }
0xb7: {  	[sflag:s30] =	ssyncset.done $0x0  }
0xb8: {  	[sflag:s30] =	ssyncadd.s32 $0xFFFFCE00  }
0xb9: {  	_ =	swait.ge [sflag:s31], $0x3200  }
0xba: {  	[sflag:s31] =	ssyncset.done $0x0  }
0xbb: {  	[sflag:s31] =	ssyncadd.s32 $0xFFFFCE00  }
0xbc: {  	_ =	swait.ge [sflag:s0], $0x3200  }
0xbd: {  	[sflag:s0] =	ssyncset.done $0x0  }
0xbe: {  	[sflag:s0] =	ssyncadd.s32 $0xFFFFCE00  }
0xbf: {  	_ =	swait.ge [sflag:s17], $0x3200  }
0xc0: {  	s7 =	stileid.u32;
	[sflag:s17] =	ssyncset.done $0x0  }
0xc1: {  	s1 =	sshll.u32 s7, $0x6;
	[sflag:s17] =	ssyncadd.s32 $0xFFFFCE00  }
0xc2: {  	s8 =	sshrl.u32 s5, $0x3;
	s1 =	sor.u32 $0x1C0B, s1;
	[bflag:$0x0] =	sbarrier.arrive $0xFFFF  }
0xc3: {  	[hbm:s12], [sflag:s1] =	dma.local [spmem:s8], $0x1380  }
0xc4: {  	_ =	swait.ge [sflag:s16], $0x1380  }
0xc5: {  	s3 =	sadd.s32 $0x1, s3;
	[sflag:s16] =	ssyncset.done $0x0  }
0xc6: {  	p1 =	sne.s32 s3, s14;
	s6 =	sshrl.u32 @!p0 s9, $0x3;
	[sflag:s16] =	ssyncadd.s32 $0xFFFFEC80  }
0xc7: {  	[hbm:s13], [sflag:s1] =	dma.local @!p0 [spmem:s6], $0x80  }
.Ltmp2:
0xc8: {  	_ = 	snop;
	(pc) =	sbr.rel @p1 .LBB2_1-.Ltmp2, $4  }
0xc9: {  	s1 =	simm.s32 @!p0 $0xB  }
0xca: {  	_ =	swait.ge @!p0 [sflag:s1], $0x80  }
0xcb: {  	[sflag:s1] =	ssyncset.done @!p0 $0x0  }
0xcc: {  	[sflag:s1] =	ssyncadd.s32 @!p0 $0xFFFFFF80  }
0xcd: {  	_ =	sfence.sel $0x180000  }
0xce: {  	[bflag:$0x0] =	sbarrier.arrive $0xFFFF  }
0xcf: {  	_ =	strace $0x90000047  }
0xd0: {  	s0 =	stileid.u32;
	[bflag:$0x2] =	sbarrier.arrive $0xFFFF  }
0xd1: {  	p0 =	sne.s32 s0, $0x0;
	s0 =	rddreg [dreg:$0x2]  }
0xd2: {  	s0 =	sadd.s32 @!p0 $0x100000, s0  }
0xd3: {  	[sflag:s0] =	ssyncadd.tile.s32 @!p0 $0x1;
	_ =	shalt  }
.Lfunc_end2:
_tile_overlayer_lowered:
.L_overlay_start_2:
0xd4: {  	(tag) =	ssettag $0x2  }
0xd5: {  	s0 =	rddreg [dreg:$0x0];
	s2 =	stileid.u32  }
0xd6: {  	s1 =	rddreg [dreg:$0x1];
	p0 =	sne.s32 s2, $0x0  }
0xd7: {  	s3 =	rddreg [dreg:$0x2];
	[bflag:$0x3] =	sbarrier.arrive $0xFFFF;
	s2 =	simm.s32 @!p0 $0x1C0B  }
0xd8: {  	[timem:s3], [sflag:s2] =	dma.local @!p0 [hbm:s0], s1  }
0xd9: {  	s0 =	simm.s32 @!p0 $0xB  }
0xda: {  	_ =	swait.ge @!p0 [sflag:s0], s1  }
0xdb: {  	s1 =	ssub.s32 @!p0 $0x0, s1;
	[sflag:s0] =	ssyncset.done @!p0 $0x0  }
0xdc: {  	[sflag:s0] =	ssyncadd.s32 @!p0 s1  }
0xdd: {  	[bflag:$0x3] =	sbarrier.arrive $0xFFFF  }
0xde: {  	_ =	shalt  }

</sc_bundles>
